<compile_context>
chip_gen: v7x
topology: tpu7x:2x2x1
jax: 0.10.2.dev20260603
libtpu: 0.0.44.dev20260713+nightly
codegen_flags: <defaults>
</compile_context>

<pallas_src>
import jax
import jax.numpy as jnp
from jax import lax
from jax.experimental import pallas as pl
from jax.experimental.pallas import tpu as pltpu
from jax.experimental.pallas import tpu_sc as plsc

MAP_CELLS = 400
N_BINS = MAP_CELLS * MAP_CELLS
DUMP = N_BINS
BINS_PAD = 160256
ZSLICE = BINS_PAD // 16
OSLICE = N_BINS // 16

WR0 = 120
WRN = 160
WC0 = 128
WCN = 144
WSZ = WRN * WCN

NW = 32
CHUNK = 2048
GROUPS = CHUNK // 16
N_CHUNKS = 16
PW = CHUNK * N_CHUNKS
NP = NW * PW

MAGIC = 12582912.0
CELL = 0.1
SHIFT = 200.0


def _sc_body(xh, yh, zh, outg, outw, xv0, yv0, zv0, xv1, yv1, zv1,
             idxrow, onesv, wbuf, obuf, hist, sem0, sem1):
    c = lax.axis_index("c")
    s = lax.axis_index("s")
    wid = c * 16 + s
    base = wid * PW

    ones16 = jnp.ones((16,), jnp.float32)
    zeros16 = jnp.zeros((16,), jnp.float32)
    for i in range(8):
        onesv[pl.ds(16 * i, 16)] = ones16

    def _zero(i, carry):
        wbuf[pl.ds(i * 16, 16)] = zeros16
        return carry

    lax.fori_loop(0, WSZ // 16, _zero, None)
    pltpu.sync_copy(wbuf.at[pl.ds(0, ZSLICE)], hist.at[pl.ds(s * ZSLICE, ZSLICE)])
    plsc.subcore_barrier()

    def _cell_rows(xs, zs):
        rr = (zs / CELL + SHIFT + MAGIC) - MAGIC
        rc = (xs / CELL + SHIFT + MAGIC) - MAGIC
        return rr, rc

    def _process(bufs):
        xv, yv, zv = bufs

        def _row(r, rany):
            for j in range(8):
                o = r * 128 + j * 16
                xs = xv[pl.ds(o, 16)]
                ys = yv[pl.ds(o, 16)]
                zs = zv[pl.ds(o, 16)]
                rr, rc = _cell_rows(xs, zs)
                masky = (ys < 0.0) & (ys > -1.0)
                inwin = ((rr >= float(WR0)) & (rr < float(WR0 + WRN))
                         & (rc >= float(WC0)) & (rc < float(WC0 + WCN))
                         & masky)
                wif = rr * float(WCN) + rc - float(WR0 * WCN + WC0)
                widx = jnp.where(inwin, wif, 0.0).astype(jnp.int32)
                plsc.addupdate_scatter(wbuf, [widx], ones16, mask=inwin)
                rany = rany | (masky & (~inwin))
            return rany

        rany = lax.fori_loop(0, GROUPS // 8, _row,
                             jnp.zeros((16,), jnp.bool_))
        fire = jnp.any(rany)

        @pl.when(fire)
        def _slow():
            def _srow(r, carry):
                for j in range(8):
                    o = r * 128 + j * 16
                    xs = xv[pl.ds(o, 16)]
                    ys = yv[pl.ds(o, 16)]
                    zs = zv[pl.ds(o, 16)]
                    rr, rc = _cell_rows(xs, zs)
                    masky = (ys < 0.0) & (ys > -1.0)
                    inwin = ((rr >= float(WR0)) & (rr < float(WR0 + WRN))
                             & (rc >= float(WC0)) & (rc < float(WC0 + WCN)))
                    inb = ((rr >= 0.0) & (rr <= 399.0)
                           & (rc >= 0.0) & (rc <= 399.0))
                    rest = masky & inb & (~inwin)
                    idxf = jnp.where(rest, rr * 400.0 + rc, float(DUMP))
                    idxrow[0, pl.ds(j * 16, 16)] = idxf.astype(jnp.int32)
                pltpu.sync_copy(onesv, hist.at[idxrow.at[0]], add=True)
                return carry

            lax.fori_loop(0, GROUPS // 8, _srow, None)

    def _fire(k, bufs, sem):
        xv, yv, zv = bufs
        off = base + k * CHUNK
        pltpu.async_copy(xh.at[pl.ds(off, CHUNK)], xv, sem)
        pltpu.async_copy(yh.at[pl.ds(off, CHUNK)], yv, sem)
        pltpu.async_copy(zh.at[pl.ds(off, CHUNK)], zv, sem)

    def _wait(bufs, sem):
        xv, yv, zv = bufs
        pltpu.make_async_copy(xh.at[pl.ds(0, CHUNK)], xv, sem).wait()
        pltpu.make_async_copy(xh.at[pl.ds(0, CHUNK)], yv, sem).wait()
        pltpu.make_async_copy(xh.at[pl.ds(0, CHUNK)], zv, sem).wait()

    bufs0 = (xv0, yv0, zv0)
    bufs1 = (xv1, yv1, zv1)
    _fire(0, bufs0, sem0)
    _fire(1, bufs1, sem1)

    def _pair(kk, carry):
        k0 = kk * 2
        _wait(bufs0, sem0)
        _process(bufs0)

        @pl.when(k0 + 2 < N_CHUNKS)
        def _f0():
            _fire(k0 + 2, bufs0, sem0)

        _wait(bufs1, sem1)
        _process(bufs1)

        @pl.when(k0 + 3 < N_CHUNKS)
        def _f1():
            _fire(k0 + 3, bufs1, sem1)

        return carry

    lax.fori_loop(0, N_CHUNKS // 2, _pair, None)
    plsc.subcore_barrier()

    pltpu.sync_copy(wbuf, outw.at[pl.ds(wid * WSZ, WSZ)])
    pltpu.sync_copy(hist.at[pl.ds(s * OSLICE, OSLICE)],
                    obuf.at[pl.ds(0, OSLICE)])
    pltpu.sync_copy(obuf.at[pl.ds(0, OSLICE)],
                    outg.at[pl.ds(c * N_BINS + s * OSLICE, OSLICE)])


_sc_hist = pl.kernel(
    _sc_body,
    out_type=(jax.ShapeDtypeStruct((2 * N_BINS,), jnp.float32),
              jax.ShapeDtypeStruct((NW * WSZ,), jnp.float32)),
    mesh=plsc.VectorSubcoreMesh(core_axis_name="c", subcore_axis_name="s"),
    compiler_params=pltpu.CompilerParams(needs_layout_passes=False,
                                         use_tc_tiling_on_sc=False),
    scratch_types=[
        pltpu.VMEM((CHUNK,), jnp.float32),
        pltpu.VMEM((CHUNK,), jnp.float32),
        pltpu.VMEM((CHUNK,), jnp.float32),
        pltpu.VMEM((CHUNK,), jnp.float32),
        pltpu.VMEM((CHUNK,), jnp.float32),
        pltpu.VMEM((CHUNK,), jnp.float32),
        pltpu.VMEM((1, 128), jnp.int32),
        pltpu.VMEM((128,), jnp.float32),
        pltpu.VMEM((WSZ,), jnp.float32),
        pltpu.VMEM((ZSLICE,), jnp.float32),
        pltpu.VMEM_SHARED((BINS_PAD,), jnp.float32),
        pltpu.SemaphoreType.DMA,
        pltpu.SemaphoreType.DMA,
    ],
)


def _final_body(g_ref, w_ref, o_ref):
    o_ref[...] = g_ref[0] + g_ref[1]
    wsum = jnp.sum(w_ref[...], axis=0)
    o_ref[pl.ds(WR0, WRN), pl.ds(WC0, WCN)] = (
        o_ref[pl.ds(WR0, WRN), pl.ds(WC0, WCN)] + wsum)


def kernel(sparse_depth):
    n = sparse_depth.shape[0]
    pts = jnp.pad(sparse_depth.T, ((0, 0), (0, NP - n)))
    og, ow = _sc_hist(pts[0], pts[1], pts[2])
    g = og.reshape(2, MAP_CELLS, MAP_CELLS)
    w = ow.reshape(NW, WRN, WCN)
    return pl.pallas_call(
        _final_body,
        out_shape=jax.ShapeDtypeStruct((MAP_CELLS, MAP_CELLS), jnp.float32),
    )(g, w)

# --- scband reference (transcript-rebuilt; emitter-appended) ---
"""Pipeline reference for scband-sparse-depth-mapper-39281770889515 (READ-ONLY COPY).

The authoritative reference and input builder live on the scoring server;
editing this copy changes nothing except your own understanding.
"""

import jax, jax.numpy as jnp
import numpy as np
from math import ceil, floor

MAP_SIZE = 40
CELL_SIZE = 0.1
H_MIN = 0.0
H_MAX = 1.0
N_PTS = 1000000

def get_map_size_in_cells(map_size, cell_size):
    return int(ceil(map_size / cell_size)) + 1

def setup_inputs(seed: int = 0) -> dict:
    key = jax.random.key(seed)
    sparse_depth = jax.random.normal(key, (N_PTS, 3), dtype=jnp.float32)
    return {"sparse_depth": sparse_depth}

def reference(sparse_depth):
    # forward of SparseDepthMapper
    pts = sparse_depth
    x = pts[:, 0]
    y = -pts[:, 1]  # global_3d_pcl[:, 1] = -global_3d_pcl[:, 1]
    z = pts[:, 2]
    # height filter: (y > h_min) * (y < h_max)
    mask = (y > H_MIN) & (y < H_MAX)
    # pointCloud2ObstaclesNonDifferentiable
    n_cells_full = get_map_size_in_cells(MAP_SIZE, CELL_SIZE)
    map_size_in_cells = n_cells_full - 1
    shift = int(floor(n_cells_full / 2.0))
    # project2dPClIntoWorldMap on pts2D = [z, x]: idx = round(coord / cell_size + shift)
    row = jnp.round(z / CELL_SIZE + shift).astype(jnp.int32)
    col = jnp.round(x / CELL_SIZE + shift).astype(jnp.int32)
    # unique(counts) + overwrite into zero map == scatter-add of ones for kept points
    w = mask.astype(jnp.float32)
    init_map = jnp.zeros((map_size_in_cells, map_size_in_cells), dtype=jnp.float32)
    obstacle_map = init_map.at[row, col].add(w, mode='drop')
    return obstacle_map

if __name__ == "__main__":
    import jax
    _d = setup_inputs()
    print(jax.jit(kernel)(*tuple(_d.values())))

</pallas_src>

<mosaic_0001>
#map = affine_map<(d0, d1) -> (0)>
module attributes {stable_mosaic.version = 14 : i64} {
  func.func @_sc_body(%arg0: i32, %arg1: i32, %arg2: memref<1048576xf32, #tpu.memory_space<hbm>>, %arg3: memref<1048576xf32, #tpu.memory_space<hbm>>, %arg4: memref<1048576xf32, #tpu.memory_space<hbm>>, %arg5: memref<320000xf32, #tpu.memory_space<hbm>>, %arg6: memref<737280xf32, #tpu.memory_space<hbm>>, %arg7: memref<2048xf32, #tpu.memory_space<vmem>>, %arg8: memref<2048xf32, #tpu.memory_space<vmem>>, %arg9: memref<2048xf32, #tpu.memory_space<vmem>>, %arg10: memref<2048xf32, #tpu.memory_space<vmem>>, %arg11: memref<2048xf32, #tpu.memory_space<vmem>>, %arg12: memref<2048xf32, #tpu.memory_space<vmem>>, %arg13: memref<1x128xi32, #tpu.memory_space<vmem>>, %arg14: memref<128xf32, #tpu.memory_space<vmem>>, %arg15: memref<23040xf32, #tpu.memory_space<vmem>>, %arg16: memref<10016xf32, #tpu.memory_space<vmem>>, %arg17: memref<160256xf32, #tpu.memory_space<vmem_shared>>, %arg18: memref<!tpu.dma_semaphore, #tpu.memory_space<semaphore_mem>>, %arg19: memref<!tpu.dma_semaphore, #tpu.memory_space<semaphore_mem>>) attributes {dimension_semantics = [#tpu.dimension_semantics<core_parallel>, #tpu.dimension_semantics<subcore_parallel>], iteration_bounds = array<i64: 2, 16>, scalar_prefetch = 0 : i64, scratch_operands = 13 : i64, tpu.core_type = #tpu.core_type<sc_vector_subcore>, window_params = [{transform_indices = #map}, {transform_indices = #map}, {transform_indices = #map}, {transform_indices = #map}, {transform_indices = #map}]} {
    %mul3A = arith.constant 16 : i32
    %mul3A_0 = arith.muli %arg0, %mul3A : i32
    %add3A = arith.addi %mul3A_0, %arg1 : i32
    %mul3A_1 = arith.constant 32768 : i32
    %mul3A_2 = arith.muli %add3A, %mul3A_1 : i32
    %broadcast_in_dim3A = arith.constant 1.000000e+00 : f32
    %broadcast_in_dim3A_3 = vector.broadcast %broadcast_in_dim3A : f32 to vector<16xf32>
    %broadcast_in_dim3A_4 = arith.constant 0.000000e+00 : f32
    %broadcast_in_dim3A_5 = vector.broadcast %broadcast_in_dim3A_4 : f32 to vector<16xf32>
    %swap3A = arith.constant 0 : index
    %swap3A_6 = tpu.vector_load %arg14[%swap3A] {strides = array<i32>} : memref<128xf32, #tpu.memory_space<vmem>>, vector<16xf32>,
    tpu.vector_store %arg14[%swap3A], %broadcast_in_dim3A_3 {strides = array<i32>} : memref<128xf32, #tpu.memory_space<vmem>>, vector<16xf32>,
    %swap3A_7 = arith.constant 16 : index
    %swap3A_8 = tpu.vector_load %arg14[%swap3A_7] {strides = array<i32>} : memref<128xf32, #tpu.memory_space<vmem>>, vector<16xf32>,
    tpu.vector_store %arg14[%swap3A_7], %broadcast_in_dim3A_3 {strides = array<i32>} : memref<128xf32, #tpu.memory_space<vmem>>, vector<16xf32>,
    %swap3A_9 = arith.constant 32 : index
    %swap3A_10 = tpu.vector_load %arg14[%swap3A_9] {strides = array<i32>} : memref<128xf32, #tpu.memory_space<vmem>>, vector<16xf32>,
    tpu.vector_store %arg14[%swap3A_9], %broadcast_in_dim3A_3 {strides = array<i32>} : memref<128xf32, #tpu.memory_space<vmem>>, vector<16xf32>,
    %swap3A_11 = arith.constant 48 : index
    %swap3A_12 = tpu.vector_load %arg14[%swap3A_11] {strides = array<i32>} : memref<128xf32, #tpu.memory_space<vmem>>, vector<16xf32>,
    tpu.vector_store %arg14[%swap3A_11], %broadcast_in_dim3A_3 {strides = array<i32>} : memref<128xf32, #tpu.memory_space<vmem>>, vector<16xf32>,
    %swap3A_13 = arith.constant 64 : index
    %swap3A_14 = tpu.vector_load %arg14[%swap3A_13] {strides = array<i32>} : memref<128xf32, #tpu.memory_space<vmem>>, vector<16xf32>,
    tpu.vector_store %arg14[%swap3A_13], %broadcast_in_dim3A_3 {strides = array<i32>} : memref<128xf32, #tpu.memory_space<vmem>>, vector<16xf32>,
    %swap3A_15 = arith.constant 80 : index
    %swap3A_16 = tpu.vector_load %arg14[%swap3A_15] {strides = array<i32>} : memref<128xf32, #tpu.memory_space<vmem>>, vector<16xf32>,
    tpu.vector_store %arg14[%swap3A_15], %broadcast_in_dim3A_3 {strides = array<i32>} : memref<128xf32, #tpu.memory_space<vmem>>, vector<16xf32>,
    %swap3A_17 = arith.constant 96 : index
    %swap3A_18 = tpu.vector_load %arg14[%swap3A_17] {strides = array<i32>} : memref<128xf32, #tpu.memory_space<vmem>>, vector<16xf32>,
    tpu.vector_store %arg14[%swap3A_17], %broadcast_in_dim3A_3 {strides = array<i32>} : memref<128xf32, #tpu.memory_space<vmem>>, vector<16xf32>,
    %swap3A_19 = arith.constant 112 : index
    %swap3A_20 = tpu.vector_load %arg14[%swap3A_19] {strides = array<i32>} : memref<128xf32, #tpu.memory_space<vmem>>, vector<16xf32>,
    tpu.vector_store %arg14[%swap3A_19], %broadcast_in_dim3A_3 {strides = array<i32>} : memref<128xf32, #tpu.memory_space<vmem>>, vector<16xf32>,
    %scan3A = arith.constant 0 : i32
    %scan3A_21 = arith.constant 1440 : i32
    %scan3A_22 = arith.addi %scan3A, %scan3A_21 : i32
    %scan3A_23 = arith.constant 1 : i32
    scf.for %scan3A_57 = %scan3A to %scan3A_22 step %scan3A_23  : i32 {
      %mul3A_58 = arith.constant 16 : i32
      %mul3A_59 = arith.muli %scan3A_57, %mul3A_58 : i32
      %swap3A_60 = arith.index_cast %mul3A_59 : i32 to index
      %swap3A_61 = tpu.vector_load %arg15[%swap3A_60] {strides = array<i32>} : memref<23040xf32, #tpu.memory_space<vmem>>, vector<16xf32>,
      tpu.vector_store %arg15[%swap3A_60], %broadcast_in_dim3A_5 {strides = array<i32>} : memref<23040xf32, #tpu.memory_space<vmem>>, vector<16xf32>,
    }
    %scan3A_24 = arith.constant 1440 : i32
    %mul3A_25 = arith.constant 10016 : i32
    %mul3A_26 = arith.muli %arg1, %mul3A_25 : i32
    "tpu.region"() ({
      %run_scoped3A = tpu.sem_alloc : memref<!tpu.dma_semaphore, #tpu.memory_space<semaphore_mem>>
      %dma_start3A_57 = arith.constant 0 : i32
      %dma_start3A_58 = tpu.memref_slice %arg15[%dma_start3A_57] : memref<23040xf32, #tpu.memory_space<vmem>> -> memref<10016xf32, #tpu.memory_space<vmem>>
      %dma_start3A_59 = tpu.memref_slice %arg17[%mul3A_26] : memref<160256xf32, #tpu.memory_space<vmem_shared>> -> memref<10016xf32, #tpu.memory_space<vmem_shared>>
      %dma_start3A_60 = tpu.memref_slice %arg17[%mul3A_26] : memref<160256xf32, #tpu.memory_space<vmem_shared>> -> memref<10016xf32, #tpu.memory_space<vmem_shared>>
      %dma_start3A_61 = arith.constant 0 : i32
      %dma_start3A_62 = tpu.memref_slice %arg15[%dma_start3A_61] : memref<23040xf32, #tpu.memory_space<vmem>> -> memref<10016xf32, #tpu.memory_space<vmem>>
      tpu.enqueue_dma source(%dma_start3A_62 : memref<10016xf32, #tpu.memory_space<vmem>>) target(%dma_start3A_60 : memref<10016xf32, #tpu.memory_space<vmem_shared>>) target_semaphore(%run_scoped3A : memref<!tpu.dma_semaphore, #tpu.memory_space<semaphore_mem>>)
      %dma_wait3A = arith.constant 0 : i32
      %dma_wait3A_63 = tpu.memref_slice %arg15[%dma_wait3A] : memref<23040xf32, #tpu.memory_space<vmem>> -> memref<10016xf32, #tpu.memory_space<vmem>>
      %dma_wait3A_64 = tpu.memref_slice %arg17[%mul3A_26] : memref<160256xf32, #tpu.memory_space<vmem_shared>> -> memref<10016xf32, #tpu.memory_space<vmem_shared>>
      %dma_wait3A_65 = tpu.memref_slice %arg17[%mul3A_26] : memref<160256xf32, #tpu.memory_space<vmem_shared>> -> memref<10016xf32, #tpu.memory_space<vmem_shared>>
      %dma_wait3A_66 = arith.constant 0 : i32
      %dma_wait3A_67 = tpu.memref_slice %arg15[%dma_wait3A_66] : memref<23040xf32, #tpu.memory_space<vmem>> -> memref<10016xf32, #tpu.memory_space<vmem>>
      tpu.wait_dma2 semaphore(%run_scoped3A : memref<!tpu.dma_semaphore, #tpu.memory_space<semaphore_mem>>) src(%dma_wait3A_67 : memref<10016xf32, #tpu.memory_space<vmem>>) dst(%dma_wait3A_65 : memref<10016xf32, #tpu.memory_space<vmem_shared>>)
      tpu.yield
    }) : () -> ()
    %barrier3A = arith.constant 0 : index
    tpu.barrier barrier_id(%barrier3A)
    %add3A_27 = arith.constant 0 : i32
    %add3A_28 = arith.addi %mul3A_2, %add3A_27 : i32
    %dma_start3A = tpu.memref_slice %arg2[%add3A_28] : memref<1048576xf32, #tpu.memory_space<hbm>> -> memref<2048xf32, #tpu.memory_space<hbm>>
    %dma_start3A_29 = tpu.memref_slice %arg2[%add3A_28] : memref<1048576xf32, #tpu.memory_space<hbm>> -> memref<2048xf32, #tpu.memory_space<hbm>>
    tpu.enqueue_dma source(%dma_start3A_29 : memref<2048xf32, #tpu.memory_space<hbm>>) target(%arg7 : memref<2048xf32, #tpu.memory_space<vmem>>) target_semaphore(%arg18 : memref<!tpu.dma_semaphore, #tpu.memory_space<semaphore_mem>>)
    %dma_start3A_30 = tpu.memref_slice %arg3[%add3A_28] : memref<1048576xf32, #tpu.memory_space<hbm>> -> memref<2048xf32, #tpu.memory_space<hbm>>
    %dma_start3A_31 = tpu.memref_slice %arg3[%add3A_28] : memref<1048576xf32, #tpu.memory_space<hbm>> -> memref<2048xf32, #tpu.memory_space<hbm>>
    tpu.enqueue_dma source(%dma_start3A_31 : memref<2048xf32, #tpu.memory_space<hbm>>) target(%arg8 : memref<2048xf32, #tpu.memory_space<vmem>>) target_semaphore(%arg18 : memref<!tpu.dma_semaphore, #tpu.memory_space<semaphore_mem>>)
    %dma_start3A_32 = tpu.memref_slice %arg4[%add3A_28] : memref<1048576xf32, #tpu.memory_space<hbm>> -> memref<2048xf32, #tpu.memory_space<hbm>>
    %dma_start3A_33 = tpu.memref_slice %arg4[%add3A_28] : memref<1048576xf32, #tpu.memory_space<hbm>> -> memref<2048xf32, #tpu.memory_space<hbm>>
    tpu.enqueue_dma source(%dma_start3A_33 : memref<2048xf32, #tpu.memory_space<hbm>>) target(%arg9 : memref<2048xf32, #tpu.memory_space<vmem>>) target_semaphore(%arg18 : memref<!tpu.dma_semaphore, #tpu.memory_space<semaphore_mem>>)
    %add3A_34 = arith.constant 2048 : i32
    %add3A_35 = arith.addi %mul3A_2, %add3A_34 : i32
    %dma_start3A_36 = tpu.memref_slice %arg2[%add3A_35] : memref<1048576xf32, #tpu.memory_space<hbm>> -> memref<2048xf32, #tpu.memory_space<hbm>>
    %dma_start3A_37 = tpu.memref_slice %arg2[%add3A_35] : memref<1048576xf32, #tpu.memory_space<hbm>> -> memref<2048xf32, #tpu.memory_space<hbm>>
    tpu.enqueue_dma source(%dma_start3A_37 : memref<2048xf32, #tpu.memory_space<hbm>>) target(%arg10 : memref<2048xf32, #tpu.memory_space<vmem>>) target_semaphore(%arg19 : memref<!tpu.dma_semaphore, #tpu.memory_space<semaphore_mem>>)
    %dma_start3A_38 = tpu.memref_slice %arg3[%add3A_35] : memref<1048576xf32, #tpu.memory_space<hbm>> -> memref<2048xf32, #tpu.memory_space<hbm>>
    %dma_start3A_39 = tpu.memref_slice %arg3[%add3A_35] : memref<1048576xf32, #tpu.memory_space<hbm>> -> memref<2048xf32, #tpu.memory_space<hbm>>
    tpu.enqueue_dma source(%dma_start3A_39 : memref<2048xf32, #tpu.memory_space<hbm>>) target(%arg11 : memref<2048xf32, #tpu.memory_space<vmem>>) target_semaphore(%arg19 : memref<!tpu.dma_semaphore, #tpu.memory_space<semaphore_mem>>)
    %dma_start3A_40 = tpu.memref_slice %arg4[%add3A_35] : memref<1048576xf32, #tpu.memory_space<hbm>> -> memref<2048xf32, #tpu.memory_space<hbm>>
    %dma_start3A_41 = tpu.memref_slice %arg4[%add3A_35] : memref<1048576xf32, #tpu.memory_space<hbm>> -> memref<2048xf32, #tpu.memory_space<hbm>>
    tpu.enqueue_dma source(%dma_start3A_41 : memref<2048xf32, #tpu.memory_space<hbm>>) target(%arg12 : memref<2048xf32, #tpu.memory_space<vmem>>) target_semaphore(%arg19 : memref<!tpu.dma_semaphore, #tpu.memory_space<semaphore_mem>>)
    %scan3A_42 = arith.constant 0 : i32
    %scan3A_43 = arith.constant 8 : i32
    %scan3A_44 = arith.addi %scan3A_42, %scan3A_43 : i32
    %scan3A_45 = arith.constant 1 : i32
    scf.for %scan3A_57 = %scan3A_42 to %scan3A_44 step %scan3A_45  : i32 {
      %mul3A_58 = arith.constant 2 : i32
      %mul3A_59 = arith.muli %scan3A_57, %mul3A_58 : i32
      %dma_wait3A = arith.constant 0 : i32
      %dma_wait3A_60 = tpu.memref_slice %arg2[%dma_wait3A] : memref<1048576xf32, #tpu.memory_space<hbm>> -> memref<2048xf32, #tpu.memory_space<hbm>>
      %dma_wait3A_61 = arith.constant 0 : i32
      %dma_wait3A_62 = tpu.memref_slice %arg2[%dma_wait3A_61] : memref<1048576xf32, #tpu.memory_space<hbm>> -> memref<2048xf32, #tpu.memory_space<hbm>>
      tpu.wait_dma2 semaphore(%arg18 : memref<!tpu.dma_semaphore, #tpu.memory_space<semaphore_mem>>) src(%dma_wait3A_62 : memref<2048xf32, #tpu.memory_space<hbm>>) dst(%arg7 : memref<2048xf32, #tpu.memory_space<vmem>>)
      %dma_wait3A_63 = arith.constant 0 : i32
      %dma_wait3A_64 = tpu.memref_slice %arg2[%dma_wait3A_63] : memref<1048576xf32, #tpu.memory_space<hbm>> -> memref<2048xf32, #tpu.memory_space<hbm>>
      %dma_wait3A_65 = arith.constant 0 : i32
      %dma_wait3A_66 = tpu.memref_slice %arg2[%dma_wait3A_65] : memref<1048576xf32, #tpu.memory_space<hbm>> -> memref<2048xf32, #tpu.memory_space<hbm>>
      tpu.wait_dma2 semaphore(%arg18 : memref<!tpu.dma_semaphore, #tpu.memory_space<semaphore_mem>>) src(%dma_wait3A_66 : memref<2048xf32, #tpu.memory_space<hbm>>) dst(%arg8 : memref<2048xf32, #tpu.memory_space<vmem>>)
      %dma_wait3A_67 = arith.constant 0 : i32
      %dma_wait3A_68 = tpu.memref_slice %arg2[%dma_wait3A_67] : memref<1048576xf32, #tpu.memory_space<hbm>> -> memref<2048xf32, #tpu.memory_space<hbm>>
      %dma_wait3A_69 = arith.constant 0 : i32
      %dma_wait3A_70 = tpu.memref_slice %arg2[%dma_wait3A_69] : memref<1048576xf32, #tpu.memory_space<hbm>> -> memref<2048xf32, #tpu.memory_space<hbm>>
      tpu.wait_dma2 semaphore(%arg18 : memref<!tpu.dma_semaphore, #tpu.memory_space<semaphore_mem>>) src(%dma_wait3A_70 : memref<2048xf32, #tpu.memory_space<hbm>>) dst(%arg9 : memref<2048xf32, #tpu.memory_space<vmem>>)
      %broadcast_in_dim3A_71 = arith.constant false
      %broadcast_in_dim3A_72 = vector.broadcast %broadcast_in_dim3A_71 : i1 to vector<16xi1>
      %scan3A_73 = arith.constant 0 : i32
      %scan3A_74 = arith.constant 16 : i32
      %scan3A_75 = arith.addi %scan3A_73, %scan3A_74 : i32
      %scan3A_76 = arith.constant 1 : i32
      %scan3A_77 = scf.for %scan3A_137 = %scan3A_73 to %scan3A_75 step %scan3A_76 iter_args(%scan3A_138 = %broadcast_in_dim3A_72) -> (vector<16xi1>)  : i32 {
        %mul3A_139 = arith.constant 128 : i32
        %mul3A_140 = arith.muli %scan3A_137, %mul3A_139 : i32
        %add3A_141 = arith.constant 0 : i32
        %add3A_142 = arith.addi %mul3A_140, %add3A_141 : i32
        %get3A = arith.index_cast %add3A_142 : i32 to index
        %get3A_143 = tpu.vector_load %arg7[%get3A] {strides = array<i32>} : memref<2048xf32, #tpu.memory_space<vmem>>, vector<16xf32>,
        %get3A_144 = arith.index_cast %add3A_142 : i32 to index
        %get3A_145 = tpu.vector_load %arg8[%get3A_144] {strides = array<i32>} : memref<2048xf32, #tpu.memory_space<vmem>>, vector<16xf32>,
        %get3A_146 = arith.index_cast %add3A_142 : i32 to index
        %get3A_147 = tpu.vector_load %arg9[%get3A_146] {strides = array<i32>} : memref<2048xf32, #tpu.memory_space<vmem>>, vector<16xf32>,
        %div3A = arith.constant 1.000000e-01 : f32
        %div3A_148 = vector.broadcast %div3A : f32 to vector<16xf32>
        %div3A_149 = arith.divf %get3A_147, %div3A_148 : vector<16xf32>
        %add3A_150 = arith.constant 2.000000e+02 : f32
        %add3A_151 = vector.broadcast %add3A_150 : f32 to vector<16xf32>
        %add3A_152 = arith.addf %div3A_149, %add3A_151 : vector<16xf32>
        %add3A_153 = arith.constant 0x4B400000 : f32
        %add3A_154 = vector.broadcast %add3A_153 : f32 to vector<16xf32>
        %add3A_155 = arith.addf %add3A_152, %add3A_154 : vector<16xf32>
        %sub3A = arith.constant 0x4B400000 : f32
        %sub3A_156 = vector.broadcast %sub3A : f32 to vector<16xf32>
        %sub3A_157 = arith.subf %add3A_155, %sub3A_156 : vector<16xf32>
        %div3A_158 = arith.constant 1.000000e-01 : f32
        %div3A_159 = vector.broadcast %div3A_158 : f32 to vector<16xf32>
        %div3A_160 = arith.divf %get3A_143, %div3A_159 : vector<16xf32>
        %add3A_161 = arith.constant 2.000000e+02 : f32
        %add3A_162 = vector.broadcast %add3A_161 : f32 to vector<16xf32>
        %add3A_163 = arith.addf %div3A_160, %add3A_162 : vector<16xf32>
        %add3A_164 = arith.constant 0x4B400000 : f32
        %add3A_165 = vector.broadcast %add3A_164 : f32 to vector<16xf32>
        %add3A_166 = arith.addf %add3A_163, %add3A_165 : vector<16xf32>
        %sub3A_167 = arith.constant 0x4B400000 : f32
        %sub3A_168 = vector.broadcast %sub3A_167 : f32 to vector<16xf32>
        %sub3A_169 = arith.subf %add3A_166, %sub3A_168 : vector<16xf32>
        %lt3A_170 = arith.constant 0.000000e+00 : f32
        %lt3A_171 = vector.broadcast %lt3A_170 : f32 to vector<16xf32>
        %lt3A_172 = arith.cmpf olt, %get3A_145, %lt3A_171 : vector<16xf32>
        %gt3A = arith.constant -1.000000e+00 : f32
        %gt3A_173 = vector.broadcast %gt3A : f32 to vector<16xf32>
        %gt3A_174 = arith.cmpf ogt, %get3A_145, %gt3A_173 : vector<16xf32>
        %and3A = arith.andi %lt3A_172, %gt3A_174 : vector<16xi1>
        %ge3A = arith.constant 1.200000e+02 : f32
        %ge3A_175 = vector.broadcast %ge3A : f32 to vector<16xf32>
        %ge3A_176 = arith.cmpf oge, %sub3A_157, %ge3A_175 : vector<16xf32>
        %lt3A_177 = arith.constant 2.800000e+02 : f32
        %lt3A_178 = vector.broadcast %lt3A_177 : f32 to vector<16xf32>
        %lt3A_179 = arith.cmpf olt, %sub3A_157, %lt3A_178 : vector<16xf32>
        %and3A_180 = arith.andi %ge3A_176, %lt3A_179 : vector<16xi1>
        %ge3A_181 = arith.constant 1.280000e+02 : f32
        %ge3A_182 = vector.broadcast %ge3A_181 : f32 to vector<16xf32>
        %ge3A_183 = arith.cmpf oge, %sub3A_169, %ge3A_182 : vector<16xf32>
        %and3A_184 = arith.andi %and3A_180, %ge3A_183 : vector<16xi1>
        %lt3A_185 = arith.constant 2.720000e+02 : f32
        %lt3A_186 = vector.broadcast %lt3A_185 : f32 to vector<16xf32>
        %lt3A_187 = arith.cmpf olt, %sub3A_169, %lt3A_186 : vector<16xf32>
        %and3A_188 = arith.andi %and3A_184, %lt3A_187 : vector<16xi1>
        %and3A_189 = arith.andi %and3A_188, %and3A : vector<16xi1>
        %mul3A_190 = arith.constant 1.440000e+02 : f32
        %mul3A_191 = vector.broadcast %mul3A_190 : f32 to vector<16xf32>
        %mul3A_192 = arith.mulf %sub3A_157, %mul3A_191 : vector<16xf32>
        %add3A_193 = arith.addf %mul3A_192, %sub3A_169 : vector<16xf32>
        %sub3A_194 = arith.constant 1.740800e+04 : f32
        %sub3A_195 = vector.broadcast %sub3A_194 : f32 to vector<16xf32>
        %sub3A_196 = arith.subf %add3A_193, %sub3A_195 : vector<16xf32>
        %jit3A = arith.constant 0.000000e+00 : f32
        %broadcast_in_dim3A_197 = vector.broadcast %jit3A : f32 to vector<16xf32>
        %select_n3A = arith.select %and3A_189, %sub3A_196, %broadcast_in_dim3A_197 : vector<16xi1>, vector<16xf32>
        %convert_element_type3A_198 = arith.fptosi %select_n3A : vector<16xf32> to vector<16xi32>
        tpu.vector_store_idx %arg15[%convert_element_type3A_198], %broadcast_in_dim3A_3 masked %and3A_189 {add = true} : memref<23040xf32, #tpu.memory_space<vmem>>[vector<16xi32>], vector<16xf32>, vector<16xi1>
        %not3A = arith.constant dense<true> : vector<16xi1>
        %not3A_199 = arith.xori %and3A_189, %not3A : vector<16xi1>
        %and3A_200 = arith.andi %and3A, %not3A_199 : vector<16xi1>
        %or3A = arith.ori %scan3A_138, %and3A_200 : vector<16xi1>
        %mul3A_201 = arith.constant 128 : i32
        %mul3A_202 = arith.muli %scan3A_137, %mul3A_201 : i32
        %add3A_203 = arith.constant 16 : i32
        %add3A_204 = arith.addi %mul3A_202, %add3A_203 : i32
        %get3A_205 = arith.index_cast %add3A_204 : i32 to index
        %get3A_206 = tpu.vector_load %arg7[%get3A_205] {strides = array<i32>} : memref<2048xf32, #tpu.memory_space<vmem>>, vector<16xf32>,
        %get3A_207 = arith.index_cast %add3A_204 : i32 to index
        %get3A_208 = tpu.vector_load %arg8[%get3A_207] {strides = array<i32>} : memref<2048xf32, #tpu.memory_space<vmem>>, vector<16xf32>,
        %get3A_209 = arith.index_cast %add3A_204 : i32 to index
        %get3A_210 = tpu.vector_load %arg9[%get3A_209] {strides = array<i32>} : memref<2048xf32, #tpu.memory_space<vmem>>, vector<16xf32>,
        %div3A_211 = arith.constant 1.000000e-01 : f32
        %div3A_212 = vector.broadcast %div3A_211 : f32 to vector<16xf32>
        %div3A_213 = arith.divf %get3A_210, %div3A_212 : vector<16xf32>
        %add3A_214 = arith.constant 2.000000e+02 : f32
        %add3A_215 = vector.broadcast %add3A_214 : f32 to vector<16xf32>
        %add3A_216 = arith.addf %div3A_213, %add3A_215 : vector<16xf32>
        %add3A_217 = arith.constant 0x4B400000 : f32
        %add3A_218 = vector.broadcast %add3A_217 : f32 to vector<16xf32>
        %add3A_219 = arith.addf %add3A_216, %add3A_218 : vector<16xf32>
        %sub3A_220 = arith.constant 0x4B400000 : f32
        %sub3A_221 = vector.broadcast %sub3A_220 : f32 to vector<16xf32>
        %sub3A_222 = arith.subf %add3A_219, %sub3A_221 : vector<16xf32>
        %div3A_223 = arith.constant 1.000000e-01 : f32
        %div3A_224 = vector.broadcast %div3A_223 : f32 to vector<16xf32>
        %div3A_225 = arith.divf %get3A_206, %div3A_224 : vector<16xf32>
        %add3A_226 = arith.constant 2.000000e+02 : f32
        %add3A_227 = vector.broadcast %add3A_226 : f32 to vector<16xf32>
        %add3A_228 = arith.addf %div3A_225, %add3A_227 : vector<16xf32>
        %add3A_229 = arith.constant 0x4B400000 : f32
        %add3A_230 = vector.broadcast %add3A_229 : f32 to vector<16xf32>
        %add3A_231 = arith.addf %add3A_228, %add3A_230 : vector<16xf32>
        %sub3A_232 = arith.constant 0x4B400000 : f32
        %sub3A_233 = vector.broadcast %sub3A_232 : f32 to vector<16xf32>
        %sub3A_234 = arith.subf %add3A_231, %sub3A_233 : vector<16xf32>
        %lt3A_235 = arith.constant 0.000000e+00 : f32
        %lt3A_236 = vector.broadcast %lt3A_235 : f32 to vector<16xf32>
        %lt3A_237 = arith.cmpf olt, %get3A_208, %lt3A_236 : vector<16xf32>
        %gt3A_238 = arith.constant -1.000000e+00 : f32
        %gt3A_239 = vector.broadcast %gt3A_238 : f32 to vector<16xf32>
        %gt3A_240 = arith.cmpf ogt, %get3A_208, %gt3A_239 : vector<16xf32>
        %and3A_241 = arith.andi %lt3A_237, %gt3A_240 : vector<16xi1>
        %ge3A_242 = arith.constant 1.200000e+02 : f32
        %ge3A_243 = vector.broadcast %ge3A_242 : f32 to vector<16xf32>
        %ge3A_244 = arith.cmpf oge, %sub3A_222, %ge3A_243 : vector<16xf32>
        %lt3A_245 = arith.constant 2.800000e+02 : f32
        %lt3A_246 = vector.broadcast %lt3A_245 : f32 to vector<16xf32>
        %lt3A_247 = arith.cmpf olt, %sub3A_222, %lt3A_246 : vector<16xf32>
        %and3A_248 = arith.andi %ge3A_244, %lt3A_247 : vector<16xi1>
        %ge3A_249 = arith.constant 1.280000e+02 : f32
        %ge3A_250 = vector.broadcast %ge3A_249 : f32 to vector<16xf32>
        %ge3A_251 = arith.cmpf oge, %sub3A_234, %ge3A_250 : vector<16xf32>
        %and3A_252 = arith.andi %and3A_248, %ge3A_251 : vector<16xi1>
        %lt3A_253 = arith.constant 2.720000e+02 : f32
        %lt3A_254 = vector.broadcast %lt3A_253 : f32 to vector<16xf32>
        %lt3A_255 = arith.cmpf olt, %sub3A_234, %lt3A_254 : vector<16xf32>
        %and3A_256 = arith.andi %and3A_252, %lt3A_255 : vector<16xi1>
        %and3A_257 = arith.andi %and3A_256, %and3A_241 : vector<16xi1>
        %mul3A_258 = arith.constant 1.440000e+02 : f32
        %mul3A_259 = vector.broadcast %mul3A_258 : f32 to vector<16xf32>
        %mul3A_260 = arith.mulf %sub3A_222, %mul3A_259 : vector<16xf32>
        %add3A_261 = arith.addf %mul3A_260, %sub3A_234 : vector<16xf32>
        %sub3A_262 = arith.constant 1.740800e+04 : f32
        %sub3A_263 = vector.broadcast %sub3A_262 : f32 to vector<16xf32>
        %sub3A_264 = arith.subf %add3A_261, %sub3A_263 : vector<16xf32>
        %jit3A_265 = arith.constant 0.000000e+00 : f32
        %broadcast_in_dim3A_266 = vector.broadcast %jit3A_265 : f32 to vector<16xf32>
        %select_n3A_267 = arith.select %and3A_257, %sub3A_264, %broadcast_in_dim3A_266 : vector<16xi1>, vector<16xf32>
        %convert_element_type3A_268 = arith.fptosi %select_n3A_267 : vector<16xf32> to vector<16xi32>
        tpu.vector_store_idx %arg15[%convert_element_type3A_268], %broadcast_in_dim3A_3 masked %and3A_257 {add = true} : memref<23040xf32, #tpu.memory_space<vmem>>[vector<16xi32>], vector<16xf32>, vector<16xi1>
        %not3A_269 = arith.constant dense<true> : vector<16xi1>
        %not3A_270 = arith.xori %and3A_257, %not3A_269 : vector<16xi1>
        %and3A_271 = arith.andi %and3A_241, %not3A_270 : vector<16xi1>
        %or3A_272 = arith.ori %or3A, %and3A_271 : vector<16xi1>
        %mul3A_273 = arith.constant 128 : i32
        %mul3A_274 = arith.muli %scan3A_137, %mul3A_273 : i32
        %add3A_275 = arith.constant 32 : i32
        %add3A_276 = arith.addi %mul3A_274, %add3A_275 : i32
        %get3A_277 = arith.index_cast %add3A_276 : i32 to index
        %get3A_278 = tpu.vector_load %arg7[%get3A_277] {strides = array<i32>} : memref<2048xf32, #tpu.memory_space<vmem>>, vector<16xf32>,
        %get3A_279 = arith.index_cast %add3A_276 : i32 to index
        %get3A_280 = tpu.vector_load %arg8[%get3A_279] {strides = array<i32>} : memref<2048xf32, #tpu.memory_space<vmem>>, vector<16xf32>,
        %get3A_281 = arith.index_cast %add3A_276 : i32 to index
        %get3A_282 = tpu.vector_load %arg9[%get3A_281] {strides = array<i32>} : memref<2048xf32, #tpu.memory_space<vmem>>, vector<16xf32>,
        %div3A_283 = arith.constant 1.000000e-01 : f32
        %div3A_284 = vector.broadcast %div3A_283 : f32 to vector<16xf32>
        %div3A_285 = arith.divf %get3A_282, %div3A_284 : vector<16xf32>
        %add3A_286 = arith.constant 2.000000e+02 : f32
        %add3A_287 = vector.broadcast %add3A_286 : f32 to vector<16xf32>
        %add3A_288 = arith.addf %div3A_285, %add3A_287 : vector<16xf32>
        %add3A_289 = arith.constant 0x4B400000 : f32
        %add3A_290 = vector.broadcast %add3A_289 : f32 to vector<16xf32>
        %add3A_291 = arith.addf %add3A_288, %add3A_290 : vector<16xf32>
        %sub3A_292 = arith.constant 0x4B400000 : f32
        %sub3A_293 = vector.broadcast %sub3A_292 : f32 to vector<16xf32>
        %sub3A_294 = arith.subf %add3A_291, %sub3A_293 : vector<16xf32>
        %div3A_295 = arith.constant 1.000000e-01 : f32
        %div3A_296 = vector.broadcast %div3A_295 : f32 to vector<16xf32>
        %div3A_297 = arith.divf %get3A_278, %div3A_296 : vector<16xf32>
        %add3A_298 = arith.constant 2.000000e+02 : f32
        %add3A_299 = vector.broadcast %add3A_298 : f32 to vector<16xf32>
        %add3A_300 = arith.addf %div3A_297, %add3A_299 : vector<16xf32>
        %add3A_301 = arith.constant 0x4B400000 : f32
        %add3A_302 = vector.broadcast %add3A_301 : f32 to vector<16xf32>
        %add3A_303 = arith.addf %add3A_300, %add3A_302 : vector<16xf32>
        %sub3A_304 = arith.constant 0x4B400000 : f32
        %sub3A_305 = vector.broadcast %sub3A_304 : f32 to vector<16xf32>
        %sub3A_306 = arith.subf %add3A_303, %sub3A_305 : vector<16xf32>
        %lt3A_307 = arith.constant 0.000000e+00 : f32
        %lt3A_308 = vector.broadcast %lt3A_307 : f32 to vector<16xf32>
        %lt3A_309 = arith.cmpf olt, %get3A_280, %lt3A_308 : vector<16xf32>
        %gt3A_310 = arith.constant -1.000000e+00 : f32
        %gt3A_311 = vector.broadcast %gt3A_310 : f32 to vector<16xf32>
        %gt3A_312 = arith.cmpf ogt, %get3A_280, %gt3A_311 : vector<16xf32>
        %and3A_313 = arith.andi %lt3A_309, %gt3A_312 : vector<16xi1>
        %ge3A_314 = arith.constant 1.200000e+02 : f32
        %ge3A_315 = vector.broadcast %ge3A_314 : f32 to vector<16xf32>
        %ge3A_316 = arith.cmpf oge, %sub3A_294, %ge3A_315 : vector<16xf32>
        %lt3A_317 = arith.constant 2.800000e+02 : f32
        %lt3A_318 = vector.broadcast %lt3A_317 : f32 to vector<16xf32>
        %lt3A_319 = arith.cmpf olt, %sub3A_294, %lt3A_318 : vector<16xf32>
        %and3A_320 = arith.andi %ge3A_316, %lt3A_319 : vector<16xi1>
        %ge3A_321 = arith.constant 1.280000e+02 : f32
        %ge3A_322 = vector.broadcast %ge3A_321 : f32 to vector<16xf32>
        %ge3A_323 = arith.cmpf oge, %sub3A_306, %ge3A_322 : vector<16xf32>
        %and3A_324 = arith.andi %and3A_320, %ge3A_323 : vector<16xi1>
        %lt3A_325 = arith.constant 2.720000e+02 : f32
        %lt3A_326 = vector.broadcast %lt3A_325 : f32 to vector<16xf32>
        %lt3A_327 = arith.cmpf olt, %sub3A_306, %lt3A_326 : vector<16xf32>
        %and3A_328 = arith.andi %and3A_324, %lt3A_327 : vector<16xi1>
        %and3A_329 = arith.andi %and3A_328, %and3A_313 : vector<16xi1>
        %mul3A_330 = arith.constant 1.440000e+02 : f32
        %mul3A_331 = vector.broadcast %mul3A_330 : f32 to vector<16xf32>
        %mul3A_332 = arith.mulf %sub3A_294, %mul3A_331 : vector<16xf32>
        %add3A_333 = arith.addf %mul3A_332, %sub3A_306 : vector<16xf32>
        %sub3A_334 = arith.constant 1.740800e+04 : f32
        %sub3A_335 = vector.broadcast %sub3A_334 : f32 to vector<16xf32>
        %sub3A_336 = arith.subf %add3A_333, %sub3A_335 : vector<16xf32>
        %jit3A_337 = arith.constant 0.000000e+00 : f32
        %broadcast_in_dim3A_338 = vector.broadcast %jit3A_337 : f32 to vector<16xf32>
        %select_n3A_339 = arith.select %and3A_329, %sub3A_336, %broadcast_in_dim3A_338 : vector<16xi1>, vector<16xf32>
        %convert_element_type3A_340 = arith.fptosi %select_n3A_339 : vector<16xf32> to vector<16xi32>
        tpu.vector_store_idx %arg15[%convert_element_type3A_340], %broadcast_in_dim3A_3 masked %and3A_329 {add = true} : memref<23040xf32, #tpu.memory_space<vmem>>[vector<16xi32>], vector<16xf32>, vector<16xi1>
        %not3A_341 = arith.constant dense<true> : vector<16xi1>
        %not3A_342 = arith.xori %and3A_329, %not3A_341 : vector<16xi1>
        %and3A_343 = arith.andi %and3A_313, %not3A_342 : vector<16xi1>
        %or3A_344 = arith.ori %or3A_272, %and3A_343 : vector<16xi1>
        %mul3A_345 = arith.constant 128 : i32
        %mul3A_346 = arith.muli %scan3A_137, %mul3A_345 : i32
        %add3A_347 = arith.constant 48 : i32
        %add3A_348 = arith.addi %mul3A_346, %add3A_347 : i32
        %get3A_349 = arith.index_cast %add3A_348 : i32 to index
        %get3A_350 = tpu.vector_load %arg7[%get3A_349] {strides = array<i32>} : memref<2048xf32, #tpu.memory_space<vmem>>, vector<16xf32>,
        %get3A_351 = arith.index_cast %add3A_348 : i32 to index
        %get3A_352 = tpu.vector_load %arg8[%get3A_351] {strides = array<i32>} : memref<2048xf32, #tpu.memory_space<vmem>>, vector<16xf32>,
        %get3A_353 = arith.index_cast %add3A_348 : i32 to index
        %get3A_354 = tpu.vector_load %arg9[%get3A_353] {strides = array<i32>} : memref<2048xf32, #tpu.memory_space<vmem>>, vector<16xf32>,
        %div3A_355 = arith.constant 1.000000e-01 : f32
        %div3A_356 = vector.broadcast %div3A_355 : f32 to vector<16xf32>
        %div3A_357 = arith.divf %get3A_354, %div3A_356 : vector<16xf32>
        %add3A_358 = arith.constant 2.000000e+02 : f32
        %add3A_359 = vector.broadcast %add3A_358 : f32 to vector<16xf32>
        %add3A_360 = arith.addf %div3A_357, %add3A_359 : vector<16xf32>
        %add3A_361 = arith.constant 0x4B400000 : f32
        %add3A_362 = vector.broadcast %add3A_361 : f32 to vector<16xf32>
        %add3A_363 = arith.addf %add3A_360, %add3A_362 : vector<16xf32>
        %sub3A_364 = arith.constant 0x4B400000 : f32
        %sub3A_365 = vector.broadcast %sub3A_364 : f32 to vector<16xf32>
        %sub3A_366 = arith.subf %add3A_363, %sub3A_365 : vector<16xf32>
        %div3A_367 = arith.constant 1.000000e-01 : f32
        %div3A_368 = vector.broadcast %div3A_367 : f32 to vector<16xf32>
        %div3A_369 = arith.divf %get3A_350, %div3A_368 : vector<16xf32>
        %add3A_370 = arith.constant 2.000000e+02 : f32
        %add3A_371 = vector.broadcast %add3A_370 : f32 to vector<16xf32>
        %add3A_372 = arith.addf %div3A_369, %add3A_371 : vector<16xf32>
        %add3A_373 = arith.constant 0x4B400000 : f32
        %add3A_374 = vector.broadcast %add3A_373 : f32 to vector<16xf32>
        %add3A_375 = arith.addf %add3A_372, %add3A_374 : vector<16xf32>
        %sub3A_376 = arith.constant 0x4B400000 : f32
        %sub3A_377 = vector.broadcast %sub3A_376 : f32 to vector<16xf32>
        %sub3A_378 = arith.subf %add3A_375, %sub3A_377 : vector<16xf32>
        %lt3A_379 = arith.constant 0.000000e+00 : f32
        %lt3A_380 = vector.broadcast %lt3A_379 : f32 to vector<16xf32>
        %lt3A_381 = arith.cmpf olt, %get3A_352, %lt3A_380 : vector<16xf32>
        %gt3A_382 = arith.constant -1.000000e+00 : f32
        %gt3A_383 = vector.broadcast %gt3A_382 : f32 to vector<16xf32>
        %gt3A_384 = arith.cmpf ogt, %get3A_352, %gt3A_383 : vector<16xf32>
        %and3A_385 = arith.andi %lt3A_381, %gt3A_384 : vector<16xi1>
        %ge3A_386 = arith.constant 1.200000e+02 : f32
        %ge3A_387 = vector.broadcast %ge3A_386 : f32 to vector<16xf32>
        %ge3A_388 = arith.cmpf oge, %sub3A_366, %ge3A_387 : vector<16xf32>
        %lt3A_389 = arith.constant 2.800000e+02 : f32
        %lt3A_390 = vector.broadcast %lt3A_389 : f32 to vector<16xf32>
        %lt3A_391 = arith.cmpf olt, %sub3A_366, %lt3A_390 : vector<16xf32>
        %and3A_392 = arith.andi %ge3A_388, %lt3A_391 : vector<16xi1>
        %ge3A_393 = arith.constant 1.280000e+02 : f32
        %ge3A_394 = vector.broadcast %ge3A_393 : f32 to vector<16xf32>
        %ge3A_395 = arith.cmpf oge, %sub3A_378, %ge3A_394 : vector<16xf32>
        %and3A_396 = arith.andi %and3A_392, %ge3A_395 : vector<16xi1>
        %lt3A_397 = arith.constant 2.720000e+02 : f32
        %lt3A_398 = vector.broadcast %lt3A_397 : f32 to vector<16xf32>
        %lt3A_399 = arith.cmpf olt, %sub3A_378, %lt3A_398 : vector<16xf32>
        %and3A_400 = arith.andi %and3A_396, %lt3A_399 : vector<16xi1>
        %and3A_401 = arith.andi %and3A_400, %and3A_385 : vector<16xi1>
        %mul3A_402 = arith.constant 1.440000e+02 : f32
        %mul3A_403 = vector.broadcast %mul3A_402 : f32 to vector<16xf32>
        %mul3A_404 = arith.mulf %sub3A_366, %mul3A_403 : vector<16xf32>
        %add3A_405 = arith.addf %mul3A_404, %sub3A_378 : vector<16xf32>
        %sub3A_406 = arith.constant 1.740800e+04 : f32
        %sub3A_407 = vector.broadcast %sub3A_406 : f32 to vector<16xf32>
        %sub3A_408 = arith.subf %add3A_405, %sub3A_407 : vector<16xf32>
        %jit3A_409 = arith.constant 0.000000e+00 : f32
        %broadcast_in_dim3A_410 = vector.broadcast %jit3A_409 : f32 to vector<16xf32>
        %select_n3A_411 = arith.select %and3A_401, %sub3A_408, %broadcast_in_dim3A_410 : vector<16xi1>, vector<16xf32>
        %convert_element_type3A_412 = arith.fptosi %select_n3A_411 : vector<16xf32> to vector<16xi32>
        tpu.vector_store_idx %arg15[%convert_element_type3A_412], %broadcast_in_dim3A_3 masked %and3A_401 {add = true} : memref<23040xf32, #tpu.memory_space<vmem>>[vector<16xi32>], vector<16xf32>, vector<16xi1>
        %not3A_413 = arith.constant dense<true> : vector<16xi1>
        %not3A_414 = arith.xori %and3A_401, %not3A_413 : vector<16xi1>
        %and3A_415 = arith.andi %and3A_385, %not3A_414 : vector<16xi1>
        %or3A_416 = arith.ori %or3A_344, %and3A_415 : vector<16xi1>
        %mul3A_417 = arith.constant 128 : i32
        %mul3A_418 = arith.muli %scan3A_137, %mul3A_417 : i32
        %add3A_419 = arith.constant 64 : i32
        %add3A_420 = arith.addi %mul3A_418, %add3A_419 : i32
        %get3A_421 = arith.index_cast %add3A_420 : i32 to index
        %get3A_422 = tpu.vector_load %arg7[%get3A_421] {strides = array<i32>} : memref<2048xf32, #tpu.memory_space<vmem>>, vector<16xf32>,
        %get3A_423 = arith.index_cast %add3A_420 : i32 to index
        %get3A_424 = tpu.vector_load %arg8[%get3A_423] {strides = array<i32>} : memref<2048xf32, #tpu.memory_space<vmem>>, vector<16xf32>,
        %get3A_425 = arith.index_cast %add3A_420 : i32 to index
        %get3A_426 = tpu.vector_load %arg9[%get3A_425] {strides = array<i32>} : memref<2048xf32, #tpu.memory_space<vmem>>, vector<16xf32>,
        %div3A_427 = arith.constant 1.000000e-01 : f32
        %div3A_428 = vector.broadcast %div3A_427 : f32 to vector<16xf32>
        %div3A_429 = arith.divf %get3A_426, %div3A_428 : vector<16xf32>
        %add3A_430 = arith.constant 2.000000e+02 : f32
        %add3A_431 = vector.broadcast %add3A_430 : f32 to vector<16xf32>
        %add3A_432 = arith.addf %div3A_429, %add3A_431 : vector<16xf32>
        %add3A_433 = arith.constant 0x4B400000 : f32
        %add3A_434 = vector.broadcast %add3A_433 : f32 to vector<16xf32>
        %add3A_435 = arith.addf %add3A_432, %add3A_434 : vector<16xf32>
        %sub3A_436 = arith.constant 0x4B400000 : f32
        %sub3A_437 = vector.broadcast %sub3A_436 : f32 to vector<16xf32>
        %sub3A_438 = arith.subf %add3A_435, %sub3A_437 : vector<16xf32>
        %div3A_439 = arith.constant 1.000000e-01 : f32
        %div3A_440 = vector.broadcast %div3A_439 : f32 to vector<16xf32>
        %div3A_441 = arith.divf %get3A_422, %div3A_440 : vector<16xf32>
        %add3A_442 = arith.constant 2.000000e+02 : f32
        %add3A_443 = vector.broadcast %add3A_442 : f32 to vector<16xf32>
        %add3A_444 = arith.addf %div3A_441, %add3A_443 : vector<16xf32>
        %add3A_445 = arith.constant 0x4B400000 : f32
        %add3A_446 = vector.broadcast %add3A_445 : f32 to vector<16xf32>
        %add3A_447 = arith.addf %add3A_444, %add3A_446 : vector<16xf32>
        %sub3A_448 = arith.constant 0x4B400000 : f32
        %sub3A_449 = vector.broadcast %sub3A_448 : f32 to vector<16xf32>
        %sub3A_450 = arith.subf %add3A_447, %sub3A_449 : vector<16xf32>
        %lt3A_451 = arith.constant 0.000000e+00 : f32
        %lt3A_452 = vector.broadcast %lt3A_451 : f32 to vector<16xf32>
        %lt3A_453 = arith.cmpf olt, %get3A_424, %lt3A_452 : vector<16xf32>
        %gt3A_454 = arith.constant -1.000000e+00 : f32
        %gt3A_455 = vector.broadcast %gt3A_454 : f32 to vector<16xf32>
        %gt3A_456 = arith.cmpf ogt, %get3A_424, %gt3A_455 : vector<16xf32>
        %and3A_457 = arith.andi %lt3A_453, %gt3A_456 : vector<16xi1>
        %ge3A_458 = arith.constant 1.200000e+02 : f32
        %ge3A_459 = vector.broadcast %ge3A_458 : f32 to vector<16xf32>
        %ge3A_460 = arith.cmpf oge, %sub3A_438, %ge3A_459 : vector<16xf32>
        %lt3A_461 = arith.constant 2.800000e+02 : f32
        %lt3A_462 = vector.broadcast %lt3A_461 : f32 to vector<16xf32>
        %lt3A_463 = arith.cmpf olt, %sub3A_438, %lt3A_462 : vector<16xf32>
        %and3A_464 = arith.andi %ge3A_460, %lt3A_463 : vector<16xi1>
        %ge3A_465 = arith.constant 1.280000e+02 : f32
        %ge3A_466 = vector.broadcast %ge3A_465 : f32 to vector<16xf32>
        %ge3A_467 = arith.cmpf oge, %sub3A_450, %ge3A_466 : vector<16xf32>
        %and3A_468 = arith.andi %and3A_464, %ge3A_467 : vector<16xi1>
        %lt3A_469 = arith.constant 2.720000e+02 : f32
        %lt3A_470 = vector.broadcast %lt3A_469 : f32 to vector<16xf32>
        %lt3A_471 = arith.cmpf olt, %sub3A_450, %lt3A_470 : vector<16xf32>
        %and3A_472 = arith.andi %and3A_468, %lt3A_471 : vector<16xi1>
        %and3A_473 = arith.andi %and3A_472, %and3A_457 : vector<16xi1>
        %mul3A_474 = arith.constant 1.440000e+02 : f32
        %mul3A_475 = vector.broadcast %mul3A_474 : f32 to vector<16xf32>
        %mul3A_476 = arith.mulf %sub3A_438, %mul3A_475 : vector<16xf32>
        %add3A_477 = arith.addf %mul3A_476, %sub3A_450 : vector<16xf32>
        %sub3A_478 = arith.constant 1.740800e+04 : f32
        %sub3A_479 = vector.broadcast %sub3A_478 : f32 to vector<16xf32>
        %sub3A_480 = arith.subf %add3A_477, %sub3A_479 : vector<16xf32>
        %jit3A_481 = arith.constant 0.000000e+00 : f32
        %broadcast_in_dim3A_482 = vector.broadcast %jit3A_481 : f32 to vector<16xf32>
        %select_n3A_483 = arith.select %and3A_473, %sub3A_480, %broadcast_in_dim3A_482 : vector<16xi1>, vector<16xf32>
        %convert_element_type3A_484 = arith.fptosi %select_n3A_483 : vector<16xf32> to vector<16xi32>
        tpu.vector_store_idx %arg15[%convert_element_type3A_484], %broadcast_in_dim3A_3 masked %and3A_473 {add = true} : memref<23040xf32, #tpu.memory_space<vmem>>[vector<16xi32>], vector<16xf32>, vector<16xi1>
        %not3A_485 = arith.constant dense<true> : vector<16xi1>
        %not3A_486 = arith.xori %and3A_473, %not3A_485 : vector<16xi1>
        %and3A_487 = arith.andi %and3A_457, %not3A_486 : vector<16xi1>
        %or3A_488 = arith.ori %or3A_416, %and3A_487 : vector<16xi1>
        %mul3A_489 = arith.constant 128 : i32
        %mul3A_490 = arith.muli %scan3A_137, %mul3A_489 : i32
        %add3A_491 = arith.constant 80 : i32
        %add3A_492 = arith.addi %mul3A_490, %add3A_491 : i32
        %get3A_493 = arith.index_cast %add3A_492 : i32 to index
        %get3A_494 = tpu.vector_load %arg7[%get3A_493] {strides = array<i32>} : memref<2048xf32, #tpu.memory_space<vmem>>, vector<16xf32>,
        %get3A_495 = arith.index_cast %add3A_492 : i32 to index
        %get3A_496 = tpu.vector_load %arg8[%get3A_495] {strides = array<i32>} : memref<2048xf32, #tpu.memory_space<vmem>>, vector<16xf32>,
        %get3A_497 = arith.index_cast %add3A_492 : i32 to index
        %get3A_498 = tpu.vector_load %arg9[%get3A_497] {strides = array<i32>} : memref<2048xf32, #tpu.memory_space<vmem>>, vector<16xf32>,
        %div3A_499 = arith.constant 1.000000e-01 : f32
        %div3A_500 = vector.broadcast %div3A_499 : f32 to vector<16xf32>
        %div3A_501 = arith.divf %get3A_498, %div3A_500 : vector<16xf32>
        %add3A_502 = arith.constant 2.000000e+02 : f32
        %add3A_503 = vector.broadcast %add3A_502 : f32 to vector<16xf32>
        %add3A_504 = arith.addf %div3A_501, %add3A_503 : vector<16xf32>
        %add3A_505 = arith.constant 0x4B400000 : f32
        %add3A_506 = vector.broadcast %add3A_505 : f32 to vector<16xf32>
        %add3A_507 = arith.addf %add3A_504, %add3A_506 : vector<16xf32>
        %sub3A_508 = arith.constant 0x4B400000 : f32
        %sub3A_509 = vector.broadcast %sub3A_508 : f32 to vector<16xf32>
        %sub3A_510 = arith.subf %add3A_507, %sub3A_509 : vector<16xf32>
        %div3A_511 = arith.constant 1.000000e-01 : f32
        %div3A_512 = vector.broadcast %div3A_511 : f32 to vector<16xf32>
        %div3A_513 = arith.divf %get3A_494, %div3A_512 : vector<16xf32>
        %add3A_514 = arith.constant 2.000000e+02 : f32
        %add3A_515 = vector.broadcast %add3A_514 : f32 to vector<16xf32>
        %add3A_516 = arith.addf %div3A_513, %add3A_515 : vector<16xf32>
        %add3A_517 = arith.constant 0x4B400000 : f32
        %add3A_518 = vector.broadcast %add3A_517 : f32 to vector<16xf32>
        %add3A_519 = arith.addf %add3A_516, %add3A_518 : vector<16xf32>
        %sub3A_520 = arith.constant 0x4B400000 : f32
        %sub3A_521 = vector.broadcast %sub3A_520 : f32 to vector<16xf32>
        %sub3A_522 = arith.subf %add3A_519, %sub3A_521 : vector<16xf32>
        %lt3A_523 = arith.constant 0.000000e+00 : f32
        %lt3A_524 = vector.broadcast %lt3A_523 : f32 to vector<16xf32>
        %lt3A_525 = arith.cmpf olt, %get3A_496, %lt3A_524 : vector<16xf32>
        %gt3A_526 = arith.constant -1.000000e+00 : f32
        %gt3A_527 = vector.broadcast %gt3A_526 : f32 to vector<16xf32>
        %gt3A_528 = arith.cmpf ogt, %get3A_496, %gt3A_527 : vector<16xf32>
        %and3A_529 = arith.andi %lt3A_525, %gt3A_528 : vector<16xi1>
        %ge3A_530 = arith.constant 1.200000e+02 : f32
        %ge3A_531 = vector.broadcast %ge3A_530 : f32 to vector<16xf32>
        %ge3A_532 = arith.cmpf oge, %sub3A_510, %ge3A_531 : vector<16xf32>
        %lt3A_533 = arith.constant 2.800000e+02 : f32
        %lt3A_534 = vector.broadcast %lt3A_533 : f32 to vector<16xf32>
        %lt3A_535 = arith.cmpf olt, %sub3A_510, %lt3A_534 : vector<16xf32>
        %and3A_536 = arith.andi %ge3A_532, %lt3A_535 : vector<16xi1>
        %ge3A_537 = arith.constant 1.280000e+02 : f32
        %ge3A_538 = vector.broadcast %ge3A_537 : f32 to vector<16xf32>
        %ge3A_539 = arith.cmpf oge, %sub3A_522, %ge3A_538 : vector<16xf32>
        %and3A_540 = arith.andi %and3A_536, %ge3A_539 : vector<16xi1>
        %lt3A_541 = arith.constant 2.720000e+02 : f32
        %lt3A_542 = vector.broadcast %lt3A_541 : f32 to vector<16xf32>
        %lt3A_543 = arith.cmpf olt, %sub3A_522, %lt3A_542 : vector<16xf32>
        %and3A_544 = arith.andi %and3A_540, %lt3A_543 : vector<16xi1>
        %and3A_545 = arith.andi %and3A_544, %and3A_529 : vector<16xi1>
        %mul3A_546 = arith.constant 1.440000e+02 : f32
        %mul3A_547 = vector.broadcast %mul3A_546 : f32 to vector<16xf32>
        %mul3A_548 = arith.mulf %sub3A_510, %mul3A_547 : vector<16xf32>
        %add3A_549 = arith.addf %mul3A_548, %sub3A_522 : vector<16xf32>
        %sub3A_550 = arith.constant 1.740800e+04 : f32
        %sub3A_551 = vector.broadcast %sub3A_550 : f32 to vector<16xf32>
        %sub3A_552 = arith.subf %add3A_549, %sub3A_551 : vector<16xf32>
        %jit3A_553 = arith.constant 0.000000e+00 : f32
        %broadcast_in_dim3A_554 = vector.broadcast %jit3A_553 : f32 to vector<16xf32>
        %select_n3A_555 = arith.select %and3A_545, %sub3A_552, %broadcast_in_dim3A_554 : vector<16xi1>, vector<16xf32>
        %convert_element_type3A_556 = arith.fptosi %select_n3A_555 : vector<16xf32> to vector<16xi32>
        tpu.vector_store_idx %arg15[%convert_element_type3A_556], %broadcast_in_dim3A_3 masked %and3A_545 {add = true} : memref<23040xf32, #tpu.memory_space<vmem>>[vector<16xi32>], vector<16xf32>, vector<16xi1>
        %not3A_557 = arith.constant dense<true> : vector<16xi1>
        %not3A_558 = arith.xori %and3A_545, %not3A_557 : vector<16xi1>
        %and3A_559 = arith.andi %and3A_529, %not3A_558 : vector<16xi1>
        %or3A_560 = arith.ori %or3A_488, %and3A_559 : vector<16xi1>
        %mul3A_561 = arith.constant 128 : i32
        %mul3A_562 = arith.muli %scan3A_137, %mul3A_561 : i32
        %add3A_563 = arith.constant 96 : i32
        %add3A_564 = arith.addi %mul3A_562, %add3A_563 : i32
        %get3A_565 = arith.index_cast %add3A_564 : i32 to index
        %get3A_566 = tpu.vector_load %arg7[%get3A_565] {strides = array<i32>} : memref<2048xf32, #tpu.memory_space<vmem>>, vector<16xf32>,
        %get3A_567 = arith.index_cast %add3A_564 : i32 to index
        %get3A_568 = tpu.vector_load %arg8[%get3A_567] {strides = array<i32>} : memref<2048xf32, #tpu.memory_space<vmem>>, vector<16xf32>,
        %get3A_569 = arith.index_cast %add3A_564 : i32 to index
        %get3A_570 = tpu.vector_load %arg9[%get3A_569] {strides = array<i32>} : memref<2048xf32, #tpu.memory_space<vmem>>, vector<16xf32>,
        %div3A_571 = arith.constant 1.000000e-01 : f32
        %div3A_572 = vector.broadcast %div3A_571 : f32 to vector<16xf32>
        %div3A_573 = arith.divf %get3A_570, %div3A_572 : vector<16xf32>
        %add3A_574 = arith.constant 2.000000e+02 : f32
        %add3A_575 = vector.broadcast %add3A_574 : f32 to vector<16xf32>
        %add3A_576 = arith.addf %div3A_573, %add3A_575 : vector<16xf32>
        %add3A_577 = arith.constant 0x4B400000 : f32
        %add3A_578 = vector.broadcast %add3A_577 : f32 to vector<16xf32>
        %add3A_579 = arith.addf %add3A_576, %add3A_578 : vector<16xf32>
        %sub3A_580 = arith.constant 0x4B400000 : f32
        %sub3A_581 = vector.broadcast %sub3A_580 : f32 to vector<16xf32>
        %sub3A_582 = arith.subf %add3A_579, %sub3A_581 : vector<16xf32>
        %div3A_583 = arith.constant 1.000000e-01 : f32
        %div3A_584 = vector.broadcast %div3A_583 : f32 to vector<16xf32>
        %div3A_585 = arith.divf %get3A_566, %div3A_584 : vector<16xf32>
        %add3A_586 = arith.constant 2.000000e+02 : f32
        %add3A_587 = vector.broadcast %add3A_586 : f32 to vector<16xf32>
        %add3A_588 = arith.addf %div3A_585, %add3A_587 : vector<16xf32>
        %add3A_589 = arith.constant 0x4B400000 : f32
        %add3A_590 = vector.broadcast %add3A_589 : f32 to vector<16xf32>
        %add3A_591 = arith.addf %add3A_588, %add3A_590 : vector<16xf32>
        %sub3A_592 = arith.constant 0x4B400000 : f32
        %sub3A_593 = vector.broadcast %sub3A_592 : f32 to vector<16xf32>
        %sub3A_594 = arith.subf %add3A_591, %sub3A_593 : vector<16xf32>
        %lt3A_595 = arith.constant 0.000000e+00 : f32
        %lt3A_596 = vector.broadcast %lt3A_595 : f32 to vector<16xf32>
        %lt3A_597 = arith.cmpf olt, %get3A_568, %lt3A_596 : vector<16xf32>
        %gt3A_598 = arith.constant -1.000000e+00 : f32
        %gt3A_599 = vector.broadcast %gt3A_598 : f32 to vector<16xf32>
        %gt3A_600 = arith.cmpf ogt, %get3A_568, %gt3A_599 : vector<16xf32>
        %and3A_601 = arith.andi %lt3A_597, %gt3A_600 : vector<16xi1>
        %ge3A_602 = arith.constant 1.200000e+02 : f32
        %ge3A_603 = vector.broadcast %ge3A_602 : f32 to vector<16xf32>
        %ge3A_604 = arith.cmpf oge, %sub3A_582, %ge3A_603 : vector<16xf32>
        %lt3A_605 = arith.constant 2.800000e+02 : f32
        %lt3A_606 = vector.broadcast %lt3A_605 : f32 to vector<16xf32>
        %lt3A_607 = arith.cmpf olt, %sub3A_582, %lt3A_606 : vector<16xf32>
        %and3A_608 = arith.andi %ge3A_604, %lt3A_607 : vector<16xi1>
        %ge3A_609 = arith.constant 1.280000e+02 : f32
        %ge3A_610 = vector.broadcast %ge3A_609 : f32 to vector<16xf32>
        %ge3A_611 = arith.cmpf oge, %sub3A_594, %ge3A_610 : vector<16xf32>
        %and3A_612 = arith.andi %and3A_608, %ge3A_611 : vector<16xi1>
        %lt3A_613 = arith.constant 2.720000e+02 : f32
        %lt3A_614 = vector.broadcast %lt3A_613 : f32 to vector<16xf32>
        %lt3A_615 = arith.cmpf olt, %sub3A_594, %lt3A_614 : vector<16xf32>
        %and3A_616 = arith.andi %and3A_612, %lt3A_615 : vector<16xi1>
        %and3A_617 = arith.andi %and3A_616, %and3A_601 : vector<16xi1>
        %mul3A_618 = arith.constant 1.440000e+02 : f32
        %mul3A_619 = vector.broadcast %mul3A_618 : f32 to vector<16xf32>
        %mul3A_620 = arith.mulf %sub3A_582, %mul3A_619 : vector<16xf32>
        %add3A_621 = arith.addf %mul3A_620, %sub3A_594 : vector<16xf32>
        %sub3A_622 = arith.constant 1.740800e+04 : f32
        %sub3A_623 = vector.broadcast %sub3A_622 : f32 to vector<16xf32>
        %sub3A_624 = arith.subf %add3A_621, %sub3A_623 : vector<16xf32>
        %jit3A_625 = arith.constant 0.000000e+00 : f32
        %broadcast_in_dim3A_626 = vector.broadcast %jit3A_625 : f32 to vector<16xf32>
        %select_n3A_627 = arith.select %and3A_617, %sub3A_624, %broadcast_in_dim3A_626 : vector<16xi1>, vector<16xf32>
        %convert_element_type3A_628 = arith.fptosi %select_n3A_627 : vector<16xf32> to vector<16xi32>
        tpu.vector_store_idx %arg15[%convert_element_type3A_628], %broadcast_in_dim3A_3 masked %and3A_617 {add = true} : memref<23040xf32, #tpu.memory_space<vmem>>[vector<16xi32>], vector<16xf32>, vector<16xi1>
        %not3A_629 = arith.constant dense<true> : vector<16xi1>
        %not3A_630 = arith.xori %and3A_617, %not3A_629 : vector<16xi1>
        %and3A_631 = arith.andi %and3A_601, %not3A_630 : vector<16xi1>
        %or3A_632 = arith.ori %or3A_560, %and3A_631 : vector<16xi1>
        %mul3A_633 = arith.constant 128 : i32
        %mul3A_634 = arith.muli %scan3A_137, %mul3A_633 : i32
        %add3A_635 = arith.constant 112 : i32
        %add3A_636 = arith.addi %mul3A_634, %add3A_635 : i32
        %get3A_637 = arith.index_cast %add3A_636 : i32 to index
        %get3A_638 = tpu.vector_load %arg7[%get3A_637] {strides = array<i32>} : memref<2048xf32, #tpu.memory_space<vmem>>, vector<16xf32>,
        %get3A_639 = arith.index_cast %add3A_636 : i32 to index
        %get3A_640 = tpu.vector_load %arg8[%get3A_639] {strides = array<i32>} : memref<2048xf32, #tpu.memory_space<vmem>>, vector<16xf32>,
        %get3A_641 = arith.index_cast %add3A_636 : i32 to index
        %get3A_642 = tpu.vector_load %arg9[%get3A_641] {strides = array<i32>} : memref<2048xf32, #tpu.memory_space<vmem>>, vector<16xf32>,
        %div3A_643 = arith.constant 1.000000e-01 : f32
        %div3A_644 = vector.broadcast %div3A_643 : f32 to vector<16xf32>
        %div3A_645 = arith.divf %get3A_642, %div3A_644 : vector<16xf32>
        %add3A_646 = arith.constant 2.000000e+02 : f32
        %add3A_647 = vector.broadcast %add3A_646 : f32 to vector<16xf32>
        %add3A_648 = arith.addf %div3A_645, %add3A_647 : vector<16xf32>
        %add3A_649 = arith.constant 0x4B400000 : f32
        %add3A_650 = vector.broadcast %add3A_649 : f32 to vector<16xf32>
        %add3A_651 = arith.addf %add3A_648, %add3A_650 : vector<16xf32>
        %sub3A_652 = arith.constant 0x4B400000 : f32
        %sub3A_653 = vector.broadcast %sub3A_652 : f32 to vector<16xf32>
        %sub3A_654 = arith.subf %add3A_651, %sub3A_653 : vector<16xf32>
        %div3A_655 = arith.constant 1.000000e-01 : f32
        %div3A_656 = vector.broadcast %div3A_655 : f32 to vector<16xf32>
        %div3A_657 = arith.divf %get3A_638, %div3A_656 : vector<16xf32>
        %add3A_658 = arith.constant 2.000000e+02 : f32
        %add3A_659 = vector.broadcast %add3A_658 : f32 to vector<16xf32>
        %add3A_660 = arith.addf %div3A_657, %add3A_659 : vector<16xf32>
        %add3A_661 = arith.constant 0x4B400000 : f32
        %add3A_662 = vector.broadcast %add3A_661 : f32 to vector<16xf32>
        %add3A_663 = arith.addf %add3A_660, %add3A_662 : vector<16xf32>
        %sub3A_664 = arith.constant 0x4B400000 : f32
        %sub3A_665 = vector.broadcast %sub3A_664 : f32 to vector<16xf32>
        %sub3A_666 = arith.subf %add3A_663, %sub3A_665 : vector<16xf32>
        %lt3A_667 = arith.constant 0.000000e+00 : f32
        %lt3A_668 = vector.broadcast %lt3A_667 : f32 to vector<16xf32>
        %lt3A_669 = arith.cmpf olt, %get3A_640, %lt3A_668 : vector<16xf32>
        %gt3A_670 = arith.constant -1.000000e+00 : f32
        %gt3A_671 = vector.broadcast %gt3A_670 : f32 to vector<16xf32>
        %gt3A_672 = arith.cmpf ogt, %get3A_640, %gt3A_671 : vector<16xf32>
        %and3A_673 = arith.andi %lt3A_669, %gt3A_672 : vector<16xi1>
        %ge3A_674 = arith.constant 1.200000e+02 : f32
        %ge3A_675 = vector.broadcast %ge3A_674 : f32 to vector<16xf32>
        %ge3A_676 = arith.cmpf oge, %sub3A_654, %ge3A_675 : vector<16xf32>
        %lt3A_677 = arith.constant 2.800000e+02 : f32
        %lt3A_678 = vector.broadcast %lt3A_677 : f32 to vector<16xf32>
        %lt3A_679 = arith.cmpf olt, %sub3A_654, %lt3A_678 : vector<16xf32>
        %and3A_680 = arith.andi %ge3A_676, %lt3A_679 : vector<16xi1>
        %ge3A_681 = arith.constant 1.280000e+02 : f32
        %ge3A_682 = vector.broadcast %ge3A_681 : f32 to vector<16xf32>
        %ge3A_683 = arith.cmpf oge, %sub3A_666, %ge3A_682 : vector<16xf32>
        %and3A_684 = arith.andi %and3A_680, %ge3A_683 : vector<16xi1>
        %lt3A_685 = arith.constant 2.720000e+02 : f32
        %lt3A_686 = vector.broadcast %lt3A_685 : f32 to vector<16xf32>
        %lt3A_687 = arith.cmpf olt, %sub3A_666, %lt3A_686 : vector<16xf32>
        %and3A_688 = arith.andi %and3A_684, %lt3A_687 : vector<16xi1>
        %and3A_689 = arith.andi %and3A_688, %and3A_673 : vector<16xi1>
        %mul3A_690 = arith.constant 1.440000e+02 : f32
        %mul3A_691 = vector.broadcast %mul3A_690 : f32 to vector<16xf32>
        %mul3A_692 = arith.mulf %sub3A_654, %mul3A_691 : vector<16xf32>
        %add3A_693 = arith.addf %mul3A_692, %sub3A_666 : vector<16xf32>
        %sub3A_694 = arith.constant 1.740800e+04 : f32
        %sub3A_695 = vector.broadcast %sub3A_694 : f32 to vector<16xf32>
        %sub3A_696 = arith.subf %add3A_693, %sub3A_695 : vector<16xf32>
        %jit3A_697 = arith.constant 0.000000e+00 : f32
        %broadcast_in_dim3A_698 = vector.broadcast %jit3A_697 : f32 to vector<16xf32>
        %select_n3A_699 = arith.select %and3A_689, %sub3A_696, %broadcast_in_dim3A_698 : vector<16xi1>, vector<16xf32>
        %convert_element_type3A_700 = arith.fptosi %select_n3A_699 : vector<16xf32> to vector<16xi32>
        tpu.vector_store_idx %arg15[%convert_element_type3A_700], %broadcast_in_dim3A_3 masked %and3A_689 {add = true} : memref<23040xf32, #tpu.memory_space<vmem>>[vector<16xi32>], vector<16xf32>, vector<16xi1>
        %not3A_701 = arith.constant dense<true> : vector<16xi1>
        %not3A_702 = arith.xori %and3A_689, %not3A_701 : vector<16xi1>
        %and3A_703 = arith.andi %and3A_673, %not3A_702 : vector<16xi1>
        %or3A_704 = arith.ori %or3A_632, %and3A_703 : vector<16xi1>
        scf.yield %or3A_704 : vector<16xi1>
      }
      %scan3A_78 = arith.constant 16 : i32
      %reduce_or3A = arith.constant 1.000000e+00 : f32
      %reduce_or3A_79 = arith.constant 0.000000e+00 : f32
      %reduce_or3A_80 = vector.broadcast %reduce_or3A : f32 to vector<16xf32>
      %reduce_or3A_81 = vector.broadcast %reduce_or3A_79 : f32 to vector<16xf32>
      %reduce_or3A_82 = arith.select %scan3A_77, %reduce_or3A_80, %reduce_or3A_81 : vector<16xi1>, vector<16xf32>
      %reduce_or3A_83 = arith.constant true
      %reduce_or3A_84 = vector.broadcast %reduce_or3A_83 : i1 to vector<16xi1>
      %reduce_or3A_85 = tpu.scan <max>, %reduce_or3A_82 masked %reduce_or3A_84 : vector<16xf32>, vector<16xi1> -> vector<16xf32>
      %reduce_or3A_86 = vector.extract %reduce_or3A_85[15] : f32 from vector<16xf32>
      %reduce_or3A_87 = arith.constant 0.000000e+00 : f32
      %reduce_or3A_88 = arith.cmpf ogt, %reduce_or3A_86, %reduce_or3A_87 : f32
      %convert_element_type3A = arith.extui %reduce_or3A_88 : i1 to i32
      %cond3A = arith.constant 0 : i32
      %cond3A_89 = arith.cmpi ne, %convert_element_type3A, %cond3A : i32
      scf.if %cond3A_89 {
        %scan3A_137 = arith.constant 0 : i32
        %scan3A_138 = arith.constant 16 : i32
        %scan3A_139 = arith.addi %scan3A_137, %scan3A_138 : i32
        %scan3A_140 = arith.constant 1 : i32
        scf.for %scan3A_142 = %scan3A_137 to %scan3A_139 step %scan3A_140  : i32 {
          %mul3A_143 = arith.constant 128 : i32
          %mul3A_144 = arith.muli %scan3A_142, %mul3A_143 : i32
          %add3A_145 = arith.constant 0 : i32
          %add3A_146 = arith.addi %mul3A_144, %add3A_145 : i32
          %get3A = arith.index_cast %add3A_146 : i32 to index
          %get3A_147 = tpu.vector_load %arg7[%get3A] {strides = array<i32>} : memref<2048xf32, #tpu.memory_space<vmem>>, vector<16xf32>,
          %get3A_148 = arith.index_cast %add3A_146 : i32 to index
          %get3A_149 = tpu.vector_load %arg8[%get3A_148] {strides = array<i32>} : memref<2048xf32, #tpu.memory_space<vmem>>, vector<16xf32>,
          %get3A_150 = arith.index_cast %add3A_146 : i32 to index
          %get3A_151 = tpu.vector_load %arg9[%get3A_150] {strides = array<i32>} : memref<2048xf32, #tpu.memory_space<vmem>>, vector<16xf32>,
          %div3A = arith.constant 1.000000e-01 : f32
          %div3A_152 = vector.broadcast %div3A : f32 to vector<16xf32>
          %div3A_153 = arith.divf %get3A_151, %div3A_152 : vector<16xf32>
          %add3A_154 = arith.constant 2.000000e+02 : f32
          %add3A_155 = vector.broadcast %add3A_154 : f32 to vector<16xf32>
          %add3A_156 = arith.addf %div3A_153, %add3A_155 : vector<16xf32>
          %add3A_157 = arith.constant 0x4B400000 : f32
          %add3A_158 = vector.broadcast %add3A_157 : f32 to vector<16xf32>
          %add3A_159 = arith.addf %add3A_156, %add3A_158 : vector<16xf32>
          %sub3A = arith.constant 0x4B400000 : f32
          %sub3A_160 = vector.broadcast %sub3A : f32 to vector<16xf32>
          %sub3A_161 = arith.subf %add3A_159, %sub3A_160 : vector<16xf32>
          %div3A_162 = arith.constant 1.000000e-01 : f32
          %div3A_163 = vector.broadcast %div3A_162 : f32 to vector<16xf32>
          %div3A_164 = arith.divf %get3A_147, %div3A_163 : vector<16xf32>
          %add3A_165 = arith.constant 2.000000e+02 : f32
          %add3A_166 = vector.broadcast %add3A_165 : f32 to vector<16xf32>
          %add3A_167 = arith.addf %div3A_164, %add3A_166 : vector<16xf32>
          %add3A_168 = arith.constant 0x4B400000 : f32
          %add3A_169 = vector.broadcast %add3A_168 : f32 to vector<16xf32>
          %add3A_170 = arith.addf %add3A_167, %add3A_169 : vector<16xf32>
          %sub3A_171 = arith.constant 0x4B400000 : f32
          %sub3A_172 = vector.broadcast %sub3A_171 : f32 to vector<16xf32>
          %sub3A_173 = arith.subf %add3A_170, %sub3A_172 : vector<16xf32>
          %lt3A_174 = arith.constant 0.000000e+00 : f32
          %lt3A_175 = vector.broadcast %lt3A_174 : f32 to vector<16xf32>
          %lt3A_176 = arith.cmpf olt, %get3A_149, %lt3A_175 : vector<16xf32>
          %gt3A = arith.constant -1.000000e+00 : f32
          %gt3A_177 = vector.broadcast %gt3A : f32 to vector<16xf32>
          %gt3A_178 = arith.cmpf ogt, %get3A_149, %gt3A_177 : vector<16xf32>
          %and3A = arith.andi %lt3A_176, %gt3A_178 : vector<16xi1>
          %ge3A = arith.constant 1.200000e+02 : f32
          %ge3A_179 = vector.broadcast %ge3A : f32 to vector<16xf32>
          %ge3A_180 = arith.cmpf oge, %sub3A_161, %ge3A_179 : vector<16xf32>
          %lt3A_181 = arith.constant 2.800000e+02 : f32
          %lt3A_182 = vector.broadcast %lt3A_181 : f32 to vector<16xf32>
          %lt3A_183 = arith.cmpf olt, %sub3A_161, %lt3A_182 : vector<16xf32>
          %and3A_184 = arith.andi %ge3A_180, %lt3A_183 : vector<16xi1>
          %ge3A_185 = arith.constant 1.280000e+02 : f32
          %ge3A_186 = vector.broadcast %ge3A_185 : f32 to vector<16xf32>
          %ge3A_187 = arith.cmpf oge, %sub3A_173, %ge3A_186 : vector<16xf32>
          %and3A_188 = arith.andi %and3A_184, %ge3A_187 : vector<16xi1>
          %lt3A_189 = arith.constant 2.720000e+02 : f32
          %lt3A_190 = vector.broadcast %lt3A_189 : f32 to vector<16xf32>
          %lt3A_191 = arith.cmpf olt, %sub3A_173, %lt3A_190 : vector<16xf32>
          %and3A_192 = arith.andi %and3A_188, %lt3A_191 : vector<16xi1>
          %ge3A_193 = arith.constant 0.000000e+00 : f32
          %ge3A_194 = vector.broadcast %ge3A_193 : f32 to vector<16xf32>
          %ge3A_195 = arith.cmpf oge, %sub3A_161, %ge3A_194 : vector<16xf32>
          %le3A = arith.constant 3.990000e+02 : f32
          %le3A_196 = vector.broadcast %le3A : f32 to vector<16xf32>
          %le3A_197 = arith.cmpf ole, %sub3A_161, %le3A_196 : vector<16xf32>
          %and3A_198 = arith.andi %ge3A_195, %le3A_197 : vector<16xi1>
          %ge3A_199 = arith.constant 0.000000e+00 : f32
          %ge3A_200 = vector.broadcast %ge3A_199 : f32 to vector<16xf32>
          %ge3A_201 = arith.cmpf oge, %sub3A_173, %ge3A_200 : vector<16xf32>
          %and3A_202 = arith.andi %and3A_198, %ge3A_201 : vector<16xi1>
          %le3A_203 = arith.constant 3.990000e+02 : f32
          %le3A_204 = vector.broadcast %le3A_203 : f32 to vector<16xf32>
          %le3A_205 = arith.cmpf ole, %sub3A_173, %le3A_204 : vector<16xf32>
          %and3A_206 = arith.andi %and3A_202, %le3A_205 : vector<16xi1>
          %and3A_207 = arith.andi %and3A, %and3A_206 : vector<16xi1>
          %not3A = arith.constant dense<true> : vector<16xi1>
          %not3A_208 = arith.xori %and3A_192, %not3A : vector<16xi1>
          %and3A_209 = arith.andi %and3A_207, %not3A_208 : vector<16xi1>
          %mul3A_210 = arith.constant 4.000000e+02 : f32
          %mul3A_211 = vector.broadcast %mul3A_210 : f32 to vector<16xf32>
          %mul3A_212 = arith.mulf %sub3A_161, %mul3A_211 : vector<16xf32>
          %add3A_213 = arith.addf %mul3A_212, %sub3A_173 : vector<16xf32>
          %jit3A = arith.constant 1.600000e+05 : f32
          %broadcast_in_dim3A_214 = vector.broadcast %jit3A : f32 to vector<16xf32>
          %select_n3A = arith.select %and3A_209, %add3A_213, %broadcast_in_dim3A_214 : vector<16xi1>, vector<16xf32>
          %convert_element_type3A_215 = arith.fptosi %select_n3A : vector<16xf32> to vector<16xi32>
          %swap3A_216 = arith.constant 0 : i32
          %swap3A_217 = arith.index_cast %swap3A_216 : i32 to index
          %swap3A_218 = arith.constant 0 : index
          %swap3A_219 = tpu.vector_load %arg13[%swap3A_217, %swap3A_218] {strides = array<i32>} : memref<1x128xi32, #tpu.memory_space<vmem>>, vector<16xi32>,
          tpu.vector_store %arg13[%swap3A_217, %swap3A_218], %convert_element_type3A_215 {strides = array<i32>} : memref<1x128xi32, #tpu.memory_space<vmem>>, vector<16xi32>,
          %mul3A_220 = arith.constant 128 : i32
          %mul3A_221 = arith.muli %scan3A_142, %mul3A_220 : i32
          %add3A_222 = arith.constant 16 : i32
          %add3A_223 = arith.addi %mul3A_221, %add3A_222 : i32
          %get3A_224 = arith.index_cast %add3A_223 : i32 to index
          %get3A_225 = tpu.vector_load %arg7[%get3A_224] {strides = array<i32>} : memref<2048xf32, #tpu.memory_space<vmem>>, vector<16xf32>,
          %get3A_226 = arith.index_cast %add3A_223 : i32 to index
          %get3A_227 = tpu.vector_load %arg8[%get3A_226] {strides = array<i32>} : memref<2048xf32, #tpu.memory_space<vmem>>, vector<16xf32>,
          %get3A_228 = arith.index_cast %add3A_223 : i32 to index
          %get3A_229 = tpu.vector_load %arg9[%get3A_228] {strides = array<i32>} : memref<2048xf32, #tpu.memory_space<vmem>>, vector<16xf32>,
          %div3A_230 = arith.constant 1.000000e-01 : f32
          %div3A_231 = vector.broadcast %div3A_230 : f32 to vector<16xf32>
          %div3A_232 = arith.divf %get3A_229, %div3A_231 : vector<16xf32>
          %add3A_233 = arith.constant 2.000000e+02 : f32
          %add3A_234 = vector.broadcast %add3A_233 : f32 to vector<16xf32>
          %add3A_235 = arith.addf %div3A_232, %add3A_234 : vector<16xf32>
          %add3A_236 = arith.constant 0x4B400000 : f32
          %add3A_237 = vector.broadcast %add3A_236 : f32 to vector<16xf32>
          %add3A_238 = arith.addf %add3A_235, %add3A_237 : vector<16xf32>
          %sub3A_239 = arith.constant 0x4B400000 : f32
          %sub3A_240 = vector.broadcast %sub3A_239 : f32 to vector<16xf32>
          %sub3A_241 = arith.subf %add3A_238, %sub3A_240 : vector<16xf32>
          %div3A_242 = arith.constant 1.000000e-01 : f32
          %div3A_243 = vector.broadcast %div3A_242 : f32 to vector<16xf32>
          %div3A_244 = arith.divf %get3A_225, %div3A_243 : vector<16xf32>
          %add3A_245 = arith.constant 2.000000e+02 : f32
          %add3A_246 = vector.broadcast %add3A_245 : f32 to vector<16xf32>
          %add3A_247 = arith.addf %div3A_244, %add3A_246 : vector<16xf32>
          %add3A_248 = arith.constant 0x4B400000 : f32
          %add3A_249 = vector.broadcast %add3A_248 : f32 to vector<16xf32>
          %add3A_250 = arith.addf %add3A_247, %add3A_249 : vector<16xf32>
          %sub3A_251 = arith.constant 0x4B400000 : f32
          %sub3A_252 = vector.broadcast %sub3A_251 : f32 to vector<16xf32>
          %sub3A_253 = arith.subf %add3A_250, %sub3A_252 : vector<16xf32>
          %lt3A_254 = arith.constant 0.000000e+00 : f32
          %lt3A_255 = vector.broadcast %lt3A_254 : f32 to vector<16xf32>
          %lt3A_256 = arith.cmpf olt, %get3A_227, %lt3A_255 : vector<16xf32>
          %gt3A_257 = arith.constant -1.000000e+00 : f32
          %gt3A_258 = vector.broadcast %gt3A_257 : f32 to vector<16xf32>
          %gt3A_259 = arith.cmpf ogt, %get3A_227, %gt3A_258 : vector<16xf32>
          %and3A_260 = arith.andi %lt3A_256, %gt3A_259 : vector<16xi1>
          %ge3A_261 = arith.constant 1.200000e+02 : f32
          %ge3A_262 = vector.broadcast %ge3A_261 : f32 to vector<16xf32>
          %ge3A_263 = arith.cmpf oge, %sub3A_241, %ge3A_262 : vector<16xf32>
          %lt3A_264 = arith.constant 2.800000e+02 : f32
          %lt3A_265 = vector.broadcast %lt3A_264 : f32 to vector<16xf32>
          %lt3A_266 = arith.cmpf olt, %sub3A_241, %lt3A_265 : vector<16xf32>
          %and3A_267 = arith.andi %ge3A_263, %lt3A_266 : vector<16xi1>
          %ge3A_268 = arith.constant 1.280000e+02 : f32
          %ge3A_269 = vector.broadcast %ge3A_268 : f32 to vector<16xf32>
          %ge3A_270 = arith.cmpf oge, %sub3A_253, %ge3A_269 : vector<16xf32>
          %and3A_271 = arith.andi %and3A_267, %ge3A_270 : vector<16xi1>
          %lt3A_272 = arith.constant 2.720000e+02 : f32
          %lt3A_273 = vector.broadcast %lt3A_272 : f32 to vector<16xf32>
          %lt3A_274 = arith.cmpf olt, %sub3A_253, %lt3A_273 : vector<16xf32>
          %and3A_275 = arith.andi %and3A_271, %lt3A_274 : vector<16xi1>
          %ge3A_276 = arith.constant 0.000000e+00 : f32
          %ge3A_277 = vector.broadcast %ge3A_276 : f32 to vector<16xf32>
          %ge3A_278 = arith.cmpf oge, %sub3A_241, %ge3A_277 : vector<16xf32>
          %le3A_279 = arith.constant 3.990000e+02 : f32
          %le3A_280 = vector.broadcast %le3A_279 : f32 to vector<16xf32>
          %le3A_281 = arith.cmpf ole, %sub3A_241, %le3A_280 : vector<16xf32>
          %and3A_282 = arith.andi %ge3A_278, %le3A_281 : vector<16xi1>
          %ge3A_283 = arith.constant 0.000000e+00 : f32
          %ge3A_284 = vector.broadcast %ge3A_283 : f32 to vector<16xf32>
          %ge3A_285 = arith.cmpf oge, %sub3A_253, %ge3A_284 : vector<16xf32>
          %and3A_286 = arith.andi %and3A_282, %ge3A_285 : vector<16xi1>
          %le3A_287 = arith.constant 3.990000e+02 : f32
          %le3A_288 = vector.broadcast %le3A_287 : f32 to vector<16xf32>
          %le3A_289 = arith.cmpf ole, %sub3A_253, %le3A_288 : vector<16xf32>
          %and3A_290 = arith.andi %and3A_286, %le3A_289 : vector<16xi1>
          %and3A_291 = arith.andi %and3A_260, %and3A_290 : vector<16xi1>
          %not3A_292 = arith.constant dense<true> : vector<16xi1>
          %not3A_293 = arith.xori %and3A_275, %not3A_292 : vector<16xi1>
          %and3A_294 = arith.andi %and3A_291, %not3A_293 : vector<16xi1>
          %mul3A_295 = arith.constant 4.000000e+02 : f32
          %mul3A_296 = vector.broadcast %mul3A_295 : f32 to vector<16xf32>
          %mul3A_297 = arith.mulf %sub3A_241, %mul3A_296 : vector<16xf32>
          %add3A_298 = arith.addf %mul3A_297, %sub3A_253 : vector<16xf32>
          %jit3A_299 = arith.constant 1.600000e+05 : f32
          %broadcast_in_dim3A_300 = vector.broadcast %jit3A_299 : f32 to vector<16xf32>
          %select_n3A_301 = arith.select %and3A_294, %add3A_298, %broadcast_in_dim3A_300 : vector<16xi1>, vector<16xf32>
          %convert_element_type3A_302 = arith.fptosi %select_n3A_301 : vector<16xf32> to vector<16xi32>
          %swap3A_303 = arith.constant 0 : i32
          %swap3A_304 = arith.index_cast %swap3A_303 : i32 to index
          %swap3A_305 = arith.constant 16 : index
          %swap3A_306 = tpu.vector_load %arg13[%swap3A_304, %swap3A_305] {strides = array<i32>} : memref<1x128xi32, #tpu.memory_space<vmem>>, vector<16xi32>,
          tpu.vector_store %arg13[%swap3A_304, %swap3A_305], %convert_element_type3A_302 {strides = array<i32>} : memref<1x128xi32, #tpu.memory_space<vmem>>, vector<16xi32>,
          %mul3A_307 = arith.constant 128 : i32
          %mul3A_308 = arith.muli %scan3A_142, %mul3A_307 : i32
          %add3A_309 = arith.constant 32 : i32
          %add3A_310 = arith.addi %mul3A_308, %add3A_309 : i32
          %get3A_311 = arith.index_cast %add3A_310 : i32 to index
          %get3A_312 = tpu.vector_load %arg7[%get3A_311] {strides = array<i32>} : memref<2048xf32, #tpu.memory_space<vmem>>, vector<16xf32>,
          %get3A_313 = arith.index_cast %add3A_310 : i32 to index
          %get3A_314 = tpu.vector_load %arg8[%get3A_313] {strides = array<i32>} : memref<2048xf32, #tpu.memory_space<vmem>>, vector<16xf32>,
          %get3A_315 = arith.index_cast %add3A_310 : i32 to index
          %get3A_316 = tpu.vector_load %arg9[%get3A_315] {strides = array<i32>} : memref<2048xf32, #tpu.memory_space<vmem>>, vector<16xf32>,
          %div3A_317 = arith.constant 1.000000e-01 : f32
          %div3A_318 = vector.broadcast %div3A_317 : f32 to vector<16xf32>
          %div3A_319 = arith.divf %get3A_316, %div3A_318 : vector<16xf32>
          %add3A_320 = arith.constant 2.000000e+02 : f32
          %add3A_321 = vector.broadcast %add3A_320 : f32 to vector<16xf32>
          %add3A_322 = arith.addf %div3A_319, %add3A_321 : vector<16xf32>
          %add3A_323 = arith.constant 0x4B400000 : f32
          %add3A_324 = vector.broadcast %add3A_323 : f32 to vector<16xf32>
          %add3A_325 = arith.addf %add3A_322, %add3A_324 : vector<16xf32>
          %sub3A_326 = arith.constant 0x4B400000 : f32
          %sub3A_327 = vector.broadcast %sub3A_326 : f32 to vector<16xf32>
          %sub3A_328 = arith.subf %add3A_325, %sub3A_327 : vector<16xf32>
          %div3A_329 = arith.constant 1.000000e-01 : f32
          %div3A_330 = vector.broadcast %div3A_329 : f32 to vector<16xf32>
          %div3A_331 = arith.divf %get3A_312, %div3A_330 : vector<16xf32>
          %add3A_332 = arith.constant 2.000000e+02 : f32
          %add3A_333 = vector.broadcast %add3A_332 : f32 to vector<16xf32>
          %add3A_334 = arith.addf %div3A_331, %add3A_333 : vector<16xf32>
          %add3A_335 = arith.constant 0x4B400000 : f32
          %add3A_336 = vector.broadcast %add3A_335 : f32 to vector<16xf32>
          %add3A_337 = arith.addf %add3A_334, %add3A_336 : vector<16xf32>
          %sub3A_338 = arith.constant 0x4B400000 : f32
          %sub3A_339 = vector.broadcast %sub3A_338 : f32 to vector<16xf32>
          %sub3A_340 = arith.subf %add3A_337, %sub3A_339 : vector<16xf32>
          %lt3A_341 = arith.constant 0.000000e+00 : f32
          %lt3A_342 = vector.broadcast %lt3A_341 : f32 to vector<16xf32>
          %lt3A_343 = arith.cmpf olt, %get3A_314, %lt3A_342 : vector<16xf32>
          %gt3A_344 = arith.constant -1.000000e+00 : f32
          %gt3A_345 = vector.broadcast %gt3A_344 : f32 to vector<16xf32>
          %gt3A_346 = arith.cmpf ogt, %get3A_314, %gt3A_345 : vector<16xf32>
          %and3A_347 = arith.andi %lt3A_343, %gt3A_346 : vector<16xi1>
          %ge3A_348 = arith.constant 1.200000e+02 : f32
          %ge3A_349 = vector.broadcast %ge3A_348 : f32 to vector<16xf32>
          %ge3A_350 = arith.cmpf oge, %sub3A_328, %ge3A_349 : vector<16xf32>
          %lt3A_351 = arith.constant 2.800000e+02 : f32
          %lt3A_352 = vector.broadcast %lt3A_351 : f32 to vector<16xf32>
          %lt3A_353 = arith.cmpf olt, %sub3A_328, %lt3A_352 : vector<16xf32>
          %and3A_354 = arith.andi %ge3A_350, %lt3A_353 : vector<16xi1>
          %ge3A_355 = arith.constant 1.280000e+02 : f32
          %ge3A_356 = vector.broadcast %ge3A_355 : f32 to vector<16xf32>
          %ge3A_357 = arith.cmpf oge, %sub3A_340, %ge3A_356 : vector<16xf32>
          %and3A_358 = arith.andi %and3A_354, %ge3A_357 : vector<16xi1>
          %lt3A_359 = arith.constant 2.720000e+02 : f32
          %lt3A_360 = vector.broadcast %lt3A_359 : f32 to vector<16xf32>
          %lt3A_361 = arith.cmpf olt, %sub3A_340, %lt3A_360 : vector<16xf32>
          %and3A_362 = arith.andi %and3A_358, %lt3A_361 : vector<16xi1>
          %ge3A_363 = arith.constant 0.000000e+00 : f32
          %ge3A_364 = vector.broadcast %ge3A_363 : f32 to vector<16xf32>
          %ge3A_365 = arith.cmpf oge, %sub3A_328, %ge3A_364 : vector<16xf32>
          %le3A_366 = arith.constant 3.990000e+02 : f32
          %le3A_367 = vector.broadcast %le3A_366 : f32 to vector<16xf32>
          %le3A_368 = arith.cmpf ole, %sub3A_328, %le3A_367 : vector<16xf32>
          %and3A_369 = arith.andi %ge3A_365, %le3A_368 : vector<16xi1>
          %ge3A_370 = arith.constant 0.000000e+00 : f32
          %ge3A_371 = vector.broadcast %ge3A_370 : f32 to vector<16xf32>
          %ge3A_372 = arith.cmpf oge, %sub3A_340, %ge3A_371 : vector<16xf32>
          %and3A_373 = arith.andi %and3A_369, %ge3A_372 : vector<16xi1>
          %le3A_374 = arith.constant 3.990000e+02 : f32
          %le3A_375 = vector.broadcast %le3A_374 : f32 to vector<16xf32>
          %le3A_376 = arith.cmpf ole, %sub3A_340, %le3A_375 : vector<16xf32>
          %and3A_377 = arith.andi %and3A_373, %le3A_376 : vector<16xi1>
          %and3A_378 = arith.andi %and3A_347, %and3A_377 : vector<16xi1>
          %not3A_379 = arith.constant dense<true> : vector<16xi1>
          %not3A_380 = arith.xori %and3A_362, %not3A_379 : vector<16xi1>
          %and3A_381 = arith.andi %and3A_378, %not3A_380 : vector<16xi1>
          %mul3A_382 = arith.constant 4.000000e+02 : f32
          %mul3A_383 = vector.broadcast %mul3A_382 : f32 to vector<16xf32>
          %mul3A_384 = arith.mulf %sub3A_328, %mul3A_383 : vector<16xf32>
          %add3A_385 = arith.addf %mul3A_384, %sub3A_340 : vector<16xf32>
          %jit3A_386 = arith.constant 1.600000e+05 : f32
          %broadcast_in_dim3A_387 = vector.broadcast %jit3A_386 : f32 to vector<16xf32>
          %select_n3A_388 = arith.select %and3A_381, %add3A_385, %broadcast_in_dim3A_387 : vector<16xi1>, vector<16xf32>
          %convert_element_type3A_389 = arith.fptosi %select_n3A_388 : vector<16xf32> to vector<16xi32>
          %swap3A_390 = arith.constant 0 : i32
          %swap3A_391 = arith.index_cast %swap3A_390 : i32 to index
          %swap3A_392 = arith.constant 32 : index
          %swap3A_393 = tpu.vector_load %arg13[%swap3A_391, %swap3A_392] {strides = array<i32>} : memref<1x128xi32, #tpu.memory_space<vmem>>, vector<16xi32>,
          tpu.vector_store %arg13[%swap3A_391, %swap3A_392], %convert_element_type3A_389 {strides = array<i32>} : memref<1x128xi32, #tpu.memory_space<vmem>>, vector<16xi32>,
          %mul3A_394 = arith.constant 128 : i32
          %mul3A_395 = arith.muli %scan3A_142, %mul3A_394 : i32
          %add3A_396 = arith.constant 48 : i32
          %add3A_397 = arith.addi %mul3A_395, %add3A_396 : i32
          %get3A_398 = arith.index_cast %add3A_397 : i32 to index
          %get3A_399 = tpu.vector_load %arg7[%get3A_398] {strides = array<i32>} : memref<2048xf32, #tpu.memory_space<vmem>>, vector<16xf32>,
          %get3A_400 = arith.index_cast %add3A_397 : i32 to index
          %get3A_401 = tpu.vector_load %arg8[%get3A_400] {strides = array<i32>} : memref<2048xf32, #tpu.memory_space<vmem>>, vector<16xf32>,
          %get3A_402 = arith.index_cast %add3A_397 : i32 to index
          %get3A_403 = tpu.vector_load %arg9[%get3A_402] {strides = array<i32>} : memref<2048xf32, #tpu.memory_space<vmem>>, vector<16xf32>,
          %div3A_404 = arith.constant 1.000000e-01 : f32
          %div3A_405 = vector.broadcast %div3A_404 : f32 to vector<16xf32>
          %div3A_406 = arith.divf %get3A_403, %div3A_405 : vector<16xf32>
          %add3A_407 = arith.constant 2.000000e+02 : f32
          %add3A_408 = vector.broadcast %add3A_407 : f32 to vector<16xf32>
          %add3A_409 = arith.addf %div3A_406, %add3A_408 : vector<16xf32>
          %add3A_410 = arith.constant 0x4B400000 : f32
          %add3A_411 = vector.broadcast %add3A_410 : f32 to vector<16xf32>
          %add3A_412 = arith.addf %add3A_409, %add3A_411 : vector<16xf32>
          %sub3A_413 = arith.constant 0x4B400000 : f32
          %sub3A_414 = vector.broadcast %sub3A_413 : f32 to vector<16xf32>
          %sub3A_415 = arith.subf %add3A_412, %sub3A_414 : vector<16xf32>
          %div3A_416 = arith.constant 1.000000e-01 : f32
          %div3A_417 = vector.broadcast %div3A_416 : f32 to vector<16xf32>
          %div3A_418 = arith.divf %get3A_399, %div3A_417 : vector<16xf32>
          %add3A_419 = arith.constant 2.000000e+02 : f32
          %add3A_420 = vector.broadcast %add3A_419 : f32 to vector<16xf32>
          %add3A_421 = arith.addf %div3A_418, %add3A_420 : vector<16xf32>
          %add3A_422 = arith.constant 0x4B400000 : f32
          %add3A_423 = vector.broadcast %add3A_422 : f32 to vector<16xf32>
          %add3A_424 = arith.addf %add3A_421, %add3A_423 : vector<16xf32>
          %sub3A_425 = arith.constant 0x4B400000 : f32
          %sub3A_426 = vector.broadcast %sub3A_425 : f32 to vector<16xf32>
          %sub3A_427 = arith.subf %add3A_424, %sub3A_426 : vector<16xf32>
          %lt3A_428 = arith.constant 0.000000e+00 : f32
          %lt3A_429 = vector.broadcast %lt3A_428 : f32 to vector<16xf32>
          %lt3A_430 = arith.cmpf olt, %get3A_401, %lt3A_429 : vector<16xf32>
          %gt3A_431 = arith.constant -1.000000e+00 : f32
          %gt3A_432 = vector.broadcast %gt3A_431 : f32 to vector<16xf32>
          %gt3A_433 = arith.cmpf ogt, %get3A_401, %gt3A_432 : vector<16xf32>
          %and3A_434 = arith.andi %lt3A_430, %gt3A_433 : vector<16xi1>
          %ge3A_435 = arith.constant 1.200000e+02 : f32
          %ge3A_436 = vector.broadcast %ge3A_435 : f32 to vector<16xf32>
          %ge3A_437 = arith.cmpf oge, %sub3A_415, %ge3A_436 : vector<16xf32>
          %lt3A_438 = arith.constant 2.800000e+02 : f32
          %lt3A_439 = vector.broadcast %lt3A_438 : f32 to vector<16xf32>
          %lt3A_440 = arith.cmpf olt, %sub3A_415, %lt3A_439 : vector<16xf32>
          %and3A_441 = arith.andi %ge3A_437, %lt3A_440 : vector<16xi1>
          %ge3A_442 = arith.constant 1.280000e+02 : f32
          %ge3A_443 = vector.broadcast %ge3A_442 : f32 to vector<16xf32>
          %ge3A_444 = arith.cmpf oge, %sub3A_427, %ge3A_443 : vector<16xf32>
          %and3A_445 = arith.andi %and3A_441, %ge3A_444 : vector<16xi1>
          %lt3A_446 = arith.constant 2.720000e+02 : f32
          %lt3A_447 = vector.broadcast %lt3A_446 : f32 to vector<16xf32>
          %lt3A_448 = arith.cmpf olt, %sub3A_427, %lt3A_447 : vector<16xf32>
          %and3A_449 = arith.andi %and3A_445, %lt3A_448 : vector<16xi1>
          %ge3A_450 = arith.constant 0.000000e+00 : f32
          %ge3A_451 = vector.broadcast %ge3A_450 : f32 to vector<16xf32>
          %ge3A_452 = arith.cmpf oge, %sub3A_415, %ge3A_451 : vector<16xf32>
          %le3A_453 = arith.constant 3.990000e+02 : f32
          %le3A_454 = vector.broadcast %le3A_453 : f32 to vector<16xf32>
          %le3A_455 = arith.cmpf ole, %sub3A_415, %le3A_454 : vector<16xf32>
          %and3A_456 = arith.andi %ge3A_452, %le3A_455 : vector<16xi1>
          %ge3A_457 = arith.constant 0.000000e+00 : f32
          %ge3A_458 = vector.broadcast %ge3A_457 : f32 to vector<16xf32>
          %ge3A_459 = arith.cmpf oge, %sub3A_427, %ge3A_458 : vector<16xf32>
          %and3A_460 = arith.andi %and3A_456, %ge3A_459 : vector<16xi1>
          %le3A_461 = arith.constant 3.990000e+02 : f32
          %le3A_462 = vector.broadcast %le3A_461 : f32 to vector<16xf32>
          %le3A_463 = arith.cmpf ole, %sub3A_427, %le3A_462 : vector<16xf32>
          %and3A_464 = arith.andi %and3A_460, %le3A_463 : vector<16xi1>
          %and3A_465 = arith.andi %and3A_434, %and3A_464 : vector<16xi1>
          %not3A_466 = arith.constant dense<true> : vector<16xi1>
          %not3A_467 = arith.xori %and3A_449, %not3A_466 : vector<16xi1>
          %and3A_468 = arith.andi %and3A_465, %not3A_467 : vector<16xi1>
          %mul3A_469 = arith.constant 4.000000e+02 : f32
          %mul3A_470 = vector.broadcast %mul3A_469 : f32 to vector<16xf32>
          %mul3A_471 = arith.mulf %sub3A_415, %mul3A_470 : vector<16xf32>
          %add3A_472 = arith.addf %mul3A_471, %sub3A_427 : vector<16xf32>
          %jit3A_473 = arith.constant 1.600000e+05 : f32
          %broadcast_in_dim3A_474 = vector.broadcast %jit3A_473 : f32 to vector<16xf32>
          %select_n3A_475 = arith.select %and3A_468, %add3A_472, %broadcast_in_dim3A_474 : vector<16xi1>, vector<16xf32>
          %convert_element_type3A_476 = arith.fptosi %select_n3A_475 : vector<16xf32> to vector<16xi32>
          %swap3A_477 = arith.constant 0 : i32
          %swap3A_478 = arith.index_cast %swap3A_477 : i32 to index
          %swap3A_479 = arith.constant 48 : index
          %swap3A_480 = tpu.vector_load %arg13[%swap3A_478, %swap3A_479] {strides = array<i32>} : memref<1x128xi32, #tpu.memory_space<vmem>>, vector<16xi32>,
          tpu.vector_store %arg13[%swap3A_478, %swap3A_479], %convert_element_type3A_476 {strides = array<i32>} : memref<1x128xi32, #tpu.memory_space<vmem>>, vector<16xi32>,
          %mul3A_481 = arith.constant 128 : i32
          %mul3A_482 = arith.muli %scan3A_142, %mul3A_481 : i32
          %add3A_483 = arith.constant 64 : i32
          %add3A_484 = arith.addi %mul3A_482, %add3A_483 : i32
          %get3A_485 = arith.index_cast %add3A_484 : i32 to index
          %get3A_486 = tpu.vector_load %arg7[%get3A_485] {strides = array<i32>} : memref<2048xf32, #tpu.memory_space<vmem>>, vector<16xf32>,
          %get3A_487 = arith.index_cast %add3A_484 : i32 to index
          %get3A_488 = tpu.vector_load %arg8[%get3A_487] {strides = array<i32>} : memref<2048xf32, #tpu.memory_space<vmem>>, vector<16xf32>,
          %get3A_489 = arith.index_cast %add3A_484 : i32 to index
          %get3A_490 = tpu.vector_load %arg9[%get3A_489] {strides = array<i32>} : memref<2048xf32, #tpu.memory_space<vmem>>, vector<16xf32>,
          %div3A_491 = arith.constant 1.000000e-01 : f32
          %div3A_492 = vector.broadcast %div3A_491 : f32 to vector<16xf32>
          %div3A_493 = arith.divf %get3A_490, %div3A_492 : vector<16xf32>
          %add3A_494 = arith.constant 2.000000e+02 : f32
          %add3A_495 = vector.broadcast %add3A_494 : f32 to vector<16xf32>
          %add3A_496 = arith.addf %div3A_493, %add3A_495 : vector<16xf32>
          %add3A_497 = arith.constant 0x4B400000 : f32
          %add3A_498 = vector.broadcast %add3A_497 : f32 to vector<16xf32>
          %add3A_499 = arith.addf %add3A_496, %add3A_498 : vector<16xf32>
          %sub3A_500 = arith.constant 0x4B400000 : f32
          %sub3A_501 = vector.broadcast %sub3A_500 : f32 to vector<16xf32>
          %sub3A_502 = arith.subf %add3A_499, %sub3A_501 : vector<16xf32>
          %div3A_503 = arith.constant 1.000000e-01 : f32
          %div3A_504 = vector.broadcast %div3A_503 : f32 to vector<16xf32>
          %div3A_505 = arith.divf %get3A_486, %div3A_504 : vector<16xf32>
          %add3A_506 = arith.constant 2.000000e+02 : f32
          %add3A_507 = vector.broadcast %add3A_506 : f32 to vector<16xf32>
          %add3A_508 = arith.addf %div3A_505, %add3A_507 : vector<16xf32>
          %add3A_509 = arith.constant 0x4B400000 : f32
          %add3A_510 = vector.broadcast %add3A_509 : f32 to vector<16xf32>
          %add3A_511 = arith.addf %add3A_508, %add3A_510 : vector<16xf32>
          %sub3A_512 = arith.constant 0x4B400000 : f32
          %sub3A_513 = vector.broadcast %sub3A_512 : f32 to vector<16xf32>
          %sub3A_514 = arith.subf %add3A_511, %sub3A_513 : vector<16xf32>
          %lt3A_515 = arith.constant 0.000000e+00 : f32
          %lt3A_516 = vector.broadcast %lt3A_515 : f32 to vector<16xf32>
          %lt3A_517 = arith.cmpf olt, %get3A_488, %lt3A_516 : vector<16xf32>
          %gt3A_518 = arith.constant -1.000000e+00 : f32
          %gt3A_519 = vector.broadcast %gt3A_518 : f32 to vector<16xf32>
          %gt3A_520 = arith.cmpf ogt, %get3A_488, %gt3A_519 : vector<16xf32>
          %and3A_521 = arith.andi %lt3A_517, %gt3A_520 : vector<16xi1>
          %ge3A_522 = arith.constant 1.200000e+02 : f32
          %ge3A_523 = vector.broadcast %ge3A_522 : f32 to vector<16xf32>
          %ge3A_524 = arith.cmpf oge, %sub3A_502, %ge3A_523 : vector<16xf32>
          %lt3A_525 = arith.constant 2.800000e+02 : f32
          %lt3A_526 = vector.broadcast %lt3A_525 : f32 to vector<16xf32>
          %lt3A_527 = arith.cmpf olt, %sub3A_502, %lt3A_526 : vector<16xf32>
          %and3A_528 = arith.andi %ge3A_524, %lt3A_527 : vector<16xi1>
          %ge3A_529 = arith.constant 1.280000e+02 : f32
          %ge3A_530 = vector.broadcast %ge3A_529 : f32 to vector<16xf32>
          %ge3A_531 = arith.cmpf oge, %sub3A_514, %ge3A_530 : vector<16xf32>
          %and3A_532 = arith.andi %and3A_528, %ge3A_531 : vector<16xi1>
          %lt3A_533 = arith.constant 2.720000e+02 : f32
          %lt3A_534 = vector.broadcast %lt3A_533 : f32 to vector<16xf32>
          %lt3A_535 = arith.cmpf olt, %sub3A_514, %lt3A_534 : vector<16xf32>
          %and3A_536 = arith.andi %and3A_532, %lt3A_535 : vector<16xi1>
          %ge3A_537 = arith.constant 0.000000e+00 : f32
          %ge3A_538 = vector.broadcast %ge3A_537 : f32 to vector<16xf32>
          %ge3A_539 = arith.cmpf oge, %sub3A_502, %ge3A_538 : vector<16xf32>
          %le3A_540 = arith.constant 3.990000e+02 : f32
          %le3A_541 = vector.broadcast %le3A_540 : f32 to vector<16xf32>
          %le3A_542 = arith.cmpf ole, %sub3A_502, %le3A_541 : vector<16xf32>
          %and3A_543 = arith.andi %ge3A_539, %le3A_542 : vector<16xi1>
          %ge3A_544 = arith.constant 0.000000e+00 : f32
          %ge3A_545 = vector.broadcast %ge3A_544 : f32 to vector<16xf32>
          %ge3A_546 = arith.cmpf oge, %sub3A_514, %ge3A_545 : vector<16xf32>
          %and3A_547 = arith.andi %and3A_543, %ge3A_546 : vector<16xi1>
          %le3A_548 = arith.constant 3.990000e+02 : f32
          %le3A_549 = vector.broadcast %le3A_548 : f32 to vector<16xf32>
          %le3A_550 = arith.cmpf ole, %sub3A_514, %le3A_549 : vector<16xf32>
          %and3A_551 = arith.andi %and3A_547, %le3A_550 : vector<16xi1>
          %and3A_552 = arith.andi %and3A_521, %and3A_551 : vector<16xi1>
          %not3A_553 = arith.constant dense<true> : vector<16xi1>
          %not3A_554 = arith.xori %and3A_536, %not3A_553 : vector<16xi1>
          %and3A_555 = arith.andi %and3A_552, %not3A_554 : vector<16xi1>
          %mul3A_556 = arith.constant 4.000000e+02 : f32
          %mul3A_557 = vector.broadcast %mul3A_556 : f32 to vector<16xf32>
          %mul3A_558 = arith.mulf %sub3A_502, %mul3A_557 : vector<16xf32>
          %add3A_559 = arith.addf %mul3A_558, %sub3A_514 : vector<16xf32>
          %jit3A_560 = arith.constant 1.600000e+05 : f32
          %broadcast_in_dim3A_561 = vector.broadcast %jit3A_560 : f32 to vector<16xf32>
          %select_n3A_562 = arith.select %and3A_555, %add3A_559, %broadcast_in_dim3A_561 : vector<16xi1>, vector<16xf32>
          %convert_element_type3A_563 = arith.fptosi %select_n3A_562 : vector<16xf32> to vector<16xi32>
          %swap3A_564 = arith.constant 0 : i32
          %swap3A_565 = arith.index_cast %swap3A_564 : i32 to index
          %swap3A_566 = arith.constant 64 : index
          %swap3A_567 = tpu.vector_load %arg13[%swap3A_565, %swap3A_566] {strides = array<i32>} : memref<1x128xi32, #tpu.memory_space<vmem>>, vector<16xi32>,
          tpu.vector_store %arg13[%swap3A_565, %swap3A_566], %convert_element_type3A_563 {strides = array<i32>} : memref<1x128xi32, #tpu.memory_space<vmem>>, vector<16xi32>,
          %mul3A_568 = arith.constant 128 : i32
          %mul3A_569 = arith.muli %scan3A_142, %mul3A_568 : i32
          %add3A_570 = arith.constant 80 : i32
          %add3A_571 = arith.addi %mul3A_569, %add3A_570 : i32
          %get3A_572 = arith.index_cast %add3A_571 : i32 to index
          %get3A_573 = tpu.vector_load %arg7[%get3A_572] {strides = array<i32>} : memref<2048xf32, #tpu.memory_space<vmem>>, vector<16xf32>,
          %get3A_574 = arith.index_cast %add3A_571 : i32 to index
          %get3A_575 = tpu.vector_load %arg8[%get3A_574] {strides = array<i32>} : memref<2048xf32, #tpu.memory_space<vmem>>, vector<16xf32>,
          %get3A_576 = arith.index_cast %add3A_571 : i32 to index
          %get3A_577 = tpu.vector_load %arg9[%get3A_576] {strides = array<i32>} : memref<2048xf32, #tpu.memory_space<vmem>>, vector<16xf32>,
          %div3A_578 = arith.constant 1.000000e-01 : f32
          %div3A_579 = vector.broadcast %div3A_578 : f32 to vector<16xf32>
          %div3A_580 = arith.divf %get3A_577, %div3A_579 : vector<16xf32>
          %add3A_581 = arith.constant 2.000000e+02 : f32
          %add3A_582 = vector.broadcast %add3A_581 : f32 to vector<16xf32>
          %add3A_583 = arith.addf %div3A_580, %add3A_582 : vector<16xf32>
          %add3A_584 = arith.constant 0x4B400000 : f32
          %add3A_585 = vector.broadcast %add3A_584 : f32 to vector<16xf32>
          %add3A_586 = arith.addf %add3A_583, %add3A_585 : vector<16xf32>
          %sub3A_587 = arith.constant 0x4B400000 : f32
          %sub3A_588 = vector.broadcast %sub3A_587 : f32 to vector<16xf32>
          %sub3A_589 = arith.subf %add3A_586, %sub3A_588 : vector<16xf32>
          %div3A_590 = arith.constant 1.000000e-01 : f32
          %div3A_591 = vector.broadcast %div3A_590 : f32 to vector<16xf32>
          %div3A_592 = arith.divf %get3A_573, %div3A_591 : vector<16xf32>
          %add3A_593 = arith.constant 2.000000e+02 : f32
          %add3A_594 = vector.broadcast %add3A_593 : f32 to vector<16xf32>
          %add3A_595 = arith.addf %div3A_592, %add3A_594 : vector<16xf32>
          %add3A_596 = arith.constant 0x4B400000 : f32
          %add3A_597 = vector.broadcast %add3A_596 : f32 to vector<16xf32>
          %add3A_598 = arith.addf %add3A_595, %add3A_597 : vector<16xf32>
          %sub3A_599 = arith.constant 0x4B400000 : f32
          %sub3A_600 = vector.broadcast %sub3A_599 : f32 to vector<16xf32>
          %sub3A_601 = arith.subf %add3A_598, %sub3A_600 : vector<16xf32>
          %lt3A_602 = arith.constant 0.000000e+00 : f32
          %lt3A_603 = vector.broadcast %lt3A_602 : f32 to vector<16xf32>
          %lt3A_604 = arith.cmpf olt, %get3A_575, %lt3A_603 : vector<16xf32>
          %gt3A_605 = arith.constant -1.000000e+00 : f32
          %gt3A_606 = vector.broadcast %gt3A_605 : f32 to vector<16xf32>
          %gt3A_607 = arith.cmpf ogt, %get3A_575, %gt3A_606 : vector<16xf32>
          %and3A_608 = arith.andi %lt3A_604, %gt3A_607 : vector<16xi1>
          %ge3A_609 = arith.constant 1.200000e+02 : f32
          %ge3A_610 = vector.broadcast %ge3A_609 : f32 to vector<16xf32>
          %ge3A_611 = arith.cmpf oge, %sub3A_589, %ge3A_610 : vector<16xf32>
          %lt3A_612 = arith.constant 2.800000e+02 : f32
          %lt3A_613 = vector.broadcast %lt3A_612 : f32 to vector<16xf32>
          %lt3A_614 = arith.cmpf olt, %sub3A_589, %lt3A_613 : vector<16xf32>
          %and3A_615 = arith.andi %ge3A_611, %lt3A_614 : vector<16xi1>
          %ge3A_616 = arith.constant 1.280000e+02 : f32
          %ge3A_617 = vector.broadcast %ge3A_616 : f32 to vector<16xf32>
          %ge3A_618 = arith.cmpf oge, %sub3A_601, %ge3A_617 : vector<16xf32>
          %and3A_619 = arith.andi %and3A_615, %ge3A_618 : vector<16xi1>
          %lt3A_620 = arith.constant 2.720000e+02 : f32
          %lt3A_621 = vector.broadcast %lt3A_620 : f32 to vector<16xf32>
          %lt3A_622 = arith.cmpf olt, %sub3A_601, %lt3A_621 : vector<16xf32>
          %and3A_623 = arith.andi %and3A_619, %lt3A_622 : vector<16xi1>
          %ge3A_624 = arith.constant 0.000000e+00 : f32
          %ge3A_625 = vector.broadcast %ge3A_624 : f32 to vector<16xf32>
          %ge3A_626 = arith.cmpf oge, %sub3A_589, %ge3A_625 : vector<16xf32>
          %le3A_627 = arith.constant 3.990000e+02 : f32
          %le3A_628 = vector.broadcast %le3A_627 : f32 to vector<16xf32>
          %le3A_629 = arith.cmpf ole, %sub3A_589, %le3A_628 : vector<16xf32>
          %and3A_630 = arith.andi %ge3A_626, %le3A_629 : vector<16xi1>
          %ge3A_631 = arith.constant 0.000000e+00 : f32
          %ge3A_632 = vector.broadcast %ge3A_631 : f32 to vector<16xf32>
          %ge3A_633 = arith.cmpf oge, %sub3A_601, %ge3A_632 : vector<16xf32>
          %and3A_634 = arith.andi %and3A_630, %ge3A_633 : vector<16xi1>
          %le3A_635 = arith.constant 3.990000e+02 : f32
          %le3A_636 = vector.broadcast %le3A_635 : f32 to vector<16xf32>
          %le3A_637 = arith.cmpf ole, %sub3A_601, %le3A_636 : vector<16xf32>
          %and3A_638 = arith.andi %and3A_634, %le3A_637 : vector<16xi1>
          %and3A_639 = arith.andi %and3A_608, %and3A_638 : vector<16xi1>
          %not3A_640 = arith.constant dense<true> : vector<16xi1>
          %not3A_641 = arith.xori %and3A_623, %not3A_640 : vector<16xi1>
          %and3A_642 = arith.andi %and3A_639, %not3A_641 : vector<16xi1>
          %mul3A_643 = arith.constant 4.000000e+02 : f32
          %mul3A_644 = vector.broadcast %mul3A_643 : f32 to vector<16xf32>
          %mul3A_645 = arith.mulf %sub3A_589, %mul3A_644 : vector<16xf32>
          %add3A_646 = arith.addf %mul3A_645, %sub3A_601 : vector<16xf32>
          %jit3A_647 = arith.constant 1.600000e+05 : f32
          %broadcast_in_dim3A_648 = vector.broadcast %jit3A_647 : f32 to vector<16xf32>
          %select_n3A_649 = arith.select %and3A_642, %add3A_646, %broadcast_in_dim3A_648 : vector<16xi1>, vector<16xf32>
          %convert_element_type3A_650 = arith.fptosi %select_n3A_649 : vector<16xf32> to vector<16xi32>
          %swap3A_651 = arith.constant 0 : i32
          %swap3A_652 = arith.index_cast %swap3A_651 : i32 to index
          %swap3A_653 = arith.constant 80 : index
          %swap3A_654 = tpu.vector_load %arg13[%swap3A_652, %swap3A_653] {strides = array<i32>} : memref<1x128xi32, #tpu.memory_space<vmem>>, vector<16xi32>,
          tpu.vector_store %arg13[%swap3A_652, %swap3A_653], %convert_element_type3A_650 {strides = array<i32>} : memref<1x128xi32, #tpu.memory_space<vmem>>, vector<16xi32>,
          %mul3A_655 = arith.constant 128 : i32
          %mul3A_656 = arith.muli %scan3A_142, %mul3A_655 : i32
          %add3A_657 = arith.constant 96 : i32
          %add3A_658 = arith.addi %mul3A_656, %add3A_657 : i32
          %get3A_659 = arith.index_cast %add3A_658 : i32 to index
          %get3A_660 = tpu.vector_load %arg7[%get3A_659] {strides = array<i32>} : memref<2048xf32, #tpu.memory_space<vmem>>, vector<16xf32>,
          %get3A_661 = arith.index_cast %add3A_658 : i32 to index
          %get3A_662 = tpu.vector_load %arg8[%get3A_661] {strides = array<i32>} : memref<2048xf32, #tpu.memory_space<vmem>>, vector<16xf32>,
          %get3A_663 = arith.index_cast %add3A_658 : i32 to index
          %get3A_664 = tpu.vector_load %arg9[%get3A_663] {strides = array<i32>} : memref<2048xf32, #tpu.memory_space<vmem>>, vector<16xf32>,
          %div3A_665 = arith.constant 1.000000e-01 : f32
          %div3A_666 = vector.broadcast %div3A_665 : f32 to vector<16xf32>
          %div3A_667 = arith.divf %get3A_664, %div3A_666 : vector<16xf32>
          %add3A_668 = arith.constant 2.000000e+02 : f32
          %add3A_669 = vector.broadcast %add3A_668 : f32 to vector<16xf32>
          %add3A_670 = arith.addf %div3A_667, %add3A_669 : vector<16xf32>
          %add3A_671 = arith.constant 0x4B400000 : f32
          %add3A_672 = vector.broadcast %add3A_671 : f32 to vector<16xf32>
          %add3A_673 = arith.addf %add3A_670, %add3A_672 : vector<16xf32>
          %sub3A_674 = arith.constant 0x4B400000 : f32
          %sub3A_675 = vector.broadcast %sub3A_674 : f32 to vector<16xf32>
          %sub3A_676 = arith.subf %add3A_673, %sub3A_675 : vector<16xf32>
          %div3A_677 = arith.constant 1.000000e-01 : f32
          %div3A_678 = vector.broadcast %div3A_677 : f32 to vector<16xf32>
          %div3A_679 = arith.divf %get3A_660, %div3A_678 : vector<16xf32>
          %add3A_680 = arith.constant 2.000000e+02 : f32
          %add3A_681 = vector.broadcast %add3A_680 : f32 to vector<16xf32>
          %add3A_682 = arith.addf %div3A_679, %add3A_681 : vector<16xf32>
          %add3A_683 = arith.constant 0x4B400000 : f32
          %add3A_684 = vector.broadcast %add3A_683 : f32 to vector<16xf32>
          %add3A_685 = arith.addf %add3A_682, %add3A_684 : vector<16xf32>
          %sub3A_686 = arith.constant 0x4B400000 : f32
          %sub3A_687 = vector.broadcast %sub3A_686 : f32 to vector<16xf32>
          %sub3A_688 = arith.subf %add3A_685, %sub3A_687 : vector<16xf32>
          %lt3A_689 = arith.constant 0.000000e+00 : f32
          %lt3A_690 = vector.broadcast %lt3A_689 : f32 to vector<16xf32>
          %lt3A_691 = arith.cmpf olt, %get3A_662, %lt3A_690 : vector<16xf32>
          %gt3A_692 = arith.constant -1.000000e+00 : f32
          %gt3A_693 = vector.broadcast %gt3A_692 : f32 to vector<16xf32>
          %gt3A_694 = arith.cmpf ogt, %get3A_662, %gt3A_693 : vector<16xf32>
          %and3A_695 = arith.andi %lt3A_691, %gt3A_694 : vector<16xi1>
          %ge3A_696 = arith.constant 1.200000e+02 : f32
          %ge3A_697 = vector.broadcast %ge3A_696 : f32 to vector<16xf32>
          %ge3A_698 = arith.cmpf oge, %sub3A_676, %ge3A_697 : vector<16xf32>
          %lt3A_699 = arith.constant 2.800000e+02 : f32
          %lt3A_700 = vector.broadcast %lt3A_699 : f32 to vector<16xf32>
          %lt3A_701 = arith.cmpf olt, %sub3A_676, %lt3A_700 : vector<16xf32>
          %and3A_702 = arith.andi %ge3A_698, %lt3A_701 : vector<16xi1>
          %ge3A_703 = arith.constant 1.280000e+02 : f32
          %ge3A_704 = vector.broadcast %ge3A_703 : f32 to vector<16xf32>
          %ge3A_705 = arith.cmpf oge, %sub3A_688, %ge3A_704 : vector<16xf32>
          %and3A_706 = arith.andi %and3A_702, %ge3A_705 : vector<16xi1>
          %lt3A_707 = arith.constant 2.720000e+02 : f32
          %lt3A_708 = vector.broadcast %lt3A_707 : f32 to vector<16xf32>
          %lt3A_709 = arith.cmpf olt, %sub3A_688, %lt3A_708 : vector<16xf32>
          %and3A_710 = arith.andi %and3A_706, %lt3A_709 : vector<16xi1>
          %ge3A_711 = arith.constant 0.000000e+00 : f32
          %ge3A_712 = vector.broadcast %ge3A_711 : f32 to vector<16xf32>
          %ge3A_713 = arith.cmpf oge, %sub3A_676, %ge3A_712 : vector<16xf32>
          %le3A_714 = arith.constant 3.990000e+02 : f32
          %le3A_715 = vector.broadcast %le3A_714 : f32 to vector<16xf32>
          %le3A_716 = arith.cmpf ole, %sub3A_676, %le3A_715 : vector<16xf32>
          %and3A_717 = arith.andi %ge3A_713, %le3A_716 : vector<16xi1>
          %ge3A_718 = arith.constant 0.000000e+00 : f32
          %ge3A_719 = vector.broadcast %ge3A_718 : f32 to vector<16xf32>
          %ge3A_720 = arith.cmpf oge, %sub3A_688, %ge3A_719 : vector<16xf32>
          %and3A_721 = arith.andi %and3A_717, %ge3A_720 : vector<16xi1>
          %le3A_722 = arith.constant 3.990000e+02 : f32
          %le3A_723 = vector.broadcast %le3A_722 : f32 to vector<16xf32>
          %le3A_724 = arith.cmpf ole, %sub3A_688, %le3A_723 : vector<16xf32>
          %and3A_725 = arith.andi %and3A_721, %le3A_724 : vector<16xi1>
          %and3A_726 = arith.andi %and3A_695, %and3A_725 : vector<16xi1>
          %not3A_727 = arith.constant dense<true> : vector<16xi1>
          %not3A_728 = arith.xori %and3A_710, %not3A_727 : vector<16xi1>
          %and3A_729 = arith.andi %and3A_726, %not3A_728 : vector<16xi1>
          %mul3A_730 = arith.constant 4.000000e+02 : f32
          %mul3A_731 = vector.broadcast %mul3A_730 : f32 to vector<16xf32>
          %mul3A_732 = arith.mulf %sub3A_676, %mul3A_731 : vector<16xf32>
          %add3A_733 = arith.addf %mul3A_732, %sub3A_688 : vector<16xf32>
          %jit3A_734 = arith.constant 1.600000e+05 : f32
          %broadcast_in_dim3A_735 = vector.broadcast %jit3A_734 : f32 to vector<16xf32>
          %select_n3A_736 = arith.select %and3A_729, %add3A_733, %broadcast_in_dim3A_735 : vector<16xi1>, vector<16xf32>
          %convert_element_type3A_737 = arith.fptosi %select_n3A_736 : vector<16xf32> to vector<16xi32>
          %swap3A_738 = arith.constant 0 : i32
          %swap3A_739 = arith.index_cast %swap3A_738 : i32 to index
          %swap3A_740 = arith.constant 96 : index
          %swap3A_741 = tpu.vector_load %arg13[%swap3A_739, %swap3A_740] {strides = array<i32>} : memref<1x128xi32, #tpu.memory_space<vmem>>, vector<16xi32>,
          tpu.vector_store %arg13[%swap3A_739, %swap3A_740], %convert_element_type3A_737 {strides = array<i32>} : memref<1x128xi32, #tpu.memory_space<vmem>>, vector<16xi32>,
          %mul3A_742 = arith.constant 128 : i32
          %mul3A_743 = arith.muli %scan3A_142, %mul3A_742 : i32
          %add3A_744 = arith.constant 112 : i32
          %add3A_745 = arith.addi %mul3A_743, %add3A_744 : i32
          %get3A_746 = arith.index_cast %add3A_745 : i32 to index
          %get3A_747 = tpu.vector_load %arg7[%get3A_746] {strides = array<i32>} : memref<2048xf32, #tpu.memory_space<vmem>>, vector<16xf32>,
          %get3A_748 = arith.index_cast %add3A_745 : i32 to index
          %get3A_749 = tpu.vector_load %arg8[%get3A_748] {strides = array<i32>} : memref<2048xf32, #tpu.memory_space<vmem>>, vector<16xf32>,
          %get3A_750 = arith.index_cast %add3A_745 : i32 to index
          %get3A_751 = tpu.vector_load %arg9[%get3A_750] {strides = array<i32>} : memref<2048xf32, #tpu.memory_space<vmem>>, vector<16xf32>,
          %div3A_752 = arith.constant 1.000000e-01 : f32
          %div3A_753 = vector.broadcast %div3A_752 : f32 to vector<16xf32>
          %div3A_754 = arith.divf %get3A_751, %div3A_753 : vector<16xf32>
          %add3A_755 = arith.constant 2.000000e+02 : f32
          %add3A_756 = vector.broadcast %add3A_755 : f32 to vector<16xf32>
          %add3A_757 = arith.addf %div3A_754, %add3A_756 : vector<16xf32>
          %add3A_758 = arith.constant 0x4B400000 : f32
          %add3A_759 = vector.broadcast %add3A_758 : f32 to vector<16xf32>
          %add3A_760 = arith.addf %add3A_757, %add3A_759 : vector<16xf32>
          %sub3A_761 = arith.constant 0x4B400000 : f32
          %sub3A_762 = vector.broadcast %sub3A_761 : f32 to vector<16xf32>
          %sub3A_763 = arith.subf %add3A_760, %sub3A_762 : vector<16xf32>
          %div3A_764 = arith.constant 1.000000e-01 : f32
          %div3A_765 = vector.broadcast %div3A_764 : f32 to vector<16xf32>
          %div3A_766 = arith.divf %get3A_747, %div3A_765 : vector<16xf32>
          %add3A_767 = arith.constant 2.000000e+02 : f32
          %add3A_768 = vector.broadcast %add3A_767 : f32 to vector<16xf32>
          %add3A_769 = arith.addf %div3A_766, %add3A_768 : vector<16xf32>
          %add3A_770 = arith.constant 0x4B400000 : f32
          %add3A_771 = vector.broadcast %add3A_770 : f32 to vector<16xf32>
          %add3A_772 = arith.addf %add3A_769, %add3A_771 : vector<16xf32>
          %sub3A_773 = arith.constant 0x4B400000 : f32
          %sub3A_774 = vector.broadcast %sub3A_773 : f32 to vector<16xf32>
          %sub3A_775 = arith.subf %add3A_772, %sub3A_774 : vector<16xf32>
          %lt3A_776 = arith.constant 0.000000e+00 : f32
          %lt3A_777 = vector.broadcast %lt3A_776 : f32 to vector<16xf32>
          %lt3A_778 = arith.cmpf olt, %get3A_749, %lt3A_777 : vector<16xf32>
          %gt3A_779 = arith.constant -1.000000e+00 : f32
          %gt3A_780 = vector.broadcast %gt3A_779 : f32 to vector<16xf32>
          %gt3A_781 = arith.cmpf ogt, %get3A_749, %gt3A_780 : vector<16xf32>
          %and3A_782 = arith.andi %lt3A_778, %gt3A_781 : vector<16xi1>
          %ge3A_783 = arith.constant 1.200000e+02 : f32
          %ge3A_784 = vector.broadcast %ge3A_783 : f32 to vector<16xf32>
          %ge3A_785 = arith.cmpf oge, %sub3A_763, %ge3A_784 : vector<16xf32>
          %lt3A_786 = arith.constant 2.800000e+02 : f32
          %lt3A_787 = vector.broadcast %lt3A_786 : f32 to vector<16xf32>
          %lt3A_788 = arith.cmpf olt, %sub3A_763, %lt3A_787 : vector<16xf32>
          %and3A_789 = arith.andi %ge3A_785, %lt3A_788 : vector<16xi1>
          %ge3A_790 = arith.constant 1.280000e+02 : f32
          %ge3A_791 = vector.broadcast %ge3A_790 : f32 to vector<16xf32>
          %ge3A_792 = arith.cmpf oge, %sub3A_775, %ge3A_791 : vector<16xf32>
          %and3A_793 = arith.andi %and3A_789, %ge3A_792 : vector<16xi1>
          %lt3A_794 = arith.constant 2.720000e+02 : f32
          %lt3A_795 = vector.broadcast %lt3A_794 : f32 to vector<16xf32>
          %lt3A_796 = arith.cmpf olt, %sub3A_775, %lt3A_795 : vector<16xf32>
          %and3A_797 = arith.andi %and3A_793, %lt3A_796 : vector<16xi1>
          %ge3A_798 = arith.constant 0.000000e+00 : f32
          %ge3A_799 = vector.broadcast %ge3A_798 : f32 to vector<16xf32>
          %ge3A_800 = arith.cmpf oge, %sub3A_763, %ge3A_799 : vector<16xf32>
          %le3A_801 = arith.constant 3.990000e+02 : f32
          %le3A_802 = vector.broadcast %le3A_801 : f32 to vector<16xf32>
          %le3A_803 = arith.cmpf ole, %sub3A_763, %le3A_802 : vector<16xf32>
          %and3A_804 = arith.andi %ge3A_800, %le3A_803 : vector<16xi1>
          %ge3A_805 = arith.constant 0.000000e+00 : f32
          %ge3A_806 = vector.broadcast %ge3A_805 : f32 to vector<16xf32>
          %ge3A_807 = arith.cmpf oge, %sub3A_775, %ge3A_806 : vector<16xf32>
          %and3A_808 = arith.andi %and3A_804, %ge3A_807 : vector<16xi1>
          %le3A_809 = arith.constant 3.990000e+02 : f32
          %le3A_810 = vector.broadcast %le3A_809 : f32 to vector<16xf32>
          %le3A_811 = arith.cmpf ole, %sub3A_775, %le3A_810 : vector<16xf32>
          %and3A_812 = arith.andi %and3A_808, %le3A_811 : vector<16xi1>
          %and3A_813 = arith.andi %and3A_782, %and3A_812 : vector<16xi1>
          %not3A_814 = arith.constant dense<true> : vector<16xi1>
          %not3A_815 = arith.xori %and3A_797, %not3A_814 : vector<16xi1>
          %and3A_816 = arith.andi %and3A_813, %not3A_815 : vector<16xi1>
          %mul3A_817 = arith.constant 4.000000e+02 : f32
          %mul3A_818 = vector.broadcast %mul3A_817 : f32 to vector<16xf32>
          %mul3A_819 = arith.mulf %sub3A_763, %mul3A_818 : vector<16xf32>
          %add3A_820 = arith.addf %mul3A_819, %sub3A_775 : vector<16xf32>
          %jit3A_821 = arith.constant 1.600000e+05 : f32
          %broadcast_in_dim3A_822 = vector.broadcast %jit3A_821 : f32 to vector<16xf32>
          %select_n3A_823 = arith.select %and3A_816, %add3A_820, %broadcast_in_dim3A_822 : vector<16xi1>, vector<16xf32>
          %convert_element_type3A_824 = arith.fptosi %select_n3A_823 : vector<16xf32> to vector<16xi32>
          %swap3A_825 = arith.constant 0 : i32
          %swap3A_826 = arith.index_cast %swap3A_825 : i32 to index
          %swap3A_827 = arith.constant 112 : index
          %swap3A_828 = tpu.vector_load %arg13[%swap3A_826, %swap3A_827] {strides = array<i32>} : memref<1x128xi32, #tpu.memory_space<vmem>>, vector<16xi32>,
          tpu.vector_store %arg13[%swap3A_826, %swap3A_827], %convert_element_type3A_824 {strides = array<i32>} : memref<1x128xi32, #tpu.memory_space<vmem>>, vector<16xi32>,
          %run_scoped3A = arith.constant 0 : i32
          "tpu.region"() ({
            %run_scoped3A_829 = tpu.sem_alloc : memref<!tpu.dma_semaphore, #tpu.memory_space<semaphore_mem>>
            %dma_start3A_830 = arith.constant 0 : i32
            %dma_start3A_831 = tpu.memref_slice %arg13[%run_scoped3A, %dma_start3A_830] : memref<1x128xi32, #tpu.memory_space<vmem>> -> memref<1x128xi32, #tpu.memory_space<vmem>>
            %dma_start3A_832 = tpu.memref_squeeze %dma_start3A_831 : memref<1x128xi32, #tpu.memory_space<vmem>> -> memref<128xi32, #tpu.memory_space<vmem>>
            %dma_start3A_833 = arith.constant 0 : i32
            %dma_start3A_834 = tpu.memref_slice %arg17[%dma_start3A_833] : memref<160256xf32, #tpu.memory_space<vmem_shared>> -> memref<160256xf32, #tpu.memory_space<vmem_shared>>
            tpu.enqueue_indirect_dma source(%arg14 : memref<128xf32, #tpu.memory_space<vmem>>) target(%dma_start3A_834 : memref<160256xf32, #tpu.memory_space<vmem_shared>>) offsets(%dma_start3A_832 : memref<128xi32, #tpu.memory_space<vmem>>) semaphore(%run_scoped3A_829 : memref<!tpu.dma_semaphore, #tpu.memory_space<semaphore_mem>>) {add = true}
            %dma_wait3A_835 = arith.constant 0 : i32
            %dma_wait3A_836 = tpu.memref_slice %arg13[%run_scoped3A, %dma_wait3A_835] : memref<1x128xi32, #tpu.memory_space<vmem>> -> memref<1x128xi32, #tpu.memory_space<vmem>>
            %dma_wait3A_837 = tpu.memref_squeeze %dma_wait3A_836 : memref<1x128xi32, #tpu.memory_space<vmem>> -> memref<128xi32, #tpu.memory_space<vmem>>
            %dma_wait3A_838 = arith.constant 0 : i32
            %dma_wait3A_839 = tpu.memref_slice %arg17[%dma_wait3A_838] : memref<160256xf32, #tpu.memory_space<vmem_shared>> -> memref<160256xf32, #tpu.memory_space<vmem_shared>>
            tpu.wait_indirect_dma semaphore(%run_scoped3A_829 : memref<!tpu.dma_semaphore, #tpu.memory_space<semaphore_mem>>) src(%arg14 : memref<128xf32, #tpu.memory_space<vmem>>) dst(%dma_wait3A_839 : memref<160256xf32, #tpu.memory_space<vmem_shared>>)
            tpu.yield
          }) : () -> ()
        }
        %scan3A_141 = arith.constant 16 : i32
      } else {
      }
      %add3A_90 = arith.constant 2 : i32
      %add3A_91 = arith.addi %mul3A_59, %add3A_90 : i32
      %lt3A = arith.constant 16 : i32
      %lt3A_92 = arith.cmpi slt, %add3A_91, %lt3A : i32
      %convert_element_type3A_93 = arith.extui %lt3A_92 : i1 to i32
      %cond3A_94 = arith.constant 0 : i32
      %cond3A_95 = arith.cmpi ne, %convert_element_type3A_93, %cond3A_94 : i32
      scf.if %cond3A_95 {
        %add3A_137 = arith.constant 2 : i32
        %add3A_138 = arith.addi %mul3A_59, %add3A_137 : i32
        %mul3A_139 = arith.constant 2048 : i32
        %mul3A_140 = arith.muli %add3A_138, %mul3A_139 : i32
        %add3A_141 = arith.addi %mul3A_2, %mul3A_140 : i32
        %dma_start3A_142 = tpu.memref_slice %arg2[%add3A_141] : memref<1048576xf32, #tpu.memory_space<hbm>> -> memref<2048xf32, #tpu.memory_space<hbm>>
        %dma_start3A_143 = tpu.memref_slice %arg2[%add3A_141] : memref<1048576xf32, #tpu.memory_space<hbm>> -> memref<2048xf32, #tpu.memory_space<hbm>>
        tpu.enqueue_dma source(%dma_start3A_143 : memref<2048xf32, #tpu.memory_space<hbm>>) target(%arg7 : memref<2048xf32, #tpu.memory_space<vmem>>) target_semaphore(%arg18 : memref<!tpu.dma_semaphore, #tpu.memory_space<semaphore_mem>>)
        %dma_start3A_144 = tpu.memref_slice %arg3[%add3A_141] : memref<1048576xf32, #tpu.memory_space<hbm>> -> memref<2048xf32, #tpu.memory_space<hbm>>
        %dma_start3A_145 = tpu.memref_slice %arg3[%add3A_141] : memref<1048576xf32, #tpu.memory_space<hbm>> -> memref<2048xf32, #tpu.memory_space<hbm>>
        tpu.enqueue_dma source(%dma_start3A_145 : memref<2048xf32, #tpu.memory_space<hbm>>) target(%arg8 : memref<2048xf32, #tpu.memory_space<vmem>>) target_semaphore(%arg18 : memref<!tpu.dma_semaphore, #tpu.memory_space<semaphore_mem>>)
        %dma_start3A_146 = tpu.memref_slice %arg4[%add3A_141] : memref<1048576xf32, #tpu.memory_space<hbm>> -> memref<2048xf32, #tpu.memory_space<hbm>>
        %dma_start3A_147 = tpu.memref_slice %arg4[%add3A_141] : memref<1048576xf32, #tpu.memory_space<hbm>> -> memref<2048xf32, #tpu.memory_space<hbm>>
        tpu.enqueue_dma source(%dma_start3A_147 : memref<2048xf32, #tpu.memory_space<hbm>>) target(%arg9 : memref<2048xf32, #tpu.memory_space<vmem>>) target_semaphore(%arg18 : memref<!tpu.dma_semaphore, #tpu.memory_space<semaphore_mem>>)
      } else {
      }
      %dma_wait3A_96 = arith.constant 0 : i32
      %dma_wait3A_97 = tpu.memref_slice %arg2[%dma_wait3A_96] : memref<1048576xf32, #tpu.memory_space<hbm>> -> memref<2048xf32, #tpu.memory_space<hbm>>
      %dma_wait3A_98 = arith.constant 0 : i32
      %dma_wait3A_99 = tpu.memref_slice %arg2[%dma_wait3A_98] : memref<1048576xf32, #tpu.memory_space<hbm>> -> memref<2048xf32, #tpu.memory_space<hbm>>
      tpu.wait_dma2 semaphore(%arg19 : memref<!tpu.dma_semaphore, #tpu.memory_space<semaphore_mem>>) src(%dma_wait3A_99 : memref<2048xf32, #tpu.memory_space<hbm>>) dst(%arg10 : memref<2048xf32, #tpu.memory_space<vmem>>)
      %dma_wait3A_100 = arith.constant 0 : i32
      %dma_wait3A_101 = tpu.memref_slice %arg2[%dma_wait3A_100] : memref<1048576xf32, #tpu.memory_space<hbm>> -> memref<2048xf32, #tpu.memory_space<hbm>>
      %dma_wait3A_102 = arith.constant 0 : i32
      %dma_wait3A_103 = tpu.memref_slice %arg2[%dma_wait3A_102] : memref<1048576xf32, #tpu.memory_space<hbm>> -> memref<2048xf32, #tpu.memory_space<hbm>>
      tpu.wait_dma2 semaphore(%arg19 : memref<!tpu.dma_semaphore, #tpu.memory_space<semaphore_mem>>) src(%dma_wait3A_103 : memref<2048xf32, #tpu.memory_space<hbm>>) dst(%arg11 : memref<2048xf32, #tpu.memory_space<vmem>>)
      %dma_wait3A_104 = arith.constant 0 : i32
      %dma_wait3A_105 = tpu.memref_slice %arg2[%dma_wait3A_104] : memref<1048576xf32, #tpu.memory_space<hbm>> -> memref<2048xf32, #tpu.memory_space<hbm>>
      %dma_wait3A_106 = arith.constant 0 : i32
      %dma_wait3A_107 = tpu.memref_slice %arg2[%dma_wait3A_106] : memref<1048576xf32, #tpu.memory_space<hbm>> -> memref<2048xf32, #tpu.memory_space<hbm>>
      tpu.wait_dma2 semaphore(%arg19 : memref<!tpu.dma_semaphore, #tpu.memory_space<semaphore_mem>>) src(%dma_wait3A_107 : memref<2048xf32, #tpu.memory_space<hbm>>) dst(%arg12 : memref<2048xf32, #tpu.memory_space<vmem>>)
      %broadcast_in_dim3A_108 = arith.constant false
      %broadcast_in_dim3A_109 = vector.broadcast %broadcast_in_dim3A_108 : i1 to vector<16xi1>
      %scan3A_110 = arith.constant 0 : i32
      %scan3A_111 = arith.constant 16 : i32
      %scan3A_112 = arith.addi %scan3A_110, %scan3A_111 : i32
      %scan3A_113 = arith.constant 1 : i32
      %scan3A_114 = scf.for %scan3A_137 = %scan3A_110 to %scan3A_112 step %scan3A_113 iter_args(%scan3A_138 = %broadcast_in_dim3A_109) -> (vector<16xi1>)  : i32 {
        %mul3A_139 = arith.constant 128 : i32
        %mul3A_140 = arith.muli %scan3A_137, %mul3A_139 : i32
        %add3A_141 = arith.constant 0 : i32
        %add3A_142 = arith.addi %mul3A_140, %add3A_141 : i32
        %get3A = arith.index_cast %add3A_142 : i32 to index
        %get3A_143 = tpu.vector_load %arg10[%get3A] {strides = array<i32>} : memref<2048xf32, #tpu.memory_space<vmem>>, vector<16xf32>,
        %get3A_144 = arith.index_cast %add3A_142 : i32 to index
        %get3A_145 = tpu.vector_load %arg11[%get3A_144] {strides = array<i32>} : memref<2048xf32, #tpu.memory_space<vmem>>, vector<16xf32>,
        %get3A_146 = arith.index_cast %add3A_142 : i32 to index
        %get3A_147 = tpu.vector_load %arg12[%get3A_146] {strides = array<i32>} : memref<2048xf32, #tpu.memory_space<vmem>>, vector<16xf32>,
        %div3A = arith.constant 1.000000e-01 : f32
        %div3A_148 = vector.broadcast %div3A : f32 to vector<16xf32>
        %div3A_149 = arith.divf %get3A_147, %div3A_148 : vector<16xf32>
        %add3A_150 = arith.constant 2.000000e+02 : f32
        %add3A_151 = vector.broadcast %add3A_150 : f32 to vector<16xf32>
        %add3A_152 = arith.addf %div3A_149, %add3A_151 : vector<16xf32>
        %add3A_153 = arith.constant 0x4B400000 : f32
        %add3A_154 = vector.broadcast %add3A_153 : f32 to vector<16xf32>
        %add3A_155 = arith.addf %add3A_152, %add3A_154 : vector<16xf32>
        %sub3A = arith.constant 0x4B400000 : f32
        %sub3A_156 = vector.broadcast %sub3A : f32 to vector<16xf32>
        %sub3A_157 = arith.subf %add3A_155, %sub3A_156 : vector<16xf32>
        %div3A_158 = arith.constant 1.000000e-01 : f32
        %div3A_159 = vector.broadcast %div3A_158 : f32 to vector<16xf32>
        %div3A_160 = arith.divf %get3A_143, %div3A_159 : vector<16xf32>
        %add3A_161 = arith.constant 2.000000e+02 : f32
        %add3A_162 = vector.broadcast %add3A_161 : f32 to vector<16xf32>
        %add3A_163 = arith.addf %div3A_160, %add3A_162 : vector<16xf32>
        %add3A_164 = arith.constant 0x4B400000 : f32
        %add3A_165 = vector.broadcast %add3A_164 : f32 to vector<16xf32>
        %add3A_166 = arith.addf %add3A_163, %add3A_165 : vector<16xf32>
        %sub3A_167 = arith.constant 0x4B400000 : f32
        %sub3A_168 = vector.broadcast %sub3A_167 : f32 to vector<16xf32>
        %sub3A_169 = arith.subf %add3A_166, %sub3A_168 : vector<16xf32>
        %lt3A_170 = arith.constant 0.000000e+00 : f32
        %lt3A_171 = vector.broadcast %lt3A_170 : f32 to vector<16xf32>
        %lt3A_172 = arith.cmpf olt, %get3A_145, %lt3A_171 : vector<16xf32>
        %gt3A = arith.constant -1.000000e+00 : f32
        %gt3A_173 = vector.broadcast %gt3A : f32 to vector<16xf32>
        %gt3A_174 = arith.cmpf ogt, %get3A_145, %gt3A_173 : vector<16xf32>
        %and3A = arith.andi %lt3A_172, %gt3A_174 : vector<16xi1>
        %ge3A = arith.constant 1.200000e+02 : f32
        %ge3A_175 = vector.broadcast %ge3A : f32 to vector<16xf32>
        %ge3A_176 = arith.cmpf oge, %sub3A_157, %ge3A_175 : vector<16xf32>
        %lt3A_177 = arith.constant 2.800000e+02 : f32
        %lt3A_178 = vector.broadcast %lt3A_177 : f32 to vector<16xf32>
        %lt3A_179 = arith.cmpf olt, %sub3A_157, %lt3A_178 : vector<16xf32>
        %and3A_180 = arith.andi %ge3A_176, %lt3A_179 : vector<16xi1>
        %ge3A_181 = arith.constant 1.280000e+02 : f32
        %ge3A_182 = vector.broadcast %ge3A_181 : f32 to vector<16xf32>
        %ge3A_183 = arith.cmpf oge, %sub3A_169, %ge3A_182 : vector<16xf32>
        %and3A_184 = arith.andi %and3A_180, %ge3A_183 : vector<16xi1>
        %lt3A_185 = arith.constant 2.720000e+02 : f32
        %lt3A_186 = vector.broadcast %lt3A_185 : f32 to vector<16xf32>
        %lt3A_187 = arith.cmpf olt, %sub3A_169, %lt3A_186 : vector<16xf32>
        %and3A_188 = arith.andi %and3A_184, %lt3A_187 : vector<16xi1>
        %and3A_189 = arith.andi %and3A_188, %and3A : vector<16xi1>
        %mul3A_190 = arith.constant 1.440000e+02 : f32
        %mul3A_191 = vector.broadcast %mul3A_190 : f32 to vector<16xf32>
        %mul3A_192 = arith.mulf %sub3A_157, %mul3A_191 : vector<16xf32>
        %add3A_193 = arith.addf %mul3A_192, %sub3A_169 : vector<16xf32>
        %sub3A_194 = arith.constant 1.740800e+04 : f32
        %sub3A_195 = vector.broadcast %sub3A_194 : f32 to vector<16xf32>
        %sub3A_196 = arith.subf %add3A_193, %sub3A_195 : vector<16xf32>
        %jit3A = arith.constant 0.000000e+00 : f32
        %broadcast_in_dim3A_197 = vector.broadcast %jit3A : f32 to vector<16xf32>
        %select_n3A = arith.select %and3A_189, %sub3A_196, %broadcast_in_dim3A_197 : vector<16xi1>, vector<16xf32>
        %convert_element_type3A_198 = arith.fptosi %select_n3A : vector<16xf32> to vector<16xi32>
        tpu.vector_store_idx %arg15[%convert_element_type3A_198], %broadcast_in_dim3A_3 masked %and3A_189 {add = true} : memref<23040xf32, #tpu.memory_space<vmem>>[vector<16xi32>], vector<16xf32>, vector<16xi1>
        %not3A = arith.constant dense<true> : vector<16xi1>
        %not3A_199 = arith.xori %and3A_189, %not3A : vector<16xi1>
        %and3A_200 = arith.andi %and3A, %not3A_199 : vector<16xi1>
        %or3A = arith.ori %scan3A_138, %and3A_200 : vector<16xi1>
        %mul3A_201 = arith.constant 128 : i32
        %mul3A_202 = arith.muli %scan3A_137, %mul3A_201 : i32
        %add3A_203 = arith.constant 16 : i32
        %add3A_204 = arith.addi %mul3A_202, %add3A_203 : i32
        %get3A_205 = arith.index_cast %add3A_204 : i32 to index
        %get3A_206 = tpu.vector_load %arg10[%get3A_205] {strides = array<i32>} : memref<2048xf32, #tpu.memory_space<vmem>>, vector<16xf32>,
        %get3A_207 = arith.index_cast %add3A_204 : i32 to index
        %get3A_208 = tpu.vector_load %arg11[%get3A_207] {strides = array<i32>} : memref<2048xf32, #tpu.memory_space<vmem>>, vector<16xf32>,
        %get3A_209 = arith.index_cast %add3A_204 : i32 to index
        %get3A_210 = tpu.vector_load %arg12[%get3A_209] {strides = array<i32>} : memref<2048xf32, #tpu.memory_space<vmem>>, vector<16xf32>,
        %div3A_211 = arith.constant 1.000000e-01 : f32
        %div3A_212 = vector.broadcast %div3A_211 : f32 to vector<16xf32>
        %div3A_213 = arith.divf %get3A_210, %div3A_212 : vector<16xf32>
        %add3A_214 = arith.constant 2.000000e+02 : f32
        %add3A_215 = vector.broadcast %add3A_214 : f32 to vector<16xf32>
        %add3A_216 = arith.addf %div3A_213, %add3A_215 : vector<16xf32>
        %add3A_217 = arith.constant 0x4B400000 : f32
        %add3A_218 = vector.broadcast %add3A_217 : f32 to vector<16xf32>
        %add3A_219 = arith.addf %add3A_216, %add3A_218 : vector<16xf32>
        %sub3A_220 = arith.constant 0x4B400000 : f32
        %sub3A_221 = vector.broadcast %sub3A_220 : f32 to vector<16xf32>
        %sub3A_222 = arith.subf %add3A_219, %sub3A_221 : vector<16xf32>
        %div3A_223 = arith.constant 1.000000e-01 : f32
        %div3A_224 = vector.broadcast %div3A_223 : f32 to vector<16xf32>
        %div3A_225 = arith.divf %get3A_206, %div3A_224 : vector<16xf32>
        %add3A_226 = arith.constant 2.000000e+02 : f32
        %add3A_227 = vector.broadcast %add3A_226 : f32 to vector<16xf32>
        %add3A_228 = arith.addf %div3A_225, %add3A_227 : vector<16xf32>
        %add3A_229 = arith.constant 0x4B400000 : f32
        %add3A_230 = vector.broadcast %add3A_229 : f32 to vector<16xf32>
        %add3A_231 = arith.addf %add3A_228, %add3A_230 : vector<16xf32>
        %sub3A_232 = arith.constant 0x4B400000 : f32
        %sub3A_233 = vector.broadcast %sub3A_232 : f32 to vector<16xf32>
        %sub3A_234 = arith.subf %add3A_231, %sub3A_233 : vector<16xf32>
        %lt3A_235 = arith.constant 0.000000e+00 : f32
        %lt3A_236 = vector.broadcast %lt3A_235 : f32 to vector<16xf32>
        %lt3A_237 = arith.cmpf olt, %get3A_208, %lt3A_236 : vector<16xf32>
        %gt3A_238 = arith.constant -1.000000e+00 : f32
        %gt3A_239 = vector.broadcast %gt3A_238 : f32 to vector<16xf32>
        %gt3A_240 = arith.cmpf ogt, %get3A_208, %gt3A_239 : vector<16xf32>
        %and3A_241 = arith.andi %lt3A_237, %gt3A_240 : vector<16xi1>
        %ge3A_242 = arith.constant 1.200000e+02 : f32
        %ge3A_243 = vector.broadcast %ge3A_242 : f32 to vector<16xf32>
        %ge3A_244 = arith.cmpf oge, %sub3A_222, %ge3A_243 : vector<16xf32>
        %lt3A_245 = arith.constant 2.800000e+02 : f32
        %lt3A_246 = vector.broadcast %lt3A_245 : f32 to vector<16xf32>
        %lt3A_247 = arith.cmpf olt, %sub3A_222, %lt3A_246 : vector<16xf32>
        %and3A_248 = arith.andi %ge3A_244, %lt3A_247 : vector<16xi1>
        %ge3A_249 = arith.constant 1.280000e+02 : f32
        %ge3A_250 = vector.broadcast %ge3A_249 : f32 to vector<16xf32>
        %ge3A_251 = arith.cmpf oge, %sub3A_234, %ge3A_250 : vector<16xf32>
        %and3A_252 = arith.andi %and3A_248, %ge3A_251 : vector<16xi1>
        %lt3A_253 = arith.constant 2.720000e+02 : f32
        %lt3A_254 = vector.broadcast %lt3A_253 : f32 to vector<16xf32>
        %lt3A_255 = arith.cmpf olt, %sub3A_234, %lt3A_254 : vector<16xf32>
        %and3A_256 = arith.andi %and3A_252, %lt3A_255 : vector<16xi1>
        %and3A_257 = arith.andi %and3A_256, %and3A_241 : vector<16xi1>
        %mul3A_258 = arith.constant 1.440000e+02 : f32
        %mul3A_259 = vector.broadcast %mul3A_258 : f32 to vector<16xf32>
        %mul3A_260 = arith.mulf %sub3A_222, %mul3A_259 : vector<16xf32>
        %add3A_261 = arith.addf %mul3A_260, %sub3A_234 : vector<16xf32>
        %sub3A_262 = arith.constant 1.740800e+04 : f32
        %sub3A_263 = vector.broadcast %sub3A_262 : f32 to vector<16xf32>
        %sub3A_264 = arith.subf %add3A_261, %sub3A_263 : vector<16xf32>
        %jit3A_265 = arith.constant 0.000000e+00 : f32
        %broadcast_in_dim3A_266 = vector.broadcast %jit3A_265 : f32 to vector<16xf32>
        %select_n3A_267 = arith.select %and3A_257, %sub3A_264, %broadcast_in_dim3A_266 : vector<16xi1>, vector<16xf32>
        %convert_element_type3A_268 = arith.fptosi %select_n3A_267 : vector<16xf32> to vector<16xi32>
        tpu.vector_store_idx %arg15[%convert_element_type3A_268], %broadcast_in_dim3A_3 masked %and3A_257 {add = true} : memref<23040xf32, #tpu.memory_space<vmem>>[vector<16xi32>], vector<16xf32>, vector<16xi1>
        %not3A_269 = arith.constant dense<true> : vector<16xi1>
        %not3A_270 = arith.xori %and3A_257, %not3A_269 : vector<16xi1>
        %and3A_271 = arith.andi %and3A_241, %not3A_270 : vector<16xi1>
        %or3A_272 = arith.ori %or3A, %and3A_271 : vector<16xi1>
        %mul3A_273 = arith.constant 128 : i32
        %mul3A_274 = arith.muli %scan3A_137, %mul3A_273 : i32
        %add3A_275 = arith.constant 32 : i32
        %add3A_276 = arith.addi %mul3A_274, %add3A_275 : i32
        %get3A_277 = arith.index_cast %add3A_276 : i32 to index
        %get3A_278 = tpu.vector_load %arg10[%get3A_277] {strides = array<i32>} : memref<2048xf32, #tpu.memory_space<vmem>>, vector<16xf32>,
        %get3A_279 = arith.index_cast %add3A_276 : i32 to index
        %get3A_280 = tpu.vector_load %arg11[%get3A_279] {strides = array<i32>} : memref<2048xf32, #tpu.memory_space<vmem>>, vector<16xf32>,
        %get3A_281 = arith.index_cast %add3A_276 : i32 to index
        %get3A_282 = tpu.vector_load %arg12[%get3A_281] {strides = array<i32>} : memref<2048xf32, #tpu.memory_space<vmem>>, vector<16xf32>,
        %div3A_283 = arith.constant 1.000000e-01 : f32
        %div3A_284 = vector.broadcast %div3A_283 : f32 to vector<16xf32>
        %div3A_285 = arith.divf %get3A_282, %div3A_284 : vector<16xf32>
        %add3A_286 = arith.constant 2.000000e+02 : f32
        %add3A_287 = vector.broadcast %add3A_286 : f32 to vector<16xf32>
        %add3A_288 = arith.addf %div3A_285, %add3A_287 : vector<16xf32>
        %add3A_289 = arith.constant 0x4B400000 : f32
        %add3A_290 = vector.broadcast %add3A_289 : f32 to vector<16xf32>
        %add3A_291 = arith.addf %add3A_288, %add3A_290 : vector<16xf32>
        %sub3A_292 = arith.constant 0x4B400000 : f32
        %sub3A_293 = vector.broadcast %sub3A_292 : f32 to vector<16xf32>
        %sub3A_294 = arith.subf %add3A_291, %sub3A_293 : vector<16xf32>
        %div3A_295 = arith.constant 1.000000e-01 : f32
        %div3A_296 = vector.broadcast %div3A_295 : f32 to vector<16xf32>
        %div3A_297 = arith.divf %get3A_278, %div3A_296 : vector<16xf32>
        %add3A_298 = arith.constant 2.000000e+02 : f32
        %add3A_299 = vector.broadcast %add3A_298 : f32 to vector<16xf32>
        %add3A_300 = arith.addf %div3A_297, %add3A_299 : vector<16xf32>
        %add3A_301 = arith.constant 0x4B400000 : f32
        %add3A_302 = vector.broadcast %add3A_301 : f32 to vector<16xf32>
        %add3A_303 = arith.addf %add3A_300, %add3A_302 : vector<16xf32>
        %sub3A_304 = arith.constant 0x4B400000 : f32
        %sub3A_305 = vector.broadcast %sub3A_304 : f32 to vector<16xf32>
        %sub3A_306 = arith.subf %add3A_303, %sub3A_305 : vector<16xf32>
        %lt3A_307 = arith.constant 0.000000e+00 : f32
        %lt3A_308 = vector.broadcast %lt3A_307 : f32 to vector<16xf32>
        %lt3A_309 = arith.cmpf olt, %get3A_280, %lt3A_308 : vector<16xf32>
        %gt3A_310 = arith.constant -1.000000e+00 : f32
        %gt3A_311 = vector.broadcast %gt3A_310 : f32 to vector<16xf32>
        %gt3A_312 = arith.cmpf ogt, %get3A_280, %gt3A_311 : vector<16xf32>
        %and3A_313 = arith.andi %lt3A_309, %gt3A_312 : vector<16xi1>
        %ge3A_314 = arith.constant 1.200000e+02 : f32
        %ge3A_315 = vector.broadcast %ge3A_314 : f32 to vector<16xf32>
        %ge3A_316 = arith.cmpf oge, %sub3A_294, %ge3A_315 : vector<16xf32>
        %lt3A_317 = arith.constant 2.800000e+02 : f32
        %lt3A_318 = vector.broadcast %lt3A_317 : f32 to vector<16xf32>
        %lt3A_319 = arith.cmpf olt, %sub3A_294, %lt3A_318 : vector<16xf32>
        %and3A_320 = arith.andi %ge3A_316, %lt3A_319 : vector<16xi1>
        %ge3A_321 = arith.constant 1.280000e+02 : f32
        %ge3A_322 = vector.broadcast %ge3A_321 : f32 to vector<16xf32>
        %ge3A_323 = arith.cmpf oge, %sub3A_306, %ge3A_322 : vector<16xf32>
        %and3A_324 = arith.andi %and3A_320, %ge3A_323 : vector<16xi1>
        %lt3A_325 = arith.constant 2.720000e+02 : f32
        %lt3A_326 = vector.broadcast %lt3A_325 : f32 to vector<16xf32>
        %lt3A_327 = arith.cmpf olt, %sub3A_306, %lt3A_326 : vector<16xf32>
        %and3A_328 = arith.andi %and3A_324, %lt3A_327 : vector<16xi1>
        %and3A_329 = arith.andi %and3A_328, %and3A_313 : vector<16xi1>
        %mul3A_330 = arith.constant 1.440000e+02 : f32
        %mul3A_331 = vector.broadcast %mul3A_330 : f32 to vector<16xf32>
        %mul3A_332 = arith.mulf %sub3A_294, %mul3A_331 : vector<16xf32>
        %add3A_333 = arith.addf %mul3A_332, %sub3A_306 : vector<16xf32>
        %sub3A_334 = arith.constant 1.740800e+04 : f32
        %sub3A_335 = vector.broadcast %sub3A_334 : f32 to vector<16xf32>
        %sub3A_336 = arith.subf %add3A_333, %sub3A_335 : vector<16xf32>
        %jit3A_337 = arith.constant 0.000000e+00 : f32
        %broadcast_in_dim3A_338 = vector.broadcast %jit3A_337 : f32 to vector<16xf32>
        %select_n3A_339 = arith.select %and3A_329, %sub3A_336, %broadcast_in_dim3A_338 : vector<16xi1>, vector<16xf32>
        %convert_element_type3A_340 = arith.fptosi %select_n3A_339 : vector<16xf32> to vector<16xi32>
        tpu.vector_store_idx %arg15[%convert_element_type3A_340], %broadcast_in_dim3A_3 masked %and3A_329 {add = true} : memref<23040xf32, #tpu.memory_space<vmem>>[vector<16xi32>], vector<16xf32>, vector<16xi1>
        %not3A_341 = arith.constant dense<true> : vector<16xi1>
        %not3A_342 = arith.xori %and3A_329, %not3A_341 : vector<16xi1>
        %and3A_343 = arith.andi %and3A_313, %not3A_342 : vector<16xi1>
        %or3A_344 = arith.ori %or3A_272, %and3A_343 : vector<16xi1>
        %mul3A_345 = arith.constant 128 : i32
        %mul3A_346 = arith.muli %scan3A_137, %mul3A_345 : i32
        %add3A_347 = arith.constant 48 : i32
        %add3A_348 = arith.addi %mul3A_346, %add3A_347 : i32
        %get3A_349 = arith.index_cast %add3A_348 : i32 to index
        %get3A_350 = tpu.vector_load %arg10[%get3A_349] {strides = array<i32>} : memref<2048xf32, #tpu.memory_space<vmem>>, vector<16xf32>,
        %get3A_351 = arith.index_cast %add3A_348 : i32 to index
        %get3A_352 = tpu.vector_load %arg11[%get3A_351] {strides = array<i32>} : memref<2048xf32, #tpu.memory_space<vmem>>, vector<16xf32>,
        %get3A_353 = arith.index_cast %add3A_348 : i32 to index
        %get3A_354 = tpu.vector_load %arg12[%get3A_353] {strides = array<i32>} : memref<2048xf32, #tpu.memory_space<vmem>>, vector<16xf32>,
        %div3A_355 = arith.constant 1.000000e-01 : f32
        %div3A_356 = vector.broadcast %div3A_355 : f32 to vector<16xf32>
        %div3A_357 = arith.divf %get3A_354, %div3A_356 : vector<16xf32>
        %add3A_358 = arith.constant 2.000000e+02 : f32
        %add3A_359 = vector.broadcast %add3A_358 : f32 to vector<16xf32>
        %add3A_360 = arith.addf %div3A_357, %add3A_359 : vector<16xf32>
        %add3A_361 = arith.constant 0x4B400000 : f32
        %add3A_362 = vector.broadcast %add3A_361 : f32 to vector<16xf32>
        %add3A_363 = arith.addf %add3A_360, %add3A_362 : vector<16xf32>
        %sub3A_364 = arith.constant 0x4B400000 : f32
        %sub3A_365 = vector.broadcast %sub3A_364 : f32 to vector<16xf32>
        %sub3A_366 = arith.subf %add3A_363, %sub3A_365 : vector<16xf32>
        %div3A_367 = arith.constant 1.000000e-01 : f32
        %div3A_368 = vector.broadcast %div3A_367 : f32 to vector<16xf32>
        %div3A_369 = arith.divf %get3A_350, %div3A_368 : vector<16xf32>
        %add3A_370 = arith.constant 2.000000e+02 : f32
        %add3A_371 = vector.broadcast %add3A_370 : f32 to vector<16xf32>
        %add3A_372 = arith.addf %div3A_369, %add3A_371 : vector<16xf32>
        %add3A_373 = arith.constant 0x4B400000 : f32
        %add3A_374 = vector.broadcast %add3A_373 : f32 to vector<16xf32>
        %add3A_375 = arith.addf %add3A_372, %add3A_374 : vector<16xf32>
        %sub3A_376 = arith.constant 0x4B400000 : f32
        %sub3A_377 = vector.broadcast %sub3A_376 : f32 to vector<16xf32>
        %sub3A_378 = arith.subf %add3A_375, %sub3A_377 : vector<16xf32>
        %lt3A_379 = arith.constant 0.000000e+00 : f32
        %lt3A_380 = vector.broadcast %lt3A_379 : f32 to vector<16xf32>
        %lt3A_381 = arith.cmpf olt, %get3A_352, %lt3A_380 : vector<16xf32>
        %gt3A_382 = arith.constant -1.000000e+00 : f32
        %gt3A_383 = vector.broadcast %gt3A_382 : f32 to vector<16xf32>
        %gt3A_384 = arith.cmpf ogt, %get3A_352, %gt3A_383 : vector<16xf32>
        %and3A_385 = arith.andi %lt3A_381, %gt3A_384 : vector<16xi1>
        %ge3A_386 = arith.constant 1.200000e+02 : f32
        %ge3A_387 = vector.broadcast %ge3A_386 : f32 to vector<16xf32>
        %ge3A_388 = arith.cmpf oge, %sub3A_366, %ge3A_387 : vector<16xf32>
        %lt3A_389 = arith.constant 2.800000e+02 : f32
        %lt3A_390 = vector.broadcast %lt3A_389 : f32 to vector<16xf32>
        %lt3A_391 = arith.cmpf olt, %sub3A_366, %lt3A_390 : vector<16xf32>
        %and3A_392 = arith.andi %ge3A_388, %lt3A_391 : vector<16xi1>
        %ge3A_393 = arith.constant 1.280000e+02 : f32
        %ge3A_394 = vector.broadcast %ge3A_393 : f32 to vector<16xf32>
        %ge3A_395 = arith.cmpf oge, %sub3A_378, %ge3A_394 : vector<16xf32>
        %and3A_396 = arith.andi %and3A_392, %ge3A_395 : vector<16xi1>
        %lt3A_397 = arith.constant 2.720000e+02 : f32
        %lt3A_398 = vector.broadcast %lt3A_397 : f32 to vector<16xf32>
        %lt3A_399 = arith.cmpf olt, %sub3A_378, %lt3A_398 : vector<16xf32>
        %and3A_400 = arith.andi %and3A_396, %lt3A_399 : vector<16xi1>
        %and3A_401 = arith.andi %and3A_400, %and3A_385 : vector<16xi1>
        %mul3A_402 = arith.constant 1.440000e+02 : f32
        %mul3A_403 = vector.broadcast %mul3A_402 : f32 to vector<16xf32>
        %mul3A_404 = arith.mulf %sub3A_366, %mul3A_403 : vector<16xf32>
        %add3A_405 = arith.addf %mul3A_404, %sub3A_378 : vector<16xf32>
        %sub3A_406 = arith.constant 1.740800e+04 : f32
        %sub3A_407 = vector.broadcast %sub3A_406 : f32 to vector<16xf32>
        %sub3A_408 = arith.subf %add3A_405, %sub3A_407 : vector<16xf32>
        %jit3A_409 = arith.constant 0.000000e+00 : f32
        %broadcast_in_dim3A_410 = vector.broadcast %jit3A_409 : f32 to vector<16xf32>
        %select_n3A_411 = arith.select %and3A_401, %sub3A_408, %broadcast_in_dim3A_410 : vector<16xi1>, vector<16xf32>
        %convert_element_type3A_412 = arith.fptosi %select_n3A_411 : vector<16xf32> to vector<16xi32>
        tpu.vector_store_idx %arg15[%convert_element_type3A_412], %broadcast_in_dim3A_3 masked %and3A_401 {add = true} : memref<23040xf32, #tpu.memory_space<vmem>>[vector<16xi32>], vector<16xf32>, vector<16xi1>
        %not3A_413 = arith.constant dense<true> : vector<16xi1>
        %not3A_414 = arith.xori %and3A_401, %not3A_413 : vector<16xi1>
        %and3A_415 = arith.andi %and3A_385, %not3A_414 : vector<16xi1>
        %or3A_416 = arith.ori %or3A_344, %and3A_415 : vector<16xi1>
        %mul3A_417 = arith.constant 128 : i32
        %mul3A_418 = arith.muli %scan3A_137, %mul3A_417 : i32
        %add3A_419 = arith.constant 64 : i32
        %add3A_420 = arith.addi %mul3A_418, %add3A_419 : i32
        %get3A_421 = arith.index_cast %add3A_420 : i32 to index
        %get3A_422 = tpu.vector_load %arg10[%get3A_421] {strides = array<i32>} : memref<2048xf32, #tpu.memory_space<vmem>>, vector<16xf32>,
        %get3A_423 = arith.index_cast %add3A_420 : i32 to index
        %get3A_424 = tpu.vector_load %arg11[%get3A_423] {strides = array<i32>} : memref<2048xf32, #tpu.memory_space<vmem>>, vector<16xf32>,
        %get3A_425 = arith.index_cast %add3A_420 : i32 to index
        %get3A_426 = tpu.vector_load %arg12[%get3A_425] {strides = array<i32>} : memref<2048xf32, #tpu.memory_space<vmem>>, vector<16xf32>,
        %div3A_427 = arith.constant 1.000000e-01 : f32
        %div3A_428 = vector.broadcast %div3A_427 : f32 to vector<16xf32>
        %div3A_429 = arith.divf %get3A_426, %div3A_428 : vector<16xf32>
        %add3A_430 = arith.constant 2.000000e+02 : f32
        %add3A_431 = vector.broadcast %add3A_430 : f32 to vector<16xf32>
        %add3A_432 = arith.addf %div3A_429, %add3A_431 : vector<16xf32>
        %add3A_433 = arith.constant 0x4B400000 : f32
        %add3A_434 = vector.broadcast %add3A_433 : f32 to vector<16xf32>
        %add3A_435 = arith.addf %add3A_432, %add3A_434 : vector<16xf32>
        %sub3A_436 = arith.constant 0x4B400000 : f32
        %sub3A_437 = vector.broadcast %sub3A_436 : f32 to vector<16xf32>
        %sub3A_438 = arith.subf %add3A_435, %sub3A_437 : vector<16xf32>
        %div3A_439 = arith.constant 1.000000e-01 : f32
        %div3A_440 = vector.broadcast %div3A_439 : f32 to vector<16xf32>
        %div3A_441 = arith.divf %get3A_422, %div3A_440 : vector<16xf32>
        %add3A_442 = arith.constant 2.000000e+02 : f32
        %add3A_443 = vector.broadcast %add3A_442 : f32 to vector<16xf32>
        %add3A_444 = arith.addf %div3A_441, %add3A_443 : vector<16xf32>
        %add3A_445 = arith.constant 0x4B400000 : f32
        %add3A_446 = vector.broadcast %add3A_445 : f32 to vector<16xf32>
        %add3A_447 = arith.addf %add3A_444, %add3A_446 : vector<16xf32>
        %sub3A_448 = arith.constant 0x4B400000 : f32
        %sub3A_449 = vector.broadcast %sub3A_448 : f32 to vector<16xf32>
        %sub3A_450 = arith.subf %add3A_447, %sub3A_449 : vector<16xf32>
        %lt3A_451 = arith.constant 0.000000e+00 : f32
        %lt3A_452 = vector.broadcast %lt3A_451 : f32 to vector<16xf32>
        %lt3A_453 = arith.cmpf olt, %get3A_424, %lt3A_452 : vector<16xf32>
        %gt3A_454 = arith.constant -1.000000e+00 : f32
        %gt3A_455 = vector.broadcast %gt3A_454 : f32 to vector<16xf32>
        %gt3A_456 = arith.cmpf ogt, %get3A_424, %gt3A_455 : vector<16xf32>
        %and3A_457 = arith.andi %lt3A_453, %gt3A_456 : vector<16xi1>
        %ge3A_458 = arith.constant 1.200000e+02 : f32
        %ge3A_459 = vector.broadcast %ge3A_458 : f32 to vector<16xf32>
        %ge3A_460 = arith.cmpf oge, %sub3A_438, %ge3A_459 : vector<16xf32>
        %lt3A_461 = arith.constant 2.800000e+02 : f32
        %lt3A_462 = vector.broadcast %lt3A_461 : f32 to vector<16xf32>
        %lt3A_463 = arith.cmpf olt, %sub3A_438, %lt3A_462 : vector<16xf32>
        %and3A_464 = arith.andi %ge3A_460, %lt3A_463 : vector<16xi1>
        %ge3A_465 = arith.constant 1.280000e+02 : f32
        %ge3A_466 = vector.broadcast %ge3A_465 : f32 to vector<16xf32>
        %ge3A_467 = arith.cmpf oge, %sub3A_450, %ge3A_466 : vector<16xf32>
        %and3A_468 = arith.andi %and3A_464, %ge3A_467 : vector<16xi1>
        %lt3A_469 = arith.constant 2.720000e+02 : f32
        %lt3A_470 = vector.broadcast %lt3A_469 : f32 to vector<16xf32>
        %lt3A_471 = arith.cmpf olt, %sub3A_450, %lt3A_470 : vector<16xf32>
        %and3A_472 = arith.andi %and3A_468, %lt3A_471 : vector<16xi1>
        %and3A_473 = arith.andi %and3A_472, %and3A_457 : vector<16xi1>
        %mul3A_474 = arith.constant 1.440000e+02 : f32
        %mul3A_475 = vector.broadcast %mul3A_474 : f32 to vector<16xf32>
        %mul3A_476 = arith.mulf %sub3A_438, %mul3A_475 : vector<16xf32>
        %add3A_477 = arith.addf %mul3A_476, %sub3A_450 : vector<16xf32>
        %sub3A_478 = arith.constant 1.740800e+04 : f32
        %sub3A_479 = vector.broadcast %sub3A_478 : f32 to vector<16xf32>
        %sub3A_480 = arith.subf %add3A_477, %sub3A_479 : vector<16xf32>
        %jit3A_481 = arith.constant 0.000000e+00 : f32
        %broadcast_in_dim3A_482 = vector.broadcast %jit3A_481 : f32 to vector<16xf32>
        %select_n3A_483 = arith.select %and3A_473, %sub3A_480, %broadcast_in_dim3A_482 : vector<16xi1>, vector<16xf32>
        %convert_element_type3A_484 = arith.fptosi %select_n3A_483 : vector<16xf32> to vector<16xi32>
        tpu.vector_store_idx %arg15[%convert_element_type3A_484], %broadcast_in_dim3A_3 masked %and3A_473 {add = true} : memref<23040xf32, #tpu.memory_space<vmem>>[vector<16xi32>], vector<16xf32>, vector<16xi1>
        %not3A_485 = arith.constant dense<true> : vector<16xi1>
        %not3A_486 = arith.xori %and3A_473, %not3A_485 : vector<16xi1>
        %and3A_487 = arith.andi %and3A_457, %not3A_486 : vector<16xi1>
        %or3A_488 = arith.ori %or3A_416, %and3A_487 : vector<16xi1>
        %mul3A_489 = arith.constant 128 : i32
        %mul3A_490 = arith.muli %scan3A_137, %mul3A_489 : i32
        %add3A_491 = arith.constant 80 : i32
        %add3A_492 = arith.addi %mul3A_490, %add3A_491 : i32
        %get3A_493 = arith.index_cast %add3A_492 : i32 to index
        %get3A_494 = tpu.vector_load %arg10[%get3A_493] {strides = array<i32>} : memref<2048xf32, #tpu.memory_space<vmem>>, vector<16xf32>,
        %get3A_495 = arith.index_cast %add3A_492 : i32 to index
        %get3A_496 = tpu.vector_load %arg11[%get3A_495] {strides = array<i32>} : memref<2048xf32, #tpu.memory_space<vmem>>, vector<16xf32>,
        %get3A_497 = arith.index_cast %add3A_492 : i32 to index
        %get3A_498 = tpu.vector_load %arg12[%get3A_497] {strides = array<i32>} : memref<2048xf32, #tpu.memory_space<vmem>>, vector<16xf32>,
        %div3A_499 = arith.constant 1.000000e-01 : f32
        %div3A_500 = vector.broadcast %div3A_499 : f32 to vector<16xf32>
        %div3A_501 = arith.divf %get3A_498, %div3A_500 : vector<16xf32>
        %add3A_502 = arith.constant 2.000000e+02 : f32
        %add3A_503 = vector.broadcast %add3A_502 : f32 to vector<16xf32>
        %add3A_504 = arith.addf %div3A_501, %add3A_503 : vector<16xf32>
        %add3A_505 = arith.constant 0x4B400000 : f32
        %add3A_506 = vector.broadcast %add3A_505 : f32 to vector<16xf32>
        %add3A_507 = arith.addf %add3A_504, %add3A_506 : vector<16xf32>
        %sub3A_508 = arith.constant 0x4B400000 : f32
        %sub3A_509 = vector.broadcast %sub3A_508 : f32 to vector<16xf32>
        %sub3A_510 = arith.subf %add3A_507, %sub3A_509 : vector<16xf32>
        %div3A_511 = arith.constant 1.000000e-01 : f32
        %div3A_512 = vector.broadcast %div3A_511 : f32 to vector<16xf32>
        %div3A_513 = arith.divf %get3A_494, %div3A_512 : vector<16xf32>
        %add3A_514 = arith.constant 2.000000e+02 : f32
        %add3A_515 = vector.broadcast %add3A_514 : f32 to vector<16xf32>
        %add3A_516 = arith.addf %div3A_513, %add3A_515 : vector<16xf32>
        %add3A_517 = arith.constant 0x4B400000 : f32
        %add3A_518 = vector.broadcast %add3A_517 : f32 to vector<16xf32>
        %add3A_519 = arith.addf %add3A_516, %add3A_518 : vector<16xf32>
        %sub3A_520 = arith.constant 0x4B400000 : f32
        %sub3A_521 = vector.broadcast %sub3A_520 : f32 to vector<16xf32>
        %sub3A_522 = arith.subf %add3A_519, %sub3A_521 : vector<16xf32>
        %lt3A_523 = arith.constant 0.000000e+00 : f32
        %lt3A_524 = vector.broadcast %lt3A_523 : f32 to vector<16xf32>
        %lt3A_525 = arith.cmpf olt, %get3A_496, %lt3A_524 : vector<16xf32>
        %gt3A_526 = arith.constant -1.000000e+00 : f32
        %gt3A_527 = vector.broadcast %gt3A_526 : f32 to vector<16xf32>
        %gt3A_528 = arith.cmpf ogt, %get3A_496, %gt3A_527 : vector<16xf32>
        %and3A_529 = arith.andi %lt3A_525, %gt3A_528 : vector<16xi1>
        %ge3A_530 = arith.constant 1.200000e+02 : f32
        %ge3A_531 = vector.broadcast %ge3A_530 : f32 to vector<16xf32>
        %ge3A_532 = arith.cmpf oge, %sub3A_510, %ge3A_531 : vector<16xf32>
        %lt3A_533 = arith.constant 2.800000e+02 : f32
        %lt3A_534 = vector.broadcast %lt3A_533 : f32 to vector<16xf32>
        %lt3A_535 = arith.cmpf olt, %sub3A_510, %lt3A_534 : vector<16xf32>
        %and3A_536 = arith.andi %ge3A_532, %lt3A_535 : vector<16xi1>
        %ge3A_537 = arith.constant 1.280000e+02 : f32
        %ge3A_538 = vector.broadcast %ge3A_537 : f32 to vector<16xf32>
        %ge3A_539 = arith.cmpf oge, %sub3A_522, %ge3A_538 : vector<16xf32>
        %and3A_540 = arith.andi %and3A_536, %ge3A_539 : vector<16xi1>
        %lt3A_541 = arith.constant 2.720000e+02 : f32
        %lt3A_542 = vector.broadcast %lt3A_541 : f32 to vector<16xf32>
        %lt3A_543 = arith.cmpf olt, %sub3A_522, %lt3A_542 : vector<16xf32>
        %and3A_544 = arith.andi %and3A_540, %lt3A_543 : vector<16xi1>
        %and3A_545 = arith.andi %and3A_544, %and3A_529 : vector<16xi1>
        %mul3A_546 = arith.constant 1.440000e+02 : f32
        %mul3A_547 = vector.broadcast %mul3A_546 : f32 to vector<16xf32>
        %mul3A_548 = arith.mulf %sub3A_510, %mul3A_547 : vector<16xf32>
        %add3A_549 = arith.addf %mul3A_548, %sub3A_522 : vector<16xf32>
        %sub3A_550 = arith.constant 1.740800e+04 : f32
        %sub3A_551 = vector.broadcast %sub3A_550 : f32 to vector<16xf32>
        %sub3A_552 = arith.subf %add3A_549, %sub3A_551 : vector<16xf32>
        %jit3A_553 = arith.constant 0.000000e+00 : f32
        %broadcast_in_dim3A_554 = vector.broadcast %jit3A_553 : f32 to vector<16xf32>
        %select_n3A_555 = arith.select %and3A_545, %sub3A_552, %broadcast_in_dim3A_554 : vector<16xi1>, vector<16xf32>
        %convert_element_type3A_556 = arith.fptosi %select_n3A_555 : vector<16xf32> to vector<16xi32>
        tpu.vector_store_idx %arg15[%convert_element_type3A_556], %broadcast_in_dim3A_3 masked %and3A_545 {add = true} : memref<23040xf32, #tpu.memory_space<vmem>>[vector<16xi32>], vector<16xf32>, vector<16xi1>
        %not3A_557 = arith.constant dense<true> : vector<16xi1>
        %not3A_558 = arith.xori %and3A_545, %not3A_557 : vector<16xi1>
        %and3A_559 = arith.andi %and3A_529, %not3A_558 : vector<16xi1>
        %or3A_560 = arith.ori %or3A_488, %and3A_559 : vector<16xi1>
        %mul3A_561 = arith.constant 128 : i32
        %mul3A_562 = arith.muli %scan3A_137, %mul3A_561 : i32
        %add3A_563 = arith.constant 96 : i32
        %add3A_564 = arith.addi %mul3A_562, %add3A_563 : i32
        %get3A_565 = arith.index_cast %add3A_564 : i32 to index
        %get3A_566 = tpu.vector_load %arg10[%get3A_565] {strides = array<i32>} : memref<2048xf32, #tpu.memory_space<vmem>>, vector<16xf32>,
        %get3A_567 = arith.index_cast %add3A_564 : i32 to index
        %get3A_568 = tpu.vector_load %arg11[%get3A_567] {strides = array<i32>} : memref<2048xf32, #tpu.memory_space<vmem>>, vector<16xf32>,
        %get3A_569 = arith.index_cast %add3A_564 : i32 to index
        %get3A_570 = tpu.vector_load %arg12[%get3A_569] {strides = array<i32>} : memref<2048xf32, #tpu.memory_space<vmem>>, vector<16xf32>,
        %div3A_571 = arith.constant 1.000000e-01 : f32
        %div3A_572 = vector.broadcast %div3A_571 : f32 to vector<16xf32>
        %div3A_573 = arith.divf %get3A_570, %div3A_572 : vector<16xf32>
        %add3A_574 = arith.constant 2.000000e+02 : f32
        %add3A_575 = vector.broadcast %add3A_574 : f32 to vector<16xf32>
        %add3A_576 = arith.addf %div3A_573, %add3A_575 : vector<16xf32>
        %add3A_577 = arith.constant 0x4B400000 : f32
        %add3A_578 = vector.broadcast %add3A_577 : f32 to vector<16xf32>
        %add3A_579 = arith.addf %add3A_576, %add3A_578 : vector<16xf32>
        %sub3A_580 = arith.constant 0x4B400000 : f32
        %sub3A_581 = vector.broadcast %sub3A_580 : f32 to vector<16xf32>
        %sub3A_582 = arith.subf %add3A_579, %sub3A_581 : vector<16xf32>
        %div3A_583 = arith.constant 1.000000e-01 : f32
        %div3A_584 = vector.broadcast %div3A_583 : f32 to vector<16xf32>
        %div3A_585 = arith.divf %get3A_566, %div3A_584 : vector<16xf32>
        %add3A_586 = arith.constant 2.000000e+02 : f32
        %add3A_587 = vector.broadcast %add3A_586 : f32 to vector<16xf32>
        %add3A_588 = arith.addf %div3A_585, %add3A_587 : vector<16xf32>
        %add3A_589 = arith.constant 0x4B400000 : f32
        %add3A_590 = vector.broadcast %add3A_589 : f32 to vector<16xf32>
        %add3A_591 = arith.addf %add3A_588, %add3A_590 : vector<16xf32>
        %sub3A_592 = arith.constant 0x4B400000 : f32
        %sub3A_593 = vector.broadcast %sub3A_592 : f32 to vector<16xf32>
        %sub3A_594 = arith.subf %add3A_591, %sub3A_593 : vector<16xf32>
        %lt3A_595 = arith.constant 0.000000e+00 : f32
        %lt3A_596 = vector.broadcast %lt3A_595 : f32 to vector<16xf32>
        %lt3A_597 = arith.cmpf olt, %get3A_568, %lt3A_596 : vector<16xf32>
        %gt3A_598 = arith.constant -1.000000e+00 : f32
        %gt3A_599 = vector.broadcast %gt3A_598 : f32 to vector<16xf32>
        %gt3A_600 = arith.cmpf ogt, %get3A_568, %gt3A_599 : vector<16xf32>
        %and3A_601 = arith.andi %lt3A_597, %gt3A_600 : vector<16xi1>
        %ge3A_602 = arith.constant 1.200000e+02 : f32
        %ge3A_603 = vector.broadcast %ge3A_602 : f32 to vector<16xf32>
        %ge3A_604 = arith.cmpf oge, %sub3A_582, %ge3A_603 : vector<16xf32>
        %lt3A_605 = arith.constant 2.800000e+02 : f32
        %lt3A_606 = vector.broadcast %lt3A_605 : f32 to vector<16xf32>
        %lt3A_607 = arith.cmpf olt, %sub3A_582, %lt3A_606 : vector<16xf32>
        %and3A_608 = arith.andi %ge3A_604, %lt3A_607 : vector<16xi1>
        %ge3A_609 = arith.constant 1.280000e+02 : f32
        %ge3A_610 = vector.broadcast %ge3A_609 : f32 to vector<16xf32>
        %ge3A_611 = arith.cmpf oge, %sub3A_594, %ge3A_610 : vector<16xf32>
        %and3A_612 = arith.andi %and3A_608, %ge3A_611 : vector<16xi1>
        %lt3A_613 = arith.constant 2.720000e+02 : f32
        %lt3A_614 = vector.broadcast %lt3A_613 : f32 to vector<16xf32>
        %lt3A_615 = arith.cmpf olt, %sub3A_594, %lt3A_614 : vector<16xf32>
        %and3A_616 = arith.andi %and3A_612, %lt3A_615 : vector<16xi1>
        %and3A_617 = arith.andi %and3A_616, %and3A_601 : vector<16xi1>
        %mul3A_618 = arith.constant 1.440000e+02 : f32
        %mul3A_619 = vector.broadcast %mul3A_618 : f32 to vector<16xf32>
        %mul3A_620 = arith.mulf %sub3A_582, %mul3A_619 : vector<16xf32>
        %add3A_621 = arith.addf %mul3A_620, %sub3A_594 : vector<16xf32>
        %sub3A_622 = arith.constant 1.740800e+04 : f32
        %sub3A_623 = vector.broadcast %sub3A_622 : f32 to vector<16xf32>
        %sub3A_624 = arith.subf %add3A_621, %sub3A_623 : vector<16xf32>
        %jit3A_625 = arith.constant 0.000000e+00 : f32
        %broadcast_in_dim3A_626 = vector.broadcast %jit3A_625 : f32 to vector<16xf32>
        %select_n3A_627 = arith.select %and3A_617, %sub3A_624, %broadcast_in_dim3A_626 : vector<16xi1>, vector<16xf32>
        %convert_element_type3A_628 = arith.fptosi %select_n3A_627 : vector<16xf32> to vector<16xi32>
        tpu.vector_store_idx %arg15[%convert_element_type3A_628], %broadcast_in_dim3A_3 masked %and3A_617 {add = true} : memref<23040xf32, #tpu.memory_space<vmem>>[vector<16xi32>], vector<16xf32>, vector<16xi1>
        %not3A_629 = arith.constant dense<true> : vector<16xi1>
        %not3A_630 = arith.xori %and3A_617, %not3A_629 : vector<16xi1>
        %and3A_631 = arith.andi %and3A_601, %not3A_630 : vector<16xi1>
        %or3A_632 = arith.ori %or3A_560, %and3A_631 : vector<16xi1>
        %mul3A_633 = arith.constant 128 : i32
        %mul3A_634 = arith.muli %scan3A_137, %mul3A_633 : i32
        %add3A_635 = arith.constant 112 : i32
        %add3A_636 = arith.addi %mul3A_634, %add3A_635 : i32
        %get3A_637 = arith.index_cast %add3A_636 : i32 to index
        %get3A_638 = tpu.vector_load %arg10[%get3A_637] {strides = array<i32>} : memref<2048xf32, #tpu.memory_space<vmem>>, vector<16xf32>,
        %get3A_639 = arith.index_cast %add3A_636 : i32 to index
        %get3A_640 = tpu.vector_load %arg11[%get3A_639] {strides = array<i32>} : memref<2048xf32, #tpu.memory_space<vmem>>, vector<16xf32>,
        %get3A_641 = arith.index_cast %add3A_636 : i32 to index
        %get3A_642 = tpu.vector_load %arg12[%get3A_641] {strides = array<i32>} : memref<2048xf32, #tpu.memory_space<vmem>>, vector<16xf32>,
        %div3A_643 = arith.constant 1.000000e-01 : f32
        %div3A_644 = vector.broadcast %div3A_643 : f32 to vector<16xf32>
        %div3A_645 = arith.divf %get3A_642, %div3A_644 : vector<16xf32>
        %add3A_646 = arith.constant 2.000000e+02 : f32
        %add3A_647 = vector.broadcast %add3A_646 : f32 to vector<16xf32>
        %add3A_648 = arith.addf %div3A_645, %add3A_647 : vector<16xf32>
        %add3A_649 = arith.constant 0x4B400000 : f32
        %add3A_650 = vector.broadcast %add3A_649 : f32 to vector<16xf32>
        %add3A_651 = arith.addf %add3A_648, %add3A_650 : vector<16xf32>
        %sub3A_652 = arith.constant 0x4B400000 : f32
        %sub3A_653 = vector.broadcast %sub3A_652 : f32 to vector<16xf32>
        %sub3A_654 = arith.subf %add3A_651, %sub3A_653 : vector<16xf32>
        %div3A_655 = arith.constant 1.000000e-01 : f32
        %div3A_656 = vector.broadcast %div3A_655 : f32 to vector<16xf32>
        %div3A_657 = arith.divf %get3A_638, %div3A_656 : vector<16xf32>
        %add3A_658 = arith.constant 2.000000e+02 : f32
        %add3A_659 = vector.broadcast %add3A_658 : f32 to vector<16xf32>
        %add3A_660 = arith.addf %div3A_657, %add3A_659 : vector<16xf32>
        %add3A_661 = arith.constant 0x4B400000 : f32
        %add3A_662 = vector.broadcast %add3A_661 : f32 to vector<16xf32>
        %add3A_663 = arith.addf %add3A_660, %add3A_662 : vector<16xf32>
        %sub3A_664 = arith.constant 0x4B400000 : f32
        %sub3A_665 = vector.broadcast %sub3A_664 : f32 to vector<16xf32>
        %sub3A_666 = arith.subf %add3A_663, %sub3A_665 : vector<16xf32>
        %lt3A_667 = arith.constant 0.000000e+00 : f32
        %lt3A_668 = vector.broadcast %lt3A_667 : f32 to vector<16xf32>
        %lt3A_669 = arith.cmpf olt, %get3A_640, %lt3A_668 : vector<16xf32>
        %gt3A_670 = arith.constant -1.000000e+00 : f32
        %gt3A_671 = vector.broadcast %gt3A_670 : f32 to vector<16xf32>
        %gt3A_672 = arith.cmpf ogt, %get3A_640, %gt3A_671 : vector<16xf32>
        %and3A_673 = arith.andi %lt3A_669, %gt3A_672 : vector<16xi1>
        %ge3A_674 = arith.constant 1.200000e+02 : f32
        %ge3A_675 = vector.broadcast %ge3A_674 : f32 to vector<16xf32>
        %ge3A_676 = arith.cmpf oge, %sub3A_654, %ge3A_675 : vector<16xf32>
        %lt3A_677 = arith.constant 2.800000e+02 : f32
        %lt3A_678 = vector.broadcast %lt3A_677 : f32 to vector<16xf32>
        %lt3A_679 = arith.cmpf olt, %sub3A_654, %lt3A_678 : vector<16xf32>
        %and3A_680 = arith.andi %ge3A_676, %lt3A_679 : vector<16xi1>
        %ge3A_681 = arith.constant 1.280000e+02 : f32
        %ge3A_682 = vector.broadcast %ge3A_681 : f32 to vector<16xf32>
        %ge3A_683 = arith.cmpf oge, %sub3A_666, %ge3A_682 : vector<16xf32>
        %and3A_684 = arith.andi %and3A_680, %ge3A_683 : vector<16xi1>
        %lt3A_685 = arith.constant 2.720000e+02 : f32
        %lt3A_686 = vector.broadcast %lt3A_685 : f32 to vector<16xf32>
        %lt3A_687 = arith.cmpf olt, %sub3A_666, %lt3A_686 : vector<16xf32>
        %and3A_688 = arith.andi %and3A_684, %lt3A_687 : vector<16xi1>
        %and3A_689 = arith.andi %and3A_688, %and3A_673 : vector<16xi1>
        %mul3A_690 = arith.constant 1.440000e+02 : f32
        %mul3A_691 = vector.broadcast %mul3A_690 : f32 to vector<16xf32>
        %mul3A_692 = arith.mulf %sub3A_654, %mul3A_691 : vector<16xf32>
        %add3A_693 = arith.addf %mul3A_692, %sub3A_666 : vector<16xf32>
        %sub3A_694 = arith.constant 1.740800e+04 : f32
        %sub3A_695 = vector.broadcast %sub3A_694 : f32 to vector<16xf32>
        %sub3A_696 = arith.subf %add3A_693, %sub3A_695 : vector<16xf32>
        %jit3A_697 = arith.constant 0.000000e+00 : f32
        %broadcast_in_dim3A_698 = vector.broadcast %jit3A_697 : f32 to vector<16xf32>
        %select_n3A_699 = arith.select %and3A_689, %sub3A_696, %broadcast_in_dim3A_698 : vector<16xi1>, vector<16xf32>
        %convert_element_type3A_700 = arith.fptosi %select_n3A_699 : vector<16xf32> to vector<16xi32>
        tpu.vector_store_idx %arg15[%convert_element_type3A_700], %broadcast_in_dim3A_3 masked %and3A_689 {add = true} : memref<23040xf32, #tpu.memory_space<vmem>>[vector<16xi32>], vector<16xf32>, vector<16xi1>
        %not3A_701 = arith.constant dense<true> : vector<16xi1>
        %not3A_702 = arith.xori %and3A_689, %not3A_701 : vector<16xi1>
        %and3A_703 = arith.andi %and3A_673, %not3A_702 : vector<16xi1>
        %or3A_704 = arith.ori %or3A_632, %and3A_703 : vector<16xi1>
        scf.yield %or3A_704 : vector<16xi1>
      }
      %scan3A_115 = arith.constant 16 : i32
      %reduce_or3A_116 = arith.constant 1.000000e+00 : f32
      %reduce_or3A_117 = arith.constant 0.000000e+00 : f32
      %reduce_or3A_118 = vector.broadcast %reduce_or3A_116 : f32 to vector<16xf32>
      %reduce_or3A_119 = vector.broadcast %reduce_or3A_117 : f32 to vector<16xf32>
      %reduce_or3A_120 = arith.select %scan3A_114, %reduce_or3A_118, %reduce_or3A_119 : vector<16xi1>, vector<16xf32>
      %reduce_or3A_121 = arith.constant true
      %reduce_or3A_122 = vector.broadcast %reduce_or3A_121 : i1 to vector<16xi1>
      %reduce_or3A_123 = tpu.scan <max>, %reduce_or3A_120 masked %reduce_or3A_122 : vector<16xf32>, vector<16xi1> -> vector<16xf32>
      %reduce_or3A_124 = vector.extract %reduce_or3A_123[15] : f32 from vector<16xf32>
      %reduce_or3A_125 = arith.constant 0.000000e+00 : f32
      %reduce_or3A_126 = arith.cmpf ogt, %reduce_or3A_124, %reduce_or3A_125 : f32
      %convert_element_type3A_127 = arith.extui %reduce_or3A_126 : i1 to i32
      %cond3A_128 = arith.constant 0 : i32
      %cond3A_129 = arith.cmpi ne, %convert_element_type3A_127, %cond3A_128 : i32
      scf.if %cond3A_129 {
        %scan3A_137 = arith.constant 0 : i32
        %scan3A_138 = arith.constant 16 : i32
        %scan3A_139 = arith.addi %scan3A_137, %scan3A_138 : i32
        %scan3A_140 = arith.constant 1 : i32
        scf.for %scan3A_142 = %scan3A_137 to %scan3A_139 step %scan3A_140  : i32 {
          %mul3A_143 = arith.constant 128 : i32
          %mul3A_144 = arith.muli %scan3A_142, %mul3A_143 : i32
          %add3A_145 = arith.constant 0 : i32
          %add3A_146 = arith.addi %mul3A_144, %add3A_145 : i32
          %get3A = arith.index_cast %add3A_146 : i32 to index
          %get3A_147 = tpu.vector_load %arg10[%get3A] {strides = array<i32>} : memref<2048xf32, #tpu.memory_space<vmem>>, vector<16xf32>,
          %get3A_148 = arith.index_cast %add3A_146 : i32 to index
          %get3A_149 = tpu.vector_load %arg11[%get3A_148] {strides = array<i32>} : memref<2048xf32, #tpu.memory_space<vmem>>, vector<16xf32>,
          %get3A_150 = arith.index_cast %add3A_146 : i32 to index
          %get3A_151 = tpu.vector_load %arg12[%get3A_150] {strides = array<i32>} : memref<2048xf32, #tpu.memory_space<vmem>>, vector<16xf32>,
          %div3A = arith.constant 1.000000e-01 : f32
          %div3A_152 = vector.broadcast %div3A : f32 to vector<16xf32>
          %div3A_153 = arith.divf %get3A_151, %div3A_152 : vector<16xf32>
          %add3A_154 = arith.constant 2.000000e+02 : f32
          %add3A_155 = vector.broadcast %add3A_154 : f32 to vector<16xf32>
          %add3A_156 = arith.addf %div3A_153, %add3A_155 : vector<16xf32>
          %add3A_157 = arith.constant 0x4B400000 : f32
          %add3A_158 = vector.broadcast %add3A_157 : f32 to vector<16xf32>
          %add3A_159 = arith.addf %add3A_156, %add3A_158 : vector<16xf32>
          %sub3A = arith.constant 0x4B400000 : f32
          %sub3A_160 = vector.broadcast %sub3A : f32 to vector<16xf32>
          %sub3A_161 = arith.subf %add3A_159, %sub3A_160 : vector<16xf32>
          %div3A_162 = arith.constant 1.000000e-01 : f32
          %div3A_163 = vector.broadcast %div3A_162 : f32 to vector<16xf32>
          %div3A_164 = arith.divf %get3A_147, %div3A_163 : vector<16xf32>
          %add3A_165 = arith.constant 2.000000e+02 : f32
          %add3A_166 = vector.broadcast %add3A_165 : f32 to vector<16xf32>
          %add3A_167 = arith.addf %div3A_164, %add3A_166 : vector<16xf32>
          %add3A_168 = arith.constant 0x4B400000 : f32
          %add3A_169 = vector.broadcast %add3A_168 : f32 to vector<16xf32>
          %add3A_170 = arith.addf %add3A_167, %add3A_169 : vector<16xf32>
          %sub3A_171 = arith.constant 0x4B400000 : f32
          %sub3A_172 = vector.broadcast %sub3A_171 : f32 to vector<16xf32>
          %sub3A_173 = arith.subf %add3A_170, %sub3A_172 : vector<16xf32>
          %lt3A_174 = arith.constant 0.000000e+00 : f32
          %lt3A_175 = vector.broadcast %lt3A_174 : f32 to vector<16xf32>
          %lt3A_176 = arith.cmpf olt, %get3A_149, %lt3A_175 : vector<16xf32>
          %gt3A = arith.constant -1.000000e+00 : f32
          %gt3A_177 = vector.broadcast %gt3A : f32 to vector<16xf32>
          %gt3A_178 = arith.cmpf ogt, %get3A_149, %gt3A_177 : vector<16xf32>
          %and3A = arith.andi %lt3A_176, %gt3A_178 : vector<16xi1>
          %ge3A = arith.constant 1.200000e+02 : f32
          %ge3A_179 = vector.broadcast %ge3A : f32 to vector<16xf32>
          %ge3A_180 = arith.cmpf oge, %sub3A_161, %ge3A_179 : vector<16xf32>
          %lt3A_181 = arith.constant 2.800000e+02 : f32
          %lt3A_182 = vector.broadcast %lt3A_181 : f32 to vector<16xf32>
          %lt3A_183 = arith.cmpf olt, %sub3A_161, %lt3A_182 : vector<16xf32>
          %and3A_184 = arith.andi %ge3A_180, %lt3A_183 : vector<16xi1>
          %ge3A_185 = arith.constant 1.280000e+02 : f32
          %ge3A_186 = vector.broadcast %ge3A_185 : f32 to vector<16xf32>
          %ge3A_187 = arith.cmpf oge, %sub3A_173, %ge3A_186 : vector<16xf32>
          %and3A_188 = arith.andi %and3A_184, %ge3A_187 : vector<16xi1>
          %lt3A_189 = arith.constant 2.720000e+02 : f32
          %lt3A_190 = vector.broadcast %lt3A_189 : f32 to vector<16xf32>
          %lt3A_191 = arith.cmpf olt, %sub3A_173, %lt3A_190 : vector<16xf32>
          %and3A_192 = arith.andi %and3A_188, %lt3A_191 : vector<16xi1>
          %ge3A_193 = arith.constant 0.000000e+00 : f32
          %ge3A_194 = vector.broadcast %ge3A_193 : f32 to vector<16xf32>
          %ge3A_195 = arith.cmpf oge, %sub3A_161, %ge3A_194 : vector<16xf32>
          %le3A = arith.constant 3.990000e+02 : f32
          %le3A_196 = vector.broadcast %le3A : f32 to vector<16xf32>
          %le3A_197 = arith.cmpf ole, %sub3A_161, %le3A_196 : vector<16xf32>
          %and3A_198 = arith.andi %ge3A_195, %le3A_197 : vector<16xi1>
          %ge3A_199 = arith.constant 0.000000e+00 : f32
          %ge3A_200 = vector.broadcast %ge3A_199 : f32 to vector<16xf32>
          %ge3A_201 = arith.cmpf oge, %sub3A_173, %ge3A_200 : vector<16xf32>
          %and3A_202 = arith.andi %and3A_198, %ge3A_201 : vector<16xi1>
          %le3A_203 = arith.constant 3.990000e+02 : f32
          %le3A_204 = vector.broadcast %le3A_203 : f32 to vector<16xf32>
          %le3A_205 = arith.cmpf ole, %sub3A_173, %le3A_204 : vector<16xf32>
          %and3A_206 = arith.andi %and3A_202, %le3A_205 : vector<16xi1>
          %and3A_207 = arith.andi %and3A, %and3A_206 : vector<16xi1>
          %not3A = arith.constant dense<true> : vector<16xi1>
          %not3A_208 = arith.xori %and3A_192, %not3A : vector<16xi1>
          %and3A_209 = arith.andi %and3A_207, %not3A_208 : vector<16xi1>
          %mul3A_210 = arith.constant 4.000000e+02 : f32
          %mul3A_211 = vector.broadcast %mul3A_210 : f32 to vector<16xf32>
          %mul3A_212 = arith.mulf %sub3A_161, %mul3A_211 : vector<16xf32>
          %add3A_213 = arith.addf %mul3A_212, %sub3A_173 : vector<16xf32>
          %jit3A = arith.constant 1.600000e+05 : f32
          %broadcast_in_dim3A_214 = vector.broadcast %jit3A : f32 to vector<16xf32>
          %select_n3A = arith.select %and3A_209, %add3A_213, %broadcast_in_dim3A_214 : vector<16xi1>, vector<16xf32>
          %convert_element_type3A_215 = arith.fptosi %select_n3A : vector<16xf32> to vector<16xi32>
          %swap3A_216 = arith.constant 0 : i32
          %swap3A_217 = arith.index_cast %swap3A_216 : i32 to index
          %swap3A_218 = arith.constant 0 : index
          %swap3A_219 = tpu.vector_load %arg13[%swap3A_217, %swap3A_218] {strides = array<i32>} : memref<1x128xi32, #tpu.memory_space<vmem>>, vector<16xi32>,
          tpu.vector_store %arg13[%swap3A_217, %swap3A_218], %convert_element_type3A_215 {strides = array<i32>} : memref<1x128xi32, #tpu.memory_space<vmem>>, vector<16xi32>,
          %mul3A_220 = arith.constant 128 : i32
          %mul3A_221 = arith.muli %scan3A_142, %mul3A_220 : i32
          %add3A_222 = arith.constant 16 : i32
          %add3A_223 = arith.addi %mul3A_221, %add3A_222 : i32
          %get3A_224 = arith.index_cast %add3A_223 : i32 to index
          %get3A_225 = tpu.vector_load %arg10[%get3A_224] {strides = array<i32>} : memref<2048xf32, #tpu.memory_space<vmem>>, vector<16xf32>,
          %get3A_226 = arith.index_cast %add3A_223 : i32 to index
          %get3A_227 = tpu.vector_load %arg11[%get3A_226] {strides = array<i32>} : memref<2048xf32, #tpu.memory_space<vmem>>, vector<16xf32>,
          %get3A_228 = arith.index_cast %add3A_223 : i32 to index
          %get3A_229 = tpu.vector_load %arg12[%get3A_228] {strides = array<i32>} : memref<2048xf32, #tpu.memory_space<vmem>>, vector<16xf32>,
          %div3A_230 = arith.constant 1.000000e-01 : f32
          %div3A_231 = vector.broadcast %div3A_230 : f32 to vector<16xf32>
          %div3A_232 = arith.divf %get3A_229, %div3A_231 : vector<16xf32>
          %add3A_233 = arith.constant 2.000000e+02 : f32
          %add3A_234 = vector.broadcast %add3A_233 : f32 to vector<16xf32>
          %add3A_235 = arith.addf %div3A_232, %add3A_234 : vector<16xf32>
          %add3A_236 = arith.constant 0x4B400000 : f32
          %add3A_237 = vector.broadcast %add3A_236 : f32 to vector<16xf32>
          %add3A_238 = arith.addf %add3A_235, %add3A_237 : vector<16xf32>
          %sub3A_239 = arith.constant 0x4B400000 : f32
          %sub3A_240 = vector.broadcast %sub3A_239 : f32 to vector<16xf32>
          %sub3A_241 = arith.subf %add3A_238, %sub3A_240 : vector<16xf32>
          %div3A_242 = arith.constant 1.000000e-01 : f32
          %div3A_243 = vector.broadcast %div3A_242 : f32 to vector<16xf32>
          %div3A_244 = arith.divf %get3A_225, %div3A_243 : vector<16xf32>
          %add3A_245 = arith.constant 2.000000e+02 : f32
          %add3A_246 = vector.broadcast %add3A_245 : f32 to vector<16xf32>
          %add3A_247 = arith.addf %div3A_244, %add3A_246 : vector<16xf32>
          %add3A_248 = arith.constant 0x4B400000 : f32
          %add3A_249 = vector.broadcast %add3A_248 : f32 to vector<16xf32>
          %add3A_250 = arith.addf %add3A_247, %add3A_249 : vector<16xf32>
          %sub3A_251 = arith.constant 0x4B400000 : f32
          %sub3A_252 = vector.broadcast %sub3A_251 : f32 to vector<16xf32>
          %sub3A_253 = arith.subf %add3A_250, %sub3A_252 : vector<16xf32>
          %lt3A_254 = arith.constant 0.000000e+00 : f32
          %lt3A_255 = vector.broadcast %lt3A_254 : f32 to vector<16xf32>
          %lt3A_256 = arith.cmpf olt, %get3A_227, %lt3A_255 : vector<16xf32>
          %gt3A_257 = arith.constant -1.000000e+00 : f32
          %gt3A_258 = vector.broadcast %gt3A_257 : f32 to vector<16xf32>
          %gt3A_259 = arith.cmpf ogt, %get3A_227, %gt3A_258 : vector<16xf32>
          %and3A_260 = arith.andi %lt3A_256, %gt3A_259 : vector<16xi1>
          %ge3A_261 = arith.constant 1.200000e+02 : f32
          %ge3A_262 = vector.broadcast %ge3A_261 : f32 to vector<16xf32>
          %ge3A_263 = arith.cmpf oge, %sub3A_241, %ge3A_262 : vector<16xf32>
          %lt3A_264 = arith.constant 2.800000e+02 : f32
          %lt3A_265 = vector.broadcast %lt3A_264 : f32 to vector<16xf32>
          %lt3A_266 = arith.cmpf olt, %sub3A_241, %lt3A_265 : vector<16xf32>
          %and3A_267 = arith.andi %ge3A_263, %lt3A_266 : vector<16xi1>
          %ge3A_268 = arith.constant 1.280000e+02 : f32
          %ge3A_269 = vector.broadcast %ge3A_268 : f32 to vector<16xf32>
          %ge3A_270 = arith.cmpf oge, %sub3A_253, %ge3A_269 : vector<16xf32>
          %and3A_271 = arith.andi %and3A_267, %ge3A_270 : vector<16xi1>
          %lt3A_272 = arith.constant 2.720000e+02 : f32
          %lt3A_273 = vector.broadcast %lt3A_272 : f32 to vector<16xf32>
          %lt3A_274 = arith.cmpf olt, %sub3A_253, %lt3A_273 : vector<16xf32>
          %and3A_275 = arith.andi %and3A_271, %lt3A_274 : vector<16xi1>
          %ge3A_276 = arith.constant 0.000000e+00 : f32
          %ge3A_277 = vector.broadcast %ge3A_276 : f32 to vector<16xf32>
          %ge3A_278 = arith.cmpf oge, %sub3A_241, %ge3A_277 : vector<16xf32>
          %le3A_279 = arith.constant 3.990000e+02 : f32
          %le3A_280 = vector.broadcast %le3A_279 : f32 to vector<16xf32>
          %le3A_281 = arith.cmpf ole, %sub3A_241, %le3A_280 : vector<16xf32>
          %and3A_282 = arith.andi %ge3A_278, %le3A_281 : vector<16xi1>
          %ge3A_283 = arith.constant 0.000000e+00 : f32
          %ge3A_284 = vector.broadcast %ge3A_283 : f32 to vector<16xf32>
          %ge3A_285 = arith.cmpf oge, %sub3A_253, %ge3A_284 : vector<16xf32>
          %and3A_286 = arith.andi %and3A_282, %ge3A_285 : vector<16xi1>
          %le3A_287 = arith.constant 3.990000e+02 : f32
          %le3A_288 = vector.broadcast %le3A_287 : f32 to vector<16xf32>
          %le3A_289 = arith.cmpf ole, %sub3A_253, %le3A_288 : vector<16xf32>
          %and3A_290 = arith.andi %and3A_286, %le3A_289 : vector<16xi1>
          %and3A_291 = arith.andi %and3A_260, %and3A_290 : vector<16xi1>
          %not3A_292 = arith.constant dense<true> : vector<16xi1>
          %not3A_293 = arith.xori %and3A_275, %not3A_292 : vector<16xi1>
          %and3A_294 = arith.andi %and3A_291, %not3A_293 : vector<16xi1>
          %mul3A_295 = arith.constant 4.000000e+02 : f32
          %mul3A_296 = vector.broadcast %mul3A_295 : f32 to vector<16xf32>
          %mul3A_297 = arith.mulf %sub3A_241, %mul3A_296 : vector<16xf32>
          %add3A_298 = arith.addf %mul3A_297, %sub3A_253 : vector<16xf32>
          %jit3A_299 = arith.constant 1.600000e+05 : f32
          %broadcast_in_dim3A_300 = vector.broadcast %jit3A_299 : f32 to vector<16xf32>
          %select_n3A_301 = arith.select %and3A_294, %add3A_298, %broadcast_in_dim3A_300 : vector<16xi1>, vector<16xf32>
          %convert_element_type3A_302 = arith.fptosi %select_n3A_301 : vector<16xf32> to vector<16xi32>
          %swap3A_303 = arith.constant 0 : i32
          %swap3A_304 = arith.index_cast %swap3A_303 : i32 to index
          %swap3A_305 = arith.constant 16 : index
          %swap3A_306 = tpu.vector_load %arg13[%swap3A_304, %swap3A_305] {strides = array<i32>} : memref<1x128xi32, #tpu.memory_space<vmem>>, vector<16xi32>,
          tpu.vector_store %arg13[%swap3A_304, %swap3A_305], %convert_element_type3A_302 {strides = array<i32>} : memref<1x128xi32, #tpu.memory_space<vmem>>, vector<16xi32>,
          %mul3A_307 = arith.constant 128 : i32
          %mul3A_308 = arith.muli %scan3A_142, %mul3A_307 : i32
          %add3A_309 = arith.constant 32 : i32
          %add3A_310 = arith.addi %mul3A_308, %add3A_309 : i32
          %get3A_311 = arith.index_cast %add3A_310 : i32 to index
          %get3A_312 = tpu.vector_load %arg10[%get3A_311] {strides = array<i32>} : memref<2048xf32, #tpu.memory_space<vmem>>, vector<16xf32>,
          %get3A_313 = arith.index_cast %add3A_310 : i32 to index
          %get3A_314 = tpu.vector_load %arg11[%get3A_313] {strides = array<i32>} : memref<2048xf32, #tpu.memory_space<vmem>>, vector<16xf32>,
          %get3A_315 = arith.index_cast %add3A_310 : i32 to index
          %get3A_316 = tpu.vector_load %arg12[%get3A_315] {strides = array<i32>} : memref<2048xf32, #tpu.memory_space<vmem>>, vector<16xf32>,
          %div3A_317 = arith.constant 1.000000e-01 : f32
          %div3A_318 = vector.broadcast %div3A_317 : f32 to vector<16xf32>
          %div3A_319 = arith.divf %get3A_316, %div3A_318 : vector<16xf32>
          %add3A_320 = arith.constant 2.000000e+02 : f32
          %add3A_321 = vector.broadcast %add3A_320 : f32 to vector<16xf32>
          %add3A_322 = arith.addf %div3A_319, %add3A_321 : vector<16xf32>
          %add3A_323 = arith.constant 0x4B400000 : f32
          %add3A_324 = vector.broadcast %add3A_323 : f32 to vector<16xf32>
          %add3A_325 = arith.addf %add3A_322, %add3A_324 : vector<16xf32>
          %sub3A_326 = arith.constant 0x4B400000 : f32
          %sub3A_327 = vector.broadcast %sub3A_326 : f32 to vector<16xf32>
          %sub3A_328 = arith.subf %add3A_325, %sub3A_327 : vector<16xf32>
          %div3A_329 = arith.constant 1.000000e-01 : f32
          %div3A_330 = vector.broadcast %div3A_329 : f32 to vector<16xf32>
          %div3A_331 = arith.divf %get3A_312, %div3A_330 : vector<16xf32>
          %add3A_332 = arith.constant 2.000000e+02 : f32
          %add3A_333 = vector.broadcast %add3A_332 : f32 to vector<16xf32>
          %add3A_334 = arith.addf %div3A_331, %add3A_333 : vector<16xf32>
          %add3A_335 = arith.constant 0x4B400000 : f32
          %add3A_336 = vector.broadcast %add3A_335 : f32 to vector<16xf32>
          %add3A_337 = arith.addf %add3A_334, %add3A_336 : vector<16xf32>
          %sub3A_338 = arith.constant 0x4B400000 : f32
          %sub3A_339 = vector.broadcast %sub3A_338 : f32 to vector<16xf32>
          %sub3A_340 = arith.subf %add3A_337, %sub3A_339 : vector<16xf32>
          %lt3A_341 = arith.constant 0.000000e+00 : f32
          %lt3A_342 = vector.broadcast %lt3A_341 : f32 to vector<16xf32>
          %lt3A_343 = arith.cmpf olt, %get3A_314, %lt3A_342 : vector<16xf32>
          %gt3A_344 = arith.constant -1.000000e+00 : f32
          %gt3A_345 = vector.broadcast %gt3A_344 : f32 to vector<16xf32>
          %gt3A_346 = arith.cmpf ogt, %get3A_314, %gt3A_345 : vector<16xf32>
          %and3A_347 = arith.andi %lt3A_343, %gt3A_346 : vector<16xi1>
          %ge3A_348 = arith.constant 1.200000e+02 : f32
          %ge3A_349 = vector.broadcast %ge3A_348 : f32 to vector<16xf32>
          %ge3A_350 = arith.cmpf oge, %sub3A_328, %ge3A_349 : vector<16xf32>
          %lt3A_351 = arith.constant 2.800000e+02 : f32
          %lt3A_352 = vector.broadcast %lt3A_351 : f32 to vector<16xf32>
          %lt3A_353 = arith.cmpf olt, %sub3A_328, %lt3A_352 : vector<16xf32>
          %and3A_354 = arith.andi %ge3A_350, %lt3A_353 : vector<16xi1>
          %ge3A_355 = arith.constant 1.280000e+02 : f32
          %ge3A_356 = vector.broadcast %ge3A_355 : f32 to vector<16xf32>
          %ge3A_357 = arith.cmpf oge, %sub3A_340, %ge3A_356 : vector<16xf32>
          %and3A_358 = arith.andi %and3A_354, %ge3A_357 : vector<16xi1>
          %lt3A_359 = arith.constant 2.720000e+02 : f32
          %lt3A_360 = vector.broadcast %lt3A_359 : f32 to vector<16xf32>
          %lt3A_361 = arith.cmpf olt, %sub3A_340, %lt3A_360 : vector<16xf32>
          %and3A_362 = arith.andi %and3A_358, %lt3A_361 : vector<16xi1>
          %ge3A_363 = arith.constant 0.000000e+00 : f32
          %ge3A_364 = vector.broadcast %ge3A_363 : f32 to vector<16xf32>
          %ge3A_365 = arith.cmpf oge, %sub3A_328, %ge3A_364 : vector<16xf32>
          %le3A_366 = arith.constant 3.990000e+02 : f32
          %le3A_367 = vector.broadcast %le3A_366 : f32 to vector<16xf32>
          %le3A_368 = arith.cmpf ole, %sub3A_328, %le3A_367 : vector<16xf32>
          %and3A_369 = arith.andi %ge3A_365, %le3A_368 : vector<16xi1>
          %ge3A_370 = arith.constant 0.000000e+00 : f32
          %ge3A_371 = vector.broadcast %ge3A_370 : f32 to vector<16xf32>
          %ge3A_372 = arith.cmpf oge, %sub3A_340, %ge3A_371 : vector<16xf32>
          %and3A_373 = arith.andi %and3A_369, %ge3A_372 : vector<16xi1>
          %le3A_374 = arith.constant 3.990000e+02 : f32
          %le3A_375 = vector.broadcast %le3A_374 : f32 to vector<16xf32>
          %le3A_376 = arith.cmpf ole, %sub3A_340, %le3A_375 : vector<16xf32>
          %and3A_377 = arith.andi %and3A_373, %le3A_376 : vector<16xi1>
          %and3A_378 = arith.andi %and3A_347, %and3A_377 : vector<16xi1>
          %not3A_379 = arith.constant dense<true> : vector<16xi1>
          %not3A_380 = arith.xori %and3A_362, %not3A_379 : vector<16xi1>
          %and3A_381 = arith.andi %and3A_378, %not3A_380 : vector<16xi1>
          %mul3A_382 = arith.constant 4.000000e+02 : f32
          %mul3A_383 = vector.broadcast %mul3A_382 : f32 to vector<16xf32>
          %mul3A_384 = arith.mulf %sub3A_328, %mul3A_383 : vector<16xf32>
          %add3A_385 = arith.addf %mul3A_384, %sub3A_340 : vector<16xf32>
          %jit3A_386 = arith.constant 1.600000e+05 : f32
          %broadcast_in_dim3A_387 = vector.broadcast %jit3A_386 : f32 to vector<16xf32>
          %select_n3A_388 = arith.select %and3A_381, %add3A_385, %broadcast_in_dim3A_387 : vector<16xi1>, vector<16xf32>
          %convert_element_type3A_389 = arith.fptosi %select_n3A_388 : vector<16xf32> to vector<16xi32>
          %swap3A_390 = arith.constant 0 : i32
          %swap3A_391 = arith.index_cast %swap3A_390 : i32 to index
          %swap3A_392 = arith.constant 32 : index
          %swap3A_393 = tpu.vector_load %arg13[%swap3A_391, %swap3A_392] {strides = array<i32>} : memref<1x128xi32, #tpu.memory_space<vmem>>, vector<16xi32>,
          tpu.vector_store %arg13[%swap3A_391, %swap3A_392], %convert_element_type3A_389 {strides = array<i32>} : memref<1x128xi32, #tpu.memory_space<vmem>>, vector<16xi32>,
          %mul3A_394 = arith.constant 128 : i32
          %mul3A_395 = arith.muli %scan3A_142, %mul3A_394 : i32
          %add3A_396 = arith.constant 48 : i32
          %add3A_397 = arith.addi %mul3A_395, %add3A_396 : i32
          %get3A_398 = arith.index_cast %add3A_397 : i32 to index
          %get3A_399 = tpu.vector_load %arg10[%get3A_398] {strides = array<i32>} : memref<2048xf32, #tpu.memory_space<vmem>>, vector<16xf32>,
          %get3A_400 = arith.index_cast %add3A_397 : i32 to index
          %get3A_401 = tpu.vector_load %arg11[%get3A_400] {strides = array<i32>} : memref<2048xf32, #tpu.memory_space<vmem>>, vector<16xf32>,
          %get3A_402 = arith.index_cast %add3A_397 : i32 to index
          %get3A_403 = tpu.vector_load %arg12[%get3A_402] {strides = array<i32>} : memref<2048xf32, #tpu.memory_space<vmem>>, vector<16xf32>,
          %div3A_404 = arith.constant 1.000000e-01 : f32
          %div3A_405 = vector.broadcast %div3A_404 : f32 to vector<16xf32>
          %div3A_406 = arith.divf %get3A_403, %div3A_405 : vector<16xf32>
          %add3A_407 = arith.constant 2.000000e+02 : f32
          %add3A_408 = vector.broadcast %add3A_407 : f32 to vector<16xf32>
          %add3A_409 = arith.addf %div3A_406, %add3A_408 : vector<16xf32>
          %add3A_410 = arith.constant 0x4B400000 : f32
          %add3A_411 = vector.broadcast %add3A_410 : f32 to vector<16xf32>
          %add3A_412 = arith.addf %add3A_409, %add3A_411 : vector<16xf32>
          %sub3A_413 = arith.constant 0x4B400000 : f32
          %sub3A_414 = vector.broadcast %sub3A_413 : f32 to vector<16xf32>
          %sub3A_415 = arith.subf %add3A_412, %sub3A_414 : vector<16xf32>
          %div3A_416 = arith.constant 1.000000e-01 : f32
          %div3A_417 = vector.broadcast %div3A_416 : f32 to vector<16xf32>
          %div3A_418 = arith.divf %get3A_399, %div3A_417 : vector<16xf32>
          %add3A_419 = arith.constant 2.000000e+02 : f32
          %add3A_420 = vector.broadcast %add3A_419 : f32 to vector<16xf32>
          %add3A_421 = arith.addf %div3A_418, %add3A_420 : vector<16xf32>
          %add3A_422 = arith.constant 0x4B400000 : f32
          %add3A_423 = vector.broadcast %add3A_422 : f32 to vector<16xf32>
          %add3A_424 = arith.addf %add3A_421, %add3A_423 : vector<16xf32>
          %sub3A_425 = arith.constant 0x4B400000 : f32
          %sub3A_426 = vector.broadcast %sub3A_425 : f32 to vector<16xf32>
          %sub3A_427 = arith.subf %add3A_424, %sub3A_426 : vector<16xf32>
          %lt3A_428 = arith.constant 0.000000e+00 : f32
          %lt3A_429 = vector.broadcast %lt3A_428 : f32 to vector<16xf32>
          %lt3A_430 = arith.cmpf olt, %get3A_401, %lt3A_429 : vector<16xf32>
          %gt3A_431 = arith.constant -1.000000e+00 : f32
          %gt3A_432 = vector.broadcast %gt3A_431 : f32 to vector<16xf32>
          %gt3A_433 = arith.cmpf ogt, %get3A_401, %gt3A_432 : vector<16xf32>
          %and3A_434 = arith.andi %lt3A_430, %gt3A_433 : vector<16xi1>
          %ge3A_435 = arith.constant 1.200000e+02 : f32
          %ge3A_436 = vector.broadcast %ge3A_435 : f32 to vector<16xf32>
          %ge3A_437 = arith.cmpf oge, %sub3A_415, %ge3A_436 : vector<16xf32>
          %lt3A_438 = arith.constant 2.800000e+02 : f32
          %lt3A_439 = vector.broadcast %lt3A_438 : f32 to vector<16xf32>
          %lt3A_440 = arith.cmpf olt, %sub3A_415, %lt3A_439 : vector<16xf32>
          %and3A_441 = arith.andi %ge3A_437, %lt3A_440 : vector<16xi1>
          %ge3A_442 = arith.constant 1.280000e+02 : f32
          %ge3A_443 = vector.broadcast %ge3A_442 : f32 to vector<16xf32>
          %ge3A_444 = arith.cmpf oge, %sub3A_427, %ge3A_443 : vector<16xf32>
          %and3A_445 = arith.andi %and3A_441, %ge3A_444 : vector<16xi1>
          %lt3A_446 = arith.constant 2.720000e+02 : f32
          %lt3A_447 = vector.broadcast %lt3A_446 : f32 to vector<16xf32>
          %lt3A_448 = arith.cmpf olt, %sub3A_427, %lt3A_447 : vector<16xf32>
          %and3A_449 = arith.andi %and3A_445, %lt3A_448 : vector<16xi1>
          %ge3A_450 = arith.constant 0.000000e+00 : f32
          %ge3A_451 = vector.broadcast %ge3A_450 : f32 to vector<16xf32>
          %ge3A_452 = arith.cmpf oge, %sub3A_415, %ge3A_451 : vector<16xf32>
          %le3A_453 = arith.constant 3.990000e+02 : f32
          %le3A_454 = vector.broadcast %le3A_453 : f32 to vector<16xf32>
          %le3A_455 = arith.cmpf ole, %sub3A_415, %le3A_454 : vector<16xf32>
          %and3A_456 = arith.andi %ge3A_452, %le3A_455 : vector<16xi1>
          %ge3A_457 = arith.constant 0.000000e+00 : f32
          %ge3A_458 = vector.broadcast %ge3A_457 : f32 to vector<16xf32>
          %ge3A_459 = arith.cmpf oge, %sub3A_427, %ge3A_458 : vector<16xf32>
          %and3A_460 = arith.andi %and3A_456, %ge3A_459 : vector<16xi1>
          %le3A_461 = arith.constant 3.990000e+02 : f32
          %le3A_462 = vector.broadcast %le3A_461 : f32 to vector<16xf32>
          %le3A_463 = arith.cmpf ole, %sub3A_427, %le3A_462 : vector<16xf32>
          %and3A_464 = arith.andi %and3A_460, %le3A_463 : vector<16xi1>
          %and3A_465 = arith.andi %and3A_434, %and3A_464 : vector<16xi1>
          %not3A_466 = arith.constant dense<true> : vector<16xi1>
          %not3A_467 = arith.xori %and3A_449, %not3A_466 : vector<16xi1>
          %and3A_468 = arith.andi %and3A_465, %not3A_467 : vector<16xi1>
          %mul3A_469 = arith.constant 4.000000e+02 : f32
          %mul3A_470 = vector.broadcast %mul3A_469 : f32 to vector<16xf32>
          %mul3A_471 = arith.mulf %sub3A_415, %mul3A_470 : vector<16xf32>
          %add3A_472 = arith.addf %mul3A_471, %sub3A_427 : vector<16xf32>
          %jit3A_473 = arith.constant 1.600000e+05 : f32
          %broadcast_in_dim3A_474 = vector.broadcast %jit3A_473 : f32 to vector<16xf32>
          %select_n3A_475 = arith.select %and3A_468, %add3A_472, %broadcast_in_dim3A_474 : vector<16xi1>, vector<16xf32>
          %convert_element_type3A_476 = arith.fptosi %select_n3A_475 : vector<16xf32> to vector<16xi32>
          %swap3A_477 = arith.constant 0 : i32
          %swap3A_478 = arith.index_cast %swap3A_477 : i32 to index
          %swap3A_479 = arith.constant 48 : index
          %swap3A_480 = tpu.vector_load %arg13[%swap3A_478, %swap3A_479] {strides = array<i32>} : memref<1x128xi32, #tpu.memory_space<vmem>>, vector<16xi32>,
          tpu.vector_store %arg13[%swap3A_478, %swap3A_479], %convert_element_type3A_476 {strides = array<i32>} : memref<1x128xi32, #tpu.memory_space<vmem>>, vector<16xi32>,
          %mul3A_481 = arith.constant 128 : i32
          %mul3A_482 = arith.muli %scan3A_142, %mul3A_481 : i32
          %add3A_483 = arith.constant 64 : i32
          %add3A_484 = arith.addi %mul3A_482, %add3A_483 : i32
          %get3A_485 = arith.index_cast %add3A_484 : i32 to index
          %get3A_486 = tpu.vector_load %arg10[%get3A_485] {strides = array<i32>} : memref<2048xf32, #tpu.memory_space<vmem>>, vector<16xf32>,
          %get3A_487 = arith.index_cast %add3A_484 : i32 to index
          %get3A_488 = tpu.vector_load %arg11[%get3A_487] {strides = array<i32>} : memref<2048xf32, #tpu.memory_space<vmem>>, vector<16xf32>,
          %get3A_489 = arith.index_cast %add3A_484 : i32 to index
          %get3A_490 = tpu.vector_load %arg12[%get3A_489] {strides = array<i32>} : memref<2048xf32, #tpu.memory_space<vmem>>, vector<16xf32>,
          %div3A_491 = arith.constant 1.000000e-01 : f32
          %div3A_492 = vector.broadcast %div3A_491 : f32 to vector<16xf32>
          %div3A_493 = arith.divf %get3A_490, %div3A_492 : vector<16xf32>
          %add3A_494 = arith.constant 2.000000e+02 : f32
          %add3A_495 = vector.broadcast %add3A_494 : f32 to vector<16xf32>
          %add3A_496 = arith.addf %div3A_493, %add3A_495 : vector<16xf32>
          %add3A_497 = arith.constant 0x4B400000 : f32
          %add3A_498 = vector.broadcast %add3A_497 : f32 to vector<16xf32>
          %add3A_499 = arith.addf %add3A_496, %add3A_498 : vector<16xf32>
          %sub3A_500 = arith.constant 0x4B400000 : f32
          %sub3A_501 = vector.broadcast %sub3A_500 : f32 to vector<16xf32>
          %sub3A_502 = arith.subf %add3A_499, %sub3A_501 : vector<16xf32>
          %div3A_503 = arith.constant 1.000000e-01 : f32
          %div3A_504 = vector.broadcast %div3A_503 : f32 to vector<16xf32>
          %div3A_505 = arith.divf %get3A_486, %div3A_504 : vector<16xf32>
          %add3A_506 = arith.constant 2.000000e+02 : f32
          %add3A_507 = vector.broadcast %add3A_506 : f32 to vector<16xf32>
          %add3A_508 = arith.addf %div3A_505, %add3A_507 : vector<16xf32>
          %add3A_509 = arith.constant 0x4B400000 : f32
          %add3A_510 = vector.broadcast %add3A_509 : f32 to vector<16xf32>
          %add3A_511 = arith.addf %add3A_508, %add3A_510 : vector<16xf32>
          %sub3A_512 = arith.constant 0x4B400000 : f32
          %sub3A_513 = vector.broadcast %sub3A_512 : f32 to vector<16xf32>
          %sub3A_514 = arith.subf %add3A_511, %sub3A_513 : vector<16xf32>
          %lt3A_515 = arith.constant 0.000000e+00 : f32
          %lt3A_516 = vector.broadcast %lt3A_515 : f32 to vector<16xf32>
          %lt3A_517 = arith.cmpf olt, %get3A_488, %lt3A_516 : vector<16xf32>
          %gt3A_518 = arith.constant -1.000000e+00 : f32
          %gt3A_519 = vector.broadcast %gt3A_518 : f32 to vector<16xf32>
          %gt3A_520 = arith.cmpf ogt, %get3A_488, %gt3A_519 : vector<16xf32>
          %and3A_521 = arith.andi %lt3A_517, %gt3A_520 : vector<16xi1>
          %ge3A_522 = arith.constant 1.200000e+02 : f32
          %ge3A_523 = vector.broadcast %ge3A_522 : f32 to vector<16xf32>
          %ge3A_524 = arith.cmpf oge, %sub3A_502, %ge3A_523 : vector<16xf32>
          %lt3A_525 = arith.constant 2.800000e+02 : f32
          %lt3A_526 = vector.broadcast %lt3A_525 : f32 to vector<16xf32>
          %lt3A_527 = arith.cmpf olt, %sub3A_502, %lt3A_526 : vector<16xf32>
          %and3A_528 = arith.andi %ge3A_524, %lt3A_527 : vector<16xi1>
          %ge3A_529 = arith.constant 1.280000e+02 : f32
          %ge3A_530 = vector.broadcast %ge3A_529 : f32 to vector<16xf32>
          %ge3A_531 = arith.cmpf oge, %sub3A_514, %ge3A_530 : vector<16xf32>
          %and3A_532 = arith.andi %and3A_528, %ge3A_531 : vector<16xi1>
          %lt3A_533 = arith.constant 2.720000e+02 : f32
          %lt3A_534 = vector.broadcast %lt3A_533 : f32 to vector<16xf32>
          %lt3A_535 = arith.cmpf olt, %sub3A_514, %lt3A_534 : vector<16xf32>
          %and3A_536 = arith.andi %and3A_532, %lt3A_535 : vector<16xi1>
          %ge3A_537 = arith.constant 0.000000e+00 : f32
          %ge3A_538 = vector.broadcast %ge3A_537 : f32 to vector<16xf32>
          %ge3A_539 = arith.cmpf oge, %sub3A_502, %ge3A_538 : vector<16xf32>
          %le3A_540 = arith.constant 3.990000e+02 : f32
          %le3A_541 = vector.broadcast %le3A_540 : f32 to vector<16xf32>
          %le3A_542 = arith.cmpf ole, %sub3A_502, %le3A_541 : vector<16xf32>
          %and3A_543 = arith.andi %ge3A_539, %le3A_542 : vector<16xi1>
          %ge3A_544 = arith.constant 0.000000e+00 : f32
          %ge3A_545 = vector.broadcast %ge3A_544 : f32 to vector<16xf32>
          %ge3A_546 = arith.cmpf oge, %sub3A_514, %ge3A_545 : vector<16xf32>
          %and3A_547 = arith.andi %and3A_543, %ge3A_546 : vector<16xi1>
          %le3A_548 = arith.constant 3.990000e+02 : f32
          %le3A_549 = vector.broadcast %le3A_548 : f32 to vector<16xf32>
          %le3A_550 = arith.cmpf ole, %sub3A_514, %le3A_549 : vector<16xf32>
          %and3A_551 = arith.andi %and3A_547, %le3A_550 : vector<16xi1>
          %and3A_552 = arith.andi %and3A_521, %and3A_551 : vector<16xi1>
          %not3A_553 = arith.constant dense<true> : vector<16xi1>
          %not3A_554 = arith.xori %and3A_536, %not3A_553 : vector<16xi1>
          %and3A_555 = arith.andi %and3A_552, %not3A_554 : vector<16xi1>
          %mul3A_556 = arith.constant 4.000000e+02 : f32
          %mul3A_557 = vector.broadcast %mul3A_556 : f32 to vector<16xf32>
          %mul3A_558 = arith.mulf %sub3A_502, %mul3A_557 : vector<16xf32>
          %add3A_559 = arith.addf %mul3A_558, %sub3A_514 : vector<16xf32>
          %jit3A_560 = arith.constant 1.600000e+05 : f32
          %broadcast_in_dim3A_561 = vector.broadcast %jit3A_560 : f32 to vector<16xf32>
          %select_n3A_562 = arith.select %and3A_555, %add3A_559, %broadcast_in_dim3A_561 : vector<16xi1>, vector<16xf32>
          %convert_element_type3A_563 = arith.fptosi %select_n3A_562 : vector<16xf32> to vector<16xi32>
          %swap3A_564 = arith.constant 0 : i32
          %swap3A_565 = arith.index_cast %swap3A_564 : i32 to index
          %swap3A_566 = arith.constant 64 : index
          %swap3A_567 = tpu.vector_load %arg13[%swap3A_565, %swap3A_566] {strides = array<i32>} : memref<1x128xi32, #tpu.memory_space<vmem>>, vector<16xi32>,
          tpu.vector_store %arg13[%swap3A_565, %swap3A_566], %convert_element_type3A_563 {strides = array<i32>} : memref<1x128xi32, #tpu.memory_space<vmem>>, vector<16xi32>,
          %mul3A_568 = arith.constant 128 : i32
          %mul3A_569 = arith.muli %scan3A_142, %mul3A_568 : i32
          %add3A_570 = arith.constant 80 : i32
          %add3A_571 = arith.addi %mul3A_569, %add3A_570 : i32
          %get3A_572 = arith.index_cast %add3A_571 : i32 to index
          %get3A_573 = tpu.vector_load %arg10[%get3A_572] {strides = array<i32>} : memref<2048xf32, #tpu.memory_space<vmem>>, vector<16xf32>,
          %get3A_574 = arith.index_cast %add3A_571 : i32 to index
          %get3A_575 = tpu.vector_load %arg11[%get3A_574] {strides = array<i32>} : memref<2048xf32, #tpu.memory_space<vmem>>, vector<16xf32>,
          %get3A_576 = arith.index_cast %add3A_571 : i32 to index
          %get3A_577 = tpu.vector_load %arg12[%get3A_576] {strides = array<i32>} : memref<2048xf32, #tpu.memory_space<vmem>>, vector<16xf32>,
          %div3A_578 = arith.constant 1.000000e-01 : f32
          %div3A_579 = vector.broadcast %div3A_578 : f32 to vector<16xf32>
          %div3A_580 = arith.divf %get3A_577, %div3A_579 : vector<16xf32>
          %add3A_581 = arith.constant 2.000000e+02 : f32
          %add3A_582 = vector.broadcast %add3A_581 : f32 to vector<16xf32>
          %add3A_583 = arith.addf %div3A_580, %add3A_582 : vector<16xf32>
          %add3A_584 = arith.constant 0x4B400000 : f32
          %add3A_585 = vector.broadcast %add3A_584 : f32 to vector<16xf32>
          %add3A_586 = arith.addf %add3A_583, %add3A_585 : vector<16xf32>
          %sub3A_587 = arith.constant 0x4B400000 : f32
          %sub3A_588 = vector.broadcast %sub3A_587 : f32 to vector<16xf32>
          %sub3A_589 = arith.subf %add3A_586, %sub3A_588 : vector<16xf32>
          %div3A_590 = arith.constant 1.000000e-01 : f32
          %div3A_591 = vector.broadcast %div3A_590 : f32 to vector<16xf32>
          %div3A_592 = arith.divf %get3A_573, %div3A_591 : vector<16xf32>
          %add3A_593 = arith.constant 2.000000e+02 : f32
          %add3A_594 = vector.broadcast %add3A_593 : f32 to vector<16xf32>
          %add3A_595 = arith.addf %div3A_592, %add3A_594 : vector<16xf32>
          %add3A_596 = arith.constant 0x4B400000 : f32
          %add3A_597 = vector.broadcast %add3A_596 : f32 to vector<16xf32>
          %add3A_598 = arith.addf %add3A_595, %add3A_597 : vector<16xf32>
          %sub3A_599 = arith.constant 0x4B400000 : f32
          %sub3A_600 = vector.broadcast %sub3A_599 : f32 to vector<16xf32>
          %sub3A_601 = arith.subf %add3A_598, %sub3A_600 : vector<16xf32>
          %lt3A_602 = arith.constant 0.000000e+00 : f32
          %lt3A_603 = vector.broadcast %lt3A_602 : f32 to vector<16xf32>
          %lt3A_604 = arith.cmpf olt, %get3A_575, %lt3A_603 : vector<16xf32>
          %gt3A_605 = arith.constant -1.000000e+00 : f32
          %gt3A_606 = vector.broadcast %gt3A_605 : f32 to vector<16xf32>
          %gt3A_607 = arith.cmpf ogt, %get3A_575, %gt3A_606 : vector<16xf32>
          %and3A_608 = arith.andi %lt3A_604, %gt3A_607 : vector<16xi1>
          %ge3A_609 = arith.constant 1.200000e+02 : f32
          %ge3A_610 = vector.broadcast %ge3A_609 : f32 to vector<16xf32>
          %ge3A_611 = arith.cmpf oge, %sub3A_589, %ge3A_610 : vector<16xf32>
          %lt3A_612 = arith.constant 2.800000e+02 : f32
          %lt3A_613 = vector.broadcast %lt3A_612 : f32 to vector<16xf32>
          %lt3A_614 = arith.cmpf olt, %sub3A_589, %lt3A_613 : vector<16xf32>
          %and3A_615 = arith.andi %ge3A_611, %lt3A_614 : vector<16xi1>
          %ge3A_616 = arith.constant 1.280000e+02 : f32
          %ge3A_617 = vector.broadcast %ge3A_616 : f32 to vector<16xf32>
          %ge3A_618 = arith.cmpf oge, %sub3A_601, %ge3A_617 : vector<16xf32>
          %and3A_619 = arith.andi %and3A_615, %ge3A_618 : vector<16xi1>
          %lt3A_620 = arith.constant 2.720000e+02 : f32
          %lt3A_621 = vector.broadcast %lt3A_620 : f32 to vector<16xf32>
          %lt3A_622 = arith.cmpf olt, %sub3A_601, %lt3A_621 : vector<16xf32>
          %and3A_623 = arith.andi %and3A_619, %lt3A_622 : vector<16xi1>
          %ge3A_624 = arith.constant 0.000000e+00 : f32
          %ge3A_625 = vector.broadcast %ge3A_624 : f32 to vector<16xf32>
          %ge3A_626 = arith.cmpf oge, %sub3A_589, %ge3A_625 : vector<16xf32>
          %le3A_627 = arith.constant 3.990000e+02 : f32
          %le3A_628 = vector.broadcast %le3A_627 : f32 to vector<16xf32>
          %le3A_629 = arith.cmpf ole, %sub3A_589, %le3A_628 : vector<16xf32>
          %and3A_630 = arith.andi %ge3A_626, %le3A_629 : vector<16xi1>
          %ge3A_631 = arith.constant 0.000000e+00 : f32
          %ge3A_632 = vector.broadcast %ge3A_631 : f32 to vector<16xf32>
          %ge3A_633 = arith.cmpf oge, %sub3A_601, %ge3A_632 : vector<16xf32>
          %and3A_634 = arith.andi %and3A_630, %ge3A_633 : vector<16xi1>
          %le3A_635 = arith.constant 3.990000e+02 : f32
          %le3A_636 = vector.broadcast %le3A_635 : f32 to vector<16xf32>
          %le3A_637 = arith.cmpf ole, %sub3A_601, %le3A_636 : vector<16xf32>
          %and3A_638 = arith.andi %and3A_634, %le3A_637 : vector<16xi1>
          %and3A_639 = arith.andi %and3A_608, %and3A_638 : vector<16xi1>
          %not3A_640 = arith.constant dense<true> : vector<16xi1>
          %not3A_641 = arith.xori %and3A_623, %not3A_640 : vector<16xi1>
          %and3A_642 = arith.andi %and3A_639, %not3A_641 : vector<16xi1>
          %mul3A_643 = arith.constant 4.000000e+02 : f32
          %mul3A_644 = vector.broadcast %mul3A_643 : f32 to vector<16xf32>
          %mul3A_645 = arith.mulf %sub3A_589, %mul3A_644 : vector<16xf32>
          %add3A_646 = arith.addf %mul3A_645, %sub3A_601 : vector<16xf32>
          %jit3A_647 = arith.constant 1.600000e+05 : f32
          %broadcast_in_dim3A_648 = vector.broadcast %jit3A_647 : f32 to vector<16xf32>
          %select_n3A_649 = arith.select %and3A_642, %add3A_646, %broadcast_in_dim3A_648 : vector<16xi1>, vector<16xf32>
          %convert_element_type3A_650 = arith.fptosi %select_n3A_649 : vector<16xf32> to vector<16xi32>
          %swap3A_651 = arith.constant 0 : i32
          %swap3A_652 = arith.index_cast %swap3A_651 : i32 to index
          %swap3A_653 = arith.constant 80 : index
          %swap3A_654 = tpu.vector_load %arg13[%swap3A_652, %swap3A_653] {strides = array<i32>} : memref<1x128xi32, #tpu.memory_space<vmem>>, vector<16xi32>,
          tpu.vector_store %arg13[%swap3A_652, %swap3A_653], %convert_element_type3A_650 {strides = array<i32>} : memref<1x128xi32, #tpu.memory_space<vmem>>, vector<16xi32>,
          %mul3A_655 = arith.constant 128 : i32
          %mul3A_656 = arith.muli %scan3A_142, %mul3A_655 : i32
          %add3A_657 = arith.constant 96 : i32
          %add3A_658 = arith.addi %mul3A_656, %add3A_657 : i32
          %get3A_659 = arith.index_cast %add3A_658 : i32 to index
          %get3A_660 = tpu.vector_load %arg10[%get3A_659] {strides = array<i32>} : memref<2048xf32, #tpu.memory_space<vmem>>, vector<16xf32>,
          %get3A_661 = arith.index_cast %add3A_658 : i32 to index
          %get3A_662 = tpu.vector_load %arg11[%get3A_661] {strides = array<i32>} : memref<2048xf32, #tpu.memory_space<vmem>>, vector<16xf32>,
          %get3A_663 = arith.index_cast %add3A_658 : i32 to index
          %get3A_664 = tpu.vector_load %arg12[%get3A_663] {strides = array<i32>} : memref<2048xf32, #tpu.memory_space<vmem>>, vector<16xf32>,
          %div3A_665 = arith.constant 1.000000e-01 : f32
          %div3A_666 = vector.broadcast %div3A_665 : f32 to vector<16xf32>
          %div3A_667 = arith.divf %get3A_664, %div3A_666 : vector<16xf32>
          %add3A_668 = arith.constant 2.000000e+02 : f32
          %add3A_669 = vector.broadcast %add3A_668 : f32 to vector<16xf32>
          %add3A_670 = arith.addf %div3A_667, %add3A_669 : vector<16xf32>
          %add3A_671 = arith.constant 0x4B400000 : f32
          %add3A_672 = vector.broadcast %add3A_671 : f32 to vector<16xf32>
          %add3A_673 = arith.addf %add3A_670, %add3A_672 : vector<16xf32>
          %sub3A_674 = arith.constant 0x4B400000 : f32
          %sub3A_675 = vector.broadcast %sub3A_674 : f32 to vector<16xf32>
          %sub3A_676 = arith.subf %add3A_673, %sub3A_675 : vector<16xf32>
          %div3A_677 = arith.constant 1.000000e-01 : f32
          %div3A_678 = vector.broadcast %div3A_677 : f32 to vector<16xf32>
          %div3A_679 = arith.divf %get3A_660, %div3A_678 : vector<16xf32>
          %add3A_680 = arith.constant 2.000000e+02 : f32
          %add3A_681 = vector.broadcast %add3A_680 : f32 to vector<16xf32>
          %add3A_682 = arith.addf %div3A_679, %add3A_681 : vector<16xf32>
          %add3A_683 = arith.constant 0x4B400000 : f32
          %add3A_684 = vector.broadcast %add3A_683 : f32 to vector<16xf32>
          %add3A_685 = arith.addf %add3A_682, %add3A_684 : vector<16xf32>
          %sub3A_686 = arith.constant 0x4B400000 : f32
          %sub3A_687 = vector.broadcast %sub3A_686 : f32 to vector<16xf32>
          %sub3A_688 = arith.subf %add3A_685, %sub3A_687 : vector<16xf32>
          %lt3A_689 = arith.constant 0.000000e+00 : f32
          %lt3A_690 = vector.broadcast %lt3A_689 : f32 to vector<16xf32>
          %lt3A_691 = arith.cmpf olt, %get3A_662, %lt3A_690 : vector<16xf32>
          %gt3A_692 = arith.constant -1.000000e+00 : f32
          %gt3A_693 = vector.broadcast %gt3A_692 : f32 to vector<16xf32>
          %gt3A_694 = arith.cmpf ogt, %get3A_662, %gt3A_693 : vector<16xf32>
          %and3A_695 = arith.andi %lt3A_691, %gt3A_694 : vector<16xi1>
          %ge3A_696 = arith.constant 1.200000e+02 : f32
          %ge3A_697 = vector.broadcast %ge3A_696 : f32 to vector<16xf32>
          %ge3A_698 = arith.cmpf oge, %sub3A_676, %ge3A_697 : vector<16xf32>
          %lt3A_699 = arith.constant 2.800000e+02 : f32
          %lt3A_700 = vector.broadcast %lt3A_699 : f32 to vector<16xf32>
          %lt3A_701 = arith.cmpf olt, %sub3A_676, %lt3A_700 : vector<16xf32>
          %and3A_702 = arith.andi %ge3A_698, %lt3A_701 : vector<16xi1>
          %ge3A_703 = arith.constant 1.280000e+02 : f32
          %ge3A_704 = vector.broadcast %ge3A_703 : f32 to vector<16xf32>
          %ge3A_705 = arith.cmpf oge, %sub3A_688, %ge3A_704 : vector<16xf32>
          %and3A_706 = arith.andi %and3A_702, %ge3A_705 : vector<16xi1>
          %lt3A_707 = arith.constant 2.720000e+02 : f32
          %lt3A_708 = vector.broadcast %lt3A_707 : f32 to vector<16xf32>
          %lt3A_709 = arith.cmpf olt, %sub3A_688, %lt3A_708 : vector<16xf32>
          %and3A_710 = arith.andi %and3A_706, %lt3A_709 : vector<16xi1>
          %ge3A_711 = arith.constant 0.000000e+00 : f32
          %ge3A_712 = vector.broadcast %ge3A_711 : f32 to vector<16xf32>
          %ge3A_713 = arith.cmpf oge, %sub3A_676, %ge3A_712 : vector<16xf32>
          %le3A_714 = arith.constant 3.990000e+02 : f32
          %le3A_715 = vector.broadcast %le3A_714 : f32 to vector<16xf32>
          %le3A_716 = arith.cmpf ole, %sub3A_676, %le3A_715 : vector<16xf32>
          %and3A_717 = arith.andi %ge3A_713, %le3A_716 : vector<16xi1>
          %ge3A_718 = arith.constant 0.000000e+00 : f32
          %ge3A_719 = vector.broadcast %ge3A_718 : f32 to vector<16xf32>
          %ge3A_720 = arith.cmpf oge, %sub3A_688, %ge3A_719 : vector<16xf32>
          %and3A_721 = arith.andi %and3A_717, %ge3A_720 : vector<16xi1>
          %le3A_722 = arith.constant 3.990000e+02 : f32
          %le3A_723 = vector.broadcast %le3A_722 : f32 to vector<16xf32>
          %le3A_724 = arith.cmpf ole, %sub3A_688, %le3A_723 : vector<16xf32>
          %and3A_725 = arith.andi %and3A_721, %le3A_724 : vector<16xi1>
          %and3A_726 = arith.andi %and3A_695, %and3A_725 : vector<16xi1>
          %not3A_727 = arith.constant dense<true> : vector<16xi1>
          %not3A_728 = arith.xori %and3A_710, %not3A_727 : vector<16xi1>
          %and3A_729 = arith.andi %and3A_726, %not3A_728 : vector<16xi1>
          %mul3A_730 = arith.constant 4.000000e+02 : f32
          %mul3A_731 = vector.broadcast %mul3A_730 : f32 to vector<16xf32>
          %mul3A_732 = arith.mulf %sub3A_676, %mul3A_731 : vector<16xf32>
          %add3A_733 = arith.addf %mul3A_732, %sub3A_688 : vector<16xf32>
          %jit3A_734 = arith.constant 1.600000e+05 : f32
          %broadcast_in_dim3A_735 = vector.broadcast %jit3A_734 : f32 to vector<16xf32>
          %select_n3A_736 = arith.select %and3A_729, %add3A_733, %broadcast_in_dim3A_735 : vector<16xi1>, vector<16xf32>
          %convert_element_type3A_737 = arith.fptosi %select_n3A_736 : vector<16xf32> to vector<16xi32>
          %swap3A_738 = arith.constant 0 : i32
          %swap3A_739 = arith.index_cast %swap3A_738 : i32 to index
          %swap3A_740 = arith.constant 96 : index
          %swap3A_741 = tpu.vector_load %arg13[%swap3A_739, %swap3A_740] {strides = array<i32>} : memref<1x128xi32, #tpu.memory_space<vmem>>, vector<16xi32>,
          tpu.vector_store %arg13[%swap3A_739, %swap3A_740], %convert_element_type3A_737 {strides = array<i32>} : memref<1x128xi32, #tpu.memory_space<vmem>>, vector<16xi32>,
          %mul3A_742 = arith.constant 128 : i32
          %mul3A_743 = arith.muli %scan3A_142, %mul3A_742 : i32
          %add3A_744 = arith.constant 112 : i32
          %add3A_745 = arith.addi %mul3A_743, %add3A_744 : i32
          %get3A_746 = arith.index_cast %add3A_745 : i32 to index
          %get3A_747 = tpu.vector_load %arg10[%get3A_746] {strides = array<i32>} : memref<2048xf32, #tpu.memory_space<vmem>>, vector<16xf32>,
          %get3A_748 = arith.index_cast %add3A_745 : i32 to index
          %get3A_749 = tpu.vector_load %arg11[%get3A_748] {strides = array<i32>} : memref<2048xf32, #tpu.memory_space<vmem>>, vector<16xf32>,
          %get3A_750 = arith.index_cast %add3A_745 : i32 to index
          %get3A_751 = tpu.vector_load %arg12[%get3A_750] {strides = array<i32>} : memref<2048xf32, #tpu.memory_space<vmem>>, vector<16xf32>,
          %div3A_752 = arith.constant 1.000000e-01 : f32
          %div3A_753 = vector.broadcast %div3A_752 : f32 to vector<16xf32>
          %div3A_754 = arith.divf %get3A_751, %div3A_753 : vector<16xf32>
          %add3A_755 = arith.constant 2.000000e+02 : f32
          %add3A_756 = vector.broadcast %add3A_755 : f32 to vector<16xf32>
          %add3A_757 = arith.addf %div3A_754, %add3A_756 : vector<16xf32>
          %add3A_758 = arith.constant 0x4B400000 : f32
          %add3A_759 = vector.broadcast %add3A_758 : f32 to vector<16xf32>
          %add3A_760 = arith.addf %add3A_757, %add3A_759 : vector<16xf32>
          %sub3A_761 = arith.constant 0x4B400000 : f32
          %sub3A_762 = vector.broadcast %sub3A_761 : f32 to vector<16xf32>
          %sub3A_763 = arith.subf %add3A_760, %sub3A_762 : vector<16xf32>
          %div3A_764 = arith.constant 1.000000e-01 : f32
          %div3A_765 = vector.broadcast %div3A_764 : f32 to vector<16xf32>
          %div3A_766 = arith.divf %get3A_747, %div3A_765 : vector<16xf32>
          %add3A_767 = arith.constant 2.000000e+02 : f32
          %add3A_768 = vector.broadcast %add3A_767 : f32 to vector<16xf32>
          %add3A_769 = arith.addf %div3A_766, %add3A_768 : vector<16xf32>
          %add3A_770 = arith.constant 0x4B400000 : f32
          %add3A_771 = vector.broadcast %add3A_770 : f32 to vector<16xf32>
          %add3A_772 = arith.addf %add3A_769, %add3A_771 : vector<16xf32>
          %sub3A_773 = arith.constant 0x4B400000 : f32
          %sub3A_774 = vector.broadcast %sub3A_773 : f32 to vector<16xf32>
          %sub3A_775 = arith.subf %add3A_772, %sub3A_774 : vector<16xf32>
          %lt3A_776 = arith.constant 0.000000e+00 : f32
          %lt3A_777 = vector.broadcast %lt3A_776 : f32 to vector<16xf32>
          %lt3A_778 = arith.cmpf olt, %get3A_749, %lt3A_777 : vector<16xf32>
          %gt3A_779 = arith.constant -1.000000e+00 : f32
          %gt3A_780 = vector.broadcast %gt3A_779 : f32 to vector<16xf32>
          %gt3A_781 = arith.cmpf ogt, %get3A_749, %gt3A_780 : vector<16xf32>
          %and3A_782 = arith.andi %lt3A_778, %gt3A_781 : vector<16xi1>
          %ge3A_783 = arith.constant 1.200000e+02 : f32
          %ge3A_784 = vector.broadcast %ge3A_783 : f32 to vector<16xf32>
          %ge3A_785 = arith.cmpf oge, %sub3A_763, %ge3A_784 : vector<16xf32>
          %lt3A_786 = arith.constant 2.800000e+02 : f32
          %lt3A_787 = vector.broadcast %lt3A_786 : f32 to vector<16xf32>
          %lt3A_788 = arith.cmpf olt, %sub3A_763, %lt3A_787 : vector<16xf32>
          %and3A_789 = arith.andi %ge3A_785, %lt3A_788 : vector<16xi1>
          %ge3A_790 = arith.constant 1.280000e+02 : f32
          %ge3A_791 = vector.broadcast %ge3A_790 : f32 to vector<16xf32>
          %ge3A_792 = arith.cmpf oge, %sub3A_775, %ge3A_791 : vector<16xf32>
          %and3A_793 = arith.andi %and3A_789, %ge3A_792 : vector<16xi1>
          %lt3A_794 = arith.constant 2.720000e+02 : f32
          %lt3A_795 = vector.broadcast %lt3A_794 : f32 to vector<16xf32>
          %lt3A_796 = arith.cmpf olt, %sub3A_775, %lt3A_795 : vector<16xf32>
          %and3A_797 = arith.andi %and3A_793, %lt3A_796 : vector<16xi1>
          %ge3A_798 = arith.constant 0.000000e+00 : f32
          %ge3A_799 = vector.broadcast %ge3A_798 : f32 to vector<16xf32>
          %ge3A_800 = arith.cmpf oge, %sub3A_763, %ge3A_799 : vector<16xf32>
          %le3A_801 = arith.constant 3.990000e+02 : f32
          %le3A_802 = vector.broadcast %le3A_801 : f32 to vector<16xf32>
          %le3A_803 = arith.cmpf ole, %sub3A_763, %le3A_802 : vector<16xf32>
          %and3A_804 = arith.andi %ge3A_800, %le3A_803 : vector<16xi1>
          %ge3A_805 = arith.constant 0.000000e+00 : f32
          %ge3A_806 = vector.broadcast %ge3A_805 : f32 to vector<16xf32>
          %ge3A_807 = arith.cmpf oge, %sub3A_775, %ge3A_806 : vector<16xf32>
          %and3A_808 = arith.andi %and3A_804, %ge3A_807 : vector<16xi1>
          %le3A_809 = arith.constant 3.990000e+02 : f32
          %le3A_810 = vector.broadcast %le3A_809 : f32 to vector<16xf32>
          %le3A_811 = arith.cmpf ole, %sub3A_775, %le3A_810 : vector<16xf32>
          %and3A_812 = arith.andi %and3A_808, %le3A_811 : vector<16xi1>
          %and3A_813 = arith.andi %and3A_782, %and3A_812 : vector<16xi1>
          %not3A_814 = arith.constant dense<true> : vector<16xi1>
          %not3A_815 = arith.xori %and3A_797, %not3A_814 : vector<16xi1>
          %and3A_816 = arith.andi %and3A_813, %not3A_815 : vector<16xi1>
          %mul3A_817 = arith.constant 4.000000e+02 : f32
          %mul3A_818 = vector.broadcast %mul3A_817 : f32 to vector<16xf32>
          %mul3A_819 = arith.mulf %sub3A_763, %mul3A_818 : vector<16xf32>
          %add3A_820 = arith.addf %mul3A_819, %sub3A_775 : vector<16xf32>
          %jit3A_821 = arith.constant 1.600000e+05 : f32
          %broadcast_in_dim3A_822 = vector.broadcast %jit3A_821 : f32 to vector<16xf32>
          %select_n3A_823 = arith.select %and3A_816, %add3A_820, %broadcast_in_dim3A_822 : vector<16xi1>, vector<16xf32>
          %convert_element_type3A_824 = arith.fptosi %select_n3A_823 : vector<16xf32> to vector<16xi32>
          %swap3A_825 = arith.constant 0 : i32
          %swap3A_826 = arith.index_cast %swap3A_825 : i32 to index
          %swap3A_827 = arith.constant 112 : index
          %swap3A_828 = tpu.vector_load %arg13[%swap3A_826, %swap3A_827] {strides = array<i32>} : memref<1x128xi32, #tpu.memory_space<vmem>>, vector<16xi32>,
          tpu.vector_store %arg13[%swap3A_826, %swap3A_827], %convert_element_type3A_824 {strides = array<i32>} : memref<1x128xi32, #tpu.memory_space<vmem>>, vector<16xi32>,
          %run_scoped3A = arith.constant 0 : i32
          "tpu.region"() ({
            %run_scoped3A_829 = tpu.sem_alloc : memref<!tpu.dma_semaphore, #tpu.memory_space<semaphore_mem>>
            %dma_start3A_830 = arith.constant 0 : i32
            %dma_start3A_831 = tpu.memref_slice %arg13[%run_scoped3A, %dma_start3A_830] : memref<1x128xi32, #tpu.memory_space<vmem>> -> memref<1x128xi32, #tpu.memory_space<vmem>>
            %dma_start3A_832 = tpu.memref_squeeze %dma_start3A_831 : memref<1x128xi32, #tpu.memory_space<vmem>> -> memref<128xi32, #tpu.memory_space<vmem>>
            %dma_start3A_833 = arith.constant 0 : i32
            %dma_start3A_834 = tpu.memref_slice %arg17[%dma_start3A_833] : memref<160256xf32, #tpu.memory_space<vmem_shared>> -> memref<160256xf32, #tpu.memory_space<vmem_shared>>
            tpu.enqueue_indirect_dma source(%arg14 : memref<128xf32, #tpu.memory_space<vmem>>) target(%dma_start3A_834 : memref<160256xf32, #tpu.memory_space<vmem_shared>>) offsets(%dma_start3A_832 : memref<128xi32, #tpu.memory_space<vmem>>) semaphore(%run_scoped3A_829 : memref<!tpu.dma_semaphore, #tpu.memory_space<semaphore_mem>>) {add = true}
            %dma_wait3A_835 = arith.constant 0 : i32
            %dma_wait3A_836 = tpu.memref_slice %arg13[%run_scoped3A, %dma_wait3A_835] : memref<1x128xi32, #tpu.memory_space<vmem>> -> memref<1x128xi32, #tpu.memory_space<vmem>>
            %dma_wait3A_837 = tpu.memref_squeeze %dma_wait3A_836 : memref<1x128xi32, #tpu.memory_space<vmem>> -> memref<128xi32, #tpu.memory_space<vmem>>
            %dma_wait3A_838 = arith.constant 0 : i32
            %dma_wait3A_839 = tpu.memref_slice %arg17[%dma_wait3A_838] : memref<160256xf32, #tpu.memory_space<vmem_shared>> -> memref<160256xf32, #tpu.memory_space<vmem_shared>>
            tpu.wait_indirect_dma semaphore(%run_scoped3A_829 : memref<!tpu.dma_semaphore, #tpu.memory_space<semaphore_mem>>) src(%arg14 : memref<128xf32, #tpu.memory_space<vmem>>) dst(%dma_wait3A_839 : memref<160256xf32, #tpu.memory_space<vmem_shared>>)
            tpu.yield
          }) : () -> ()
        }
        %scan3A_141 = arith.constant 16 : i32
      } else {
      }
      %add3A_130 = arith.constant 3 : i32
      %add3A_131 = arith.addi %mul3A_59, %add3A_130 : i32
      %lt3A_132 = arith.constant 16 : i32
      %lt3A_133 = arith.cmpi slt, %add3A_131, %lt3A_132 : i32
      %convert_element_type3A_134 = arith.extui %lt3A_133 : i1 to i32
      %cond3A_135 = arith.constant 0 : i32
      %cond3A_136 = arith.cmpi ne, %convert_element_type3A_134, %cond3A_135 : i32
      scf.if %cond3A_136 {
        %add3A_137 = arith.constant 3 : i32
        %add3A_138 = arith.addi %mul3A_59, %add3A_137 : i32
        %mul3A_139 = arith.constant 2048 : i32
        %mul3A_140 = arith.muli %add3A_138, %mul3A_139 : i32
        %add3A_141 = arith.addi %mul3A_2, %mul3A_140 : i32
        %dma_start3A_142 = tpu.memref_slice %arg2[%add3A_141] : memref<1048576xf32, #tpu.memory_space<hbm>> -> memref<2048xf32, #tpu.memory_space<hbm>>
        %dma_start3A_143 = tpu.memref_slice %arg2[%add3A_141] : memref<1048576xf32, #tpu.memory_space<hbm>> -> memref<2048xf32, #tpu.memory_space<hbm>>
        tpu.enqueue_dma source(%dma_start3A_143 : memref<2048xf32, #tpu.memory_space<hbm>>) target(%arg10 : memref<2048xf32, #tpu.memory_space<vmem>>) target_semaphore(%arg19 : memref<!tpu.dma_semaphore, #tpu.memory_space<semaphore_mem>>)
        %dma_start3A_144 = tpu.memref_slice %arg3[%add3A_141] : memref<1048576xf32, #tpu.memory_space<hbm>> -> memref<2048xf32, #tpu.memory_space<hbm>>
        %dma_start3A_145 = tpu.memref_slice %arg3[%add3A_141] : memref<1048576xf32, #tpu.memory_space<hbm>> -> memref<2048xf32, #tpu.memory_space<hbm>>
        tpu.enqueue_dma source(%dma_start3A_145 : memref<2048xf32, #tpu.memory_space<hbm>>) target(%arg11 : memref<2048xf32, #tpu.memory_space<vmem>>) target_semaphore(%arg19 : memref<!tpu.dma_semaphore, #tpu.memory_space<semaphore_mem>>)
        %dma_start3A_146 = tpu.memref_slice %arg4[%add3A_141] : memref<1048576xf32, #tpu.memory_space<hbm>> -> memref<2048xf32, #tpu.memory_space<hbm>>
        %dma_start3A_147 = tpu.memref_slice %arg4[%add3A_141] : memref<1048576xf32, #tpu.memory_space<hbm>> -> memref<2048xf32, #tpu.memory_space<hbm>>
        tpu.enqueue_dma source(%dma_start3A_147 : memref<2048xf32, #tpu.memory_space<hbm>>) target(%arg12 : memref<2048xf32, #tpu.memory_space<vmem>>) target_semaphore(%arg19 : memref<!tpu.dma_semaphore, #tpu.memory_space<semaphore_mem>>)
      } else {
      }
    }
    %scan3A_46 = arith.constant 8 : i32
    %barrier3A_47 = arith.constant 0 : index
    tpu.barrier barrier_id(%barrier3A_47)
    %mul3A_48 = arith.constant 23040 : i32
    %mul3A_49 = arith.muli %add3A, %mul3A_48 : i32
    "tpu.region"() ({
      %run_scoped3A = tpu.sem_alloc : memref<!tpu.dma_semaphore, #tpu.memory_space<semaphore_mem>>
      %dma_start3A_57 = tpu.memref_slice %arg6[%mul3A_49] : memref<737280xf32, #tpu.memory_space<hbm>> -> memref<23040xf32, #tpu.memory_space<hbm>>
      %dma_start3A_58 = tpu.memref_slice %arg6[%mul3A_49] : memref<737280xf32, #tpu.memory_space<hbm>> -> memref<23040xf32, #tpu.memory_space<hbm>>
      tpu.enqueue_dma source(%arg15 : memref<23040xf32, #tpu.memory_space<vmem>>) target(%dma_start3A_58 : memref<23040xf32, #tpu.memory_space<hbm>>) target_semaphore(%run_scoped3A : memref<!tpu.dma_semaphore, #tpu.memory_space<semaphore_mem>>)
      %dma_wait3A = tpu.memref_slice %arg6[%mul3A_49] : memref<737280xf32, #tpu.memory_space<hbm>> -> memref<23040xf32, #tpu.memory_space<hbm>>
      %dma_wait3A_59 = tpu.memref_slice %arg6[%mul3A_49] : memref<737280xf32, #tpu.memory_space<hbm>> -> memref<23040xf32, #tpu.memory_space<hbm>>
      tpu.wait_dma2 semaphore(%run_scoped3A : memref<!tpu.dma_semaphore, #tpu.memory_space<semaphore_mem>>) src(%arg15 : memref<23040xf32, #tpu.memory_space<vmem>>) dst(%dma_wait3A_59 : memref<23040xf32, #tpu.memory_space<hbm>>)
      tpu.yield
    }) : () -> ()
    %mul3A_50 = arith.constant 10000 : i32
    %mul3A_51 = arith.muli %arg1, %mul3A_50 : i32
    "tpu.region"() ({
      %run_scoped3A = tpu.sem_alloc : memref<!tpu.dma_semaphore, #tpu.memory_space<semaphore_mem>>
      %dma_start3A_57 = arith.constant 0 : i32
      %dma_start3A_58 = tpu.memref_slice %arg16[%dma_start3A_57] : memref<10016xf32, #tpu.memory_space<vmem>> -> memref<10000xf32, #tpu.memory_space<vmem>>
      %dma_start3A_59 = tpu.memref_slice %arg17[%mul3A_51] : memref<160256xf32, #tpu.memory_space<vmem_shared>> -> memref<10000xf32, #tpu.memory_space<vmem_shared>>
      %dma_start3A_60 = arith.constant 0 : i32
      %dma_start3A_61 = tpu.memref_slice %arg16[%dma_start3A_60] : memref<10016xf32, #tpu.memory_space<vmem>> -> memref<10000xf32, #tpu.memory_space<vmem>>
      %dma_start3A_62 = tpu.memref_slice %arg17[%mul3A_51] : memref<160256xf32, #tpu.memory_space<vmem_shared>> -> memref<10000xf32, #tpu.memory_space<vmem_shared>>
      tpu.enqueue_dma source(%dma_start3A_62 : memref<10000xf32, #tpu.memory_space<vmem_shared>>) target(%dma_start3A_61 : memref<10000xf32, #tpu.memory_space<vmem>>) target_semaphore(%run_scoped3A : memref<!tpu.dma_semaphore, #tpu.memory_space<semaphore_mem>>)
      %dma_wait3A = arith.constant 0 : i32
      %dma_wait3A_63 = tpu.memref_slice %arg16[%dma_wait3A] : memref<10016xf32, #tpu.memory_space<vmem>> -> memref<10000xf32, #tpu.memory_space<vmem>>
      %dma_wait3A_64 = tpu.memref_slice %arg17[%mul3A_51] : memref<160256xf32, #tpu.memory_space<vmem_shared>> -> memref<10000xf32, #tpu.memory_space<vmem_shared>>
      %dma_wait3A_65 = arith.constant 0 : i32
      %dma_wait3A_66 = tpu.memref_slice %arg16[%dma_wait3A_65] : memref<10016xf32, #tpu.memory_space<vmem>> -> memref<10000xf32, #tpu.memory_space<vmem>>
      %dma_wait3A_67 = tpu.memref_slice %arg17[%mul3A_51] : memref<160256xf32, #tpu.memory_space<vmem_shared>> -> memref<10000xf32, #tpu.memory_space<vmem_shared>>
      tpu.wait_dma2 semaphore(%run_scoped3A : memref<!tpu.dma_semaphore, #tpu.memory_space<semaphore_mem>>) src(%dma_wait3A_67 : memref<10000xf32, #tpu.memory_space<vmem_shared>>) dst(%dma_wait3A_66 : memref<10000xf32, #tpu.memory_space<vmem>>)
      tpu.yield
    }) : () -> ()
    %mul3A_52 = arith.constant 160000 : i32
    %mul3A_53 = arith.muli %arg0, %mul3A_52 : i32
    %mul3A_54 = arith.constant 10000 : i32
    %mul3A_55 = arith.muli %arg1, %mul3A_54 : i32
    %add3A_56 = arith.addi %mul3A_53, %mul3A_55 : i32
    "tpu.region"() ({
      %run_scoped3A = tpu.sem_alloc : memref<!tpu.dma_semaphore, #tpu.memory_space<semaphore_mem>>
      %dma_start3A_57 = arith.constant 0 : i32
      %dma_start3A_58 = tpu.memref_slice %arg16[%dma_start3A_57] : memref<10016xf32, #tpu.memory_space<vmem>> -> memref<10000xf32, #tpu.memory_space<vmem>>
      %dma_start3A_59 = tpu.memref_slice %arg5[%add3A_56] : memref<320000xf32, #tpu.memory_space<hbm>> -> memref<10000xf32, #tpu.memory_space<hbm>>
      %dma_start3A_60 = tpu.memref_slice %arg5[%add3A_56] : memref<320000xf32, #tpu.memory_space<hbm>> -> memref<10000xf32, #tpu.memory_space<hbm>>
      %dma_start3A_61 = arith.constant 0 : i32
      %dma_start3A_62 = tpu.memref_slice %arg16[%dma_start3A_61] : memref<10016xf32, #tpu.memory_space<vmem>> -> memref<10000xf32, #tpu.memory_space<vmem>>
      tpu.enqueue_dma source(%dma_start3A_62 : memref<10000xf32, #tpu.memory_space<vmem>>) target(%dma_start3A_60 : memref<10000xf32, #tpu.memory_space<hbm>>) target_semaphore(%run_scoped3A : memref<!tpu.dma_semaphore, #tpu.memory_space<semaphore_mem>>)
      %dma_wait3A = arith.constant 0 : i32
      %dma_wait3A_63 = tpu.memref_slice %arg16[%dma_wait3A] : memref<10016xf32, #tpu.memory_space<vmem>> -> memref<10000xf32, #tpu.memory_space<vmem>>
      %dma_wait3A_64 = tpu.memref_slice %arg5[%add3A_56] : memref<320000xf32, #tpu.memory_space<hbm>> -> memref<10000xf32, #tpu.memory_space<hbm>>
      %dma_wait3A_65 = tpu.memref_slice %arg5[%add3A_56] : memref<320000xf32, #tpu.memory_space<hbm>> -> memref<10000xf32, #tpu.memory_space<hbm>>
      %dma_wait3A_66 = arith.constant 0 : i32
      %dma_wait3A_67 = tpu.memref_slice %arg16[%dma_wait3A_66] : memref<10016xf32, #tpu.memory_space<vmem>> -> memref<10000xf32, #tpu.memory_space<vmem>>
      tpu.wait_dma2 semaphore(%run_scoped3A : memref<!tpu.dma_semaphore, #tpu.memory_space<semaphore_mem>>) src(%dma_wait3A_67 : memref<10000xf32, #tpu.memory_space<vmem>>) dst(%dma_wait3A_65 : memref<10000xf32, #tpu.memory_space<hbm>>)
      tpu.yield
    }) : () -> ()
    return
  }
}

module attributes {stable_mosaic.version = 14 : i64} {
  func.func @_final_body(%arg0: memref<2x400x400xf32, #tpu.memory_space<vmem>>, %arg1: memref<32x160x144xf32, #tpu.memory_space<vmem>>, %arg2: memref<400x400xf32, #tpu.memory_space<vmem>>) attributes {dimension_semantics = [], scalar_prefetch = 0 : i64, scratch_operands = 0 : i64, tpu.core_type = #tpu.core_type<tc>} {
    %get3A = arith.constant 0 : index
    %get3A_0 = arith.constant 0 : index
    %get3A_1 = arith.constant 0 : index
    %get3A_2 = vector.load %arg0[%get3A, %get3A_0, %get3A_1] : memref<2x400x400xf32, #tpu.memory_space<vmem>>, vector<1x400x400xf32>
    %get3A_3 = vector.shape_cast %get3A_2 : vector<1x400x400xf32> to vector<400x400xf32>
    %get3A_4 = arith.constant 1 : index
    %get3A_5 = arith.constant 0 : index
    %get3A_6 = arith.constant 0 : index
    %get3A_7 = vector.load %arg0[%get3A_4, %get3A_5, %get3A_6] : memref<2x400x400xf32, #tpu.memory_space<vmem>>, vector<1x400x400xf32>
    %get3A_8 = vector.shape_cast %get3A_7 : vector<1x400x400xf32> to vector<400x400xf32>
    %add3A = arith.addf %get3A_3, %get3A_8 : vector<400x400xf32>
    %swap3A = arith.constant 0 : index
    %swap3A_9 = arith.constant 0 : index
    %swap3A_10 = vector.load %arg2[%swap3A, %swap3A_9] : memref<400x400xf32, #tpu.memory_space<vmem>>, vector<400x400xf32>
    tpu.vector_store %arg2[%swap3A, %swap3A_9], %add3A {strides = array<i32>} : memref<400x400xf32, #tpu.memory_space<vmem>>, vector<400x400xf32>,
    %get3A_11 = arith.constant 0 : index
    %get3A_12 = arith.constant 0 : index
    %get3A_13 = arith.constant 0 : index
    %get3A_14 = vector.load %arg1[%get3A_11, %get3A_12, %get3A_13] : memref<32x160x144xf32, #tpu.memory_space<vmem>>, vector<32x160x144xf32>
    %reduce_sum3A = arith.constant dense<0.000000e+00> : vector<160x144xf32>
    %reduce_sum3A_15 = vector.multi_reduction <add>, %get3A_14, %reduce_sum3A [0] : vector<32x160x144xf32> to vector<160x144xf32>
    %get3A_16 = arith.constant 120 : index
    %get3A_17 = arith.constant 128 : index
    %get3A_18 = vector.load %arg2[%get3A_16, %get3A_17] : memref<400x400xf32, #tpu.memory_space<vmem>>, vector<160x144xf32>
    %add3A_19 = arith.addf %get3A_18, %reduce_sum3A_15 : vector<160x144xf32>
    %swap3A_20 = arith.constant 120 : index
    %swap3A_21 = arith.constant 128 : index
    %swap3A_22 = vector.load %arg2[%swap3A_20, %swap3A_21] : memref<400x400xf32, #tpu.memory_space<vmem>>, vector<160x144xf32>
    tpu.vector_store %arg2[%swap3A_20, %swap3A_21], %add3A_19 {strides = array<i32>} : memref<400x400xf32, #tpu.memory_space<vmem>>, vector<160x144xf32>,
    return
  }
}

</mosaic_0001>

<sc_bundles>
// kernel: kernel.4.cloned.1.call-start
scs
__scs_entry_jumppad:
0x0: {  	(pc) =	sbr.rel $0x88, $3  }
0x1: {  	(tag) =	ssettag $0x0;
	lr =	simm.s32 $0x1  }
0x2: {  	[smem:$0x3FA0] =	sst lr;
	_ =	strace $0xD0000000  }
0x3: {  	_ = 	snop  }
0x4: {  	_ = 	snop  }
0x5: {  	_ = 	snop  }
0x6: {  	_ = 	snop  }
0x7: {  	_ = 	snop  }
__scs_overlays_trampoline_lowered:
0x8: {  	[smem:$0x3FAF] =	sst s0  }
0x9: {  	[smem:$0x3FB0] =	sst s1  }
0xa: {  	[smem:$0x3FB1] =	sst s2  }
0xb: {  	[smem:$0x3FB2] =	sst s3  }
0xc: {  	[smem:$0x3FB3] =	sst s4  }
0xd: {  	[smem:$0x3FB4] =	sst s5  }
0xe: {  	[smem:$0x3FB5] =	sst s6  }
0xf: {  	[smem:$0x3FB6] =	sst s7  }
0x10: {  	[smem:$0x3FB7] =	sst s8  }
0x11: {  	[smem:$0x3FB8] =	sst s9;
	s0 =	simm.s32 @!p0 $0x0  }
0x12: {  	s1 =	sld [smem:$0x3F9E];
	s0 =	simm.s32 @p0 $0x1  }
0x13: {  	[smem:$0x3FB9] =	sst s0;
	s0 =	simm.s32 @!p1 $0x0  }
0x14: {  	s2 =	sld [smem:$0x3F9D];
	s0 =	simm.s32 @p1 $0x1  }
0x15: {  	[smem:$0x3FBA] =	sst s0;
	s0 =	simm.s32 @!p2 $0x0  }
0x16: {  	s3 =	sld [smem:$0x3FDB];
	s0 =	simm.s32 @p2 $0x1  }
0x17: {  	s4 =	simm.s32 $0x1BF5;
	[smem:$0x3FBC] =	sst s0  }
0x18: {  	s0 =	sld [smem:$0x3F9F];
	_ =	swait.ge [sflag:s4], $0x0  }
0x19: {  	s7 =	sld [smem:$0x3FA0]  }
0x1a: {  	s8 =	sadd.s32 $0xFFFFE003, lr  }
0x1b: {  	s9 =	sadd.s32 $0xFFFFFEF7, lr;
	s5 =	simm.s32 $0xFFFFFFFF;
	p2 =	slt.u32 s8, $0xFFFFF086  }
0x1c: {  	p1 =	slt.u32 s9, $0xF7A;
	s5 =	simm.s32 @!p2 $0x0  }
0x1d: {  	s5 =	simm.s32 @p1 $0x1;
	p0 =	seq.s32 s7, s2  }
0x1e: {  	s7 =	smul.u32 @!p0 $0xF7A, s2;
	p2 =	seq.s32 @!p0 s5, $0x0  }
0x1f: {  	s9 =	smul.u32 $0xF7A, s1;
	s8 =	simm.s32 @!p0 $0x1BF5;
	p2 =	por !p2, p0  }
0x20: {  	[sflag:s8] =	ssyncset.s32 @!p0 $0xFFFFF086;
	s6 =	sadd.s32 @!p0 s3, s7;
	s7 =	simm.s32 @!p0 $0x108  }
0x21: {  	s3 =	sadd.s32 s3, s9;
	s6 =	sadd.s32 @!p0 $0x88, s6;
	s7 =	simm.s32 @p2 $0x1082  }
0x22: {  	[simem:s7], [sflag:s8] =	dma.local @!p0 [hbm:s6], $0xF7A  }
0x23: {  	s9 =	sor.u32 $0xD0000000, s2;
	s6 =	simm.s32 $0x108;
	_ =	swait.ge @!p0 [sflag:s8], $0x0  }
0x24: {  	s3 =	sadd.s32 $0x88, s3;
	s6 =	simm.s32 @!p1 $0x1082;
	[sflag:s4] =	ssyncset.s32 $0xFFFFF086  }
0x25: {  	[simem:s6], [sflag:s4] =	dma.local [hbm:s3], $0xF7A  }
0x26: {  	[smem:$0x3FA0] =	sst s1;
	(tag) =	ssettag s2;
	_ =	strace s9  }
0x27: {  	s1 =	sld [smem:$0x3FB0]  }
0x28: {  	s2 =	sld [smem:$0x3FB1]  }
0x29: {  	s4 =	sld [smem:$0x3FB3]  }
0x2a: {  	p0 =	seq.s32 s5, $0x0;
	s5 =	sld [smem:$0x3FB4]  }
0x2b: {  	s6 =	sld [smem:$0x3FB5]  }
0x2c: {  	s7 =	sld [smem:$0x3FB6]  }
0x2d: {  	s3 =	simm.s32 $0x108;
	s8 =	sld [smem:$0x3FB7]  }
0x2e: {  	s3 =	simm.s32 @!p0 $0x1082;
	s9 =	sld [smem:$0x3FB8]  }
0x2f: {  	lr =	sadd.s32 s0, s3;
	s0 =	sld [smem:$0x3FAF]  }
0x30: {  	s3 =	sld [smem:$0x3FB2]  }
0x31: {  	[smem:$0x3FBB] =	sst s10  }
0x32: {  	s10 =	sld [smem:$0x3FB9];
	_ =	sdelay $0x3  }
0x33: {  	p0 =	seq.s32 s10, $0x1;
	s10 =	sld [smem:$0x3FBB];
	_ =	sdelay $0x3  }
0x34: {  	[smem:$0x3FBB] =	sst s10  }
0x35: {  	s10 =	sld [smem:$0x3FBA];
	_ =	sdelay $0x3  }
0x36: {  	p1 =	seq.s32 s10, $0x1;
	s10 =	sld [smem:$0x3FBB];
	_ =	sdelay $0x3  }
0x37: {  	[smem:$0x3FBB] =	sst s10  }
0x38: {  	s10 =	sld [smem:$0x3FBC]  }
0x39: {  	_ = 	snop;
	(pc) =	sbr.ind lr, $3  }
0x3a: {  	_ = 	snop  }
0x3b: {  	_ = 	snop  }
0x3c: {  	p2 =	seq.s32 s10, $0x1;
	s10 =	sld [smem:$0x3FBB]  }
0x3d: {  	_ =	shalt  }
0x3e: {  	_ =	shalt  }
0x3f: {  	_ =	shalt  }
0x40: {  	_ =	shalt  }
0x41: {  	_ =	shalt  }
0x42: {  	_ =	shalt  }
0x43: {  	_ =	shalt  }
0x44: {  	_ =	shalt  }
0x45: {  	_ =	shalt  }
0x46: {  	_ =	shalt  }
0x47: {  	_ =	shalt  }
0x48: {  	_ =	shalt  }
0x49: {  	_ =	shalt  }
0x4a: {  	_ =	shalt  }
0x4b: {  	_ =	shalt  }
0x4c: {  	_ =	shalt  }
0x4d: {  	_ =	shalt  }
0x4e: {  	_ =	shalt  }
0x4f: {  	_ =	shalt  }
0x50: {  	_ =	shalt  }
0x51: {  	_ =	shalt  }
0x52: {  	_ =	shalt  }
0x53: {  	_ =	shalt  }
0x54: {  	_ =	shalt  }
0x55: {  	_ =	shalt  }
0x56: {  	_ =	shalt  }
0x57: {  	_ =	shalt  }
0x58: {  	_ =	shalt  }
0x59: {  	_ =	shalt  }
0x5a: {  	_ =	shalt  }
0x5b: {  	_ =	shalt  }
0x5c: {  	_ =	shalt  }
0x5d: {  	_ =	shalt  }
0x5e: {  	_ =	shalt  }
0x5f: {  	_ =	shalt  }
0x60: {  	_ =	shalt  }
0x61: {  	_ =	shalt  }
0x62: {  	_ =	shalt  }
0x63: {  	_ =	shalt  }
0x64: {  	_ =	shalt  }
0x65: {  	_ =	shalt  }
0x66: {  	_ =	shalt  }
0x67: {  	_ =	shalt  }
0x68: {  	_ =	shalt  }
0x69: {  	_ =	shalt  }
0x6a: {  	_ =	shalt  }
0x6b: {  	_ =	shalt  }
0x6c: {  	_ =	shalt  }
0x6d: {  	_ =	shalt  }
0x6e: {  	_ =	shalt  }
0x6f: {  	_ =	shalt  }
0x70: {  	_ =	shalt  }
0x71: {  	_ =	shalt  }
0x72: {  	_ =	shalt  }
0x73: {  	_ =	shalt  }
0x74: {  	_ =	shalt  }
0x75: {  	_ =	shalt  }
0x76: {  	_ =	shalt  }
0x77: {  	_ =	shalt  }
0x78: {  	_ =	shalt  }
0x79: {  	_ =	shalt  }
0x7a: {  	_ =	shalt  }
0x7b: {  	_ =	shalt  }
0x7c: {  	_ =	shalt  }
0x7d: {  	_ =	shalt  }
0x7e: {  	_ =	shalt  }
0x7f: {  	_ =	shalt  }
0x80: {  	_ =	shalt  }
0x81: {  	_ =	shalt  }
0x82: {  	_ =	shalt  }
0x83: {  	_ =	shalt  }
0x84: {  	_ =	shalt  }
0x85: {  	_ =	shalt  }
0x86: {  	_ =	shalt  }
0x87: {  	_ =	shalt  }
.Lfunc_end0:
.L_simem_size_0:
called_computation_lowered:
.L_overlay_start_0:
0x88: {  	s2 =	sld [smem:$0x3FD9]  }
0x89: {  	s3 =	sld [smem:$0x3FFE];
	_ =	sdelay $0x1  }
0x8a: {  	s1 =	srdreg.scid  }
0x8b: {  	s0 =	sand.u32 $0x1, s1  }
0x8c: {  	s16 =	sshll.u32 s0, $0xA;
	s2 =	sadd.s32 s3, s2  }
0x8d: {  	s2 =	sadd.s32 s2, s16  }
0x8e: {  	[smem:$0x3FC7] =	sst s2  }
0x8f: {  	_ = 	snop  }
0x90: {  	(tm) =	ssettm $0x1  }
0x91: {  	s17 =	sld [smem:$0x3FFB];
	_ =	sdelay $0x3  }
0x92: {  	_ =	strace s17  }
0x93: {  	s2 =	sld [smem:$0x3FFC];
	_ =	sdelay $0x3  }
0x94: {  	_ =	strace s2  }
0x95: {  	s2 =	sld [smem:$0x3FFD];
	_ =	sdelay $0x3  }
0x96: {  	_ =	strace s2  }
0x97: {  	_ =	strace $0x8FFFFFFF  }
0x98: {  	s18 =	sld [smem:$0x3FDB];
	_ =	sdelay $0x1  }
0x99: {  	s19 =	simm.s32 $_scs_section_size  }
0x9a: {  	s4 =	simm.s32 $_size__tile_overlayer_lowered;
	s5 =	simm.s32 $_tile_overlayer_lowered  }
0x9b: {  	s22 =	simm.s32 $0x1BFF;
	s21 =	sshll.u32 s5, $0x1;
	s2 =	sadd.s32 s19, s18  }
0x9c: {  	s6 =	simm.s32 $0x0;
	s20 =	sshll.u32 s4, $0x1;
	s4 =	sadd.s32 s21, s2  }
0x9d: {  	[timem:s6], [sflag:s22] =	dma.local [hbm:s4], s20  }
0x9e: {  	_ =	swait.ge [sflag:s22], s20  }
0x9f: {  	s3 =	ssub.s32 $0x0, s20;
	[sflag:s22] =	ssyncset.done $0x0  }
0xa0: {  	[sflag:s22] =	ssyncadd.s32 s3;
	_ =	sdelay $0x1  }
0xa1: {  	s23 =	simm.s32 $0x1B8B  }
0xa2: {  	_ =	swait.ge [sflag:s23], $0x1  }
0xa3: {  	[sflag:s23] =	ssyncset.done $0x0  }
0xa4: {  	s25 =	simm.s32 $0x1B8E;
	s24 =	sld [smem:$0x3FFE];
	[sflag:s23] =	ssyncadd.s32 $0xFFFFFFFF  }
0xa5: {  	s26 =	simm.s32 $execute0_lowered;
	[smem:$0x3FD2] =	sst s25  }
0xa6: {  	s4 =	sshll.u32 s26, $0x1;
	_ =	strace $0x80000046;
	[dreg:$0x1] =	wrdreg $0xFFFFFFFF  }
0xa7: {  	s28 =	simm.s32 $_size_execute0_lowered;
	s2 =	sadd.s32 s2, s4;
	[dreg:$0x0] =	wrdreg $0x0  }
0xa8: {  	s4 =	sshll.u32 s28, $0x1;
	[dreg:$0x2] =	wrdreg s2  }
0xa9: {  	[dreg:$0x3] =	wrdreg s4  }
0xaa: {  	[dreg:$0x4] =	wrdreg $0xC0  }
0xab: {  	_ =	task [dreg:s6], $0x5FFFF  }
0xac: {  	[dreg:$0x1] =	wrdreg $0xFFFFFFFF  }
0xad: {  	[dreg:$0x0] =	wrdreg $0x60  }
0xae: {  	[dreg:$0x2] =	wrdreg s24  }
0xaf: {  	[dreg:$0x3] =	wrdreg $0xB2200  }
0xb0: {  	[dreg:$0x4] =	wrdreg $0x9  }
0xb1: {  	_ =	task.clear_ibuf [dreg:s6], $0x5FFFF;
	_ =	strace $0x90000046  }
0xb2: {  	s29 =	simm.s32 $0x9;
	_ =	strace $0x80000048  }
0xb3: {  	_ =	swait.ge [sflag:s29], $0x1  }
0xb4: {  	[sflag:s29] =	ssyncadd.s32 $0xFFFFFFFF  }
0xb5: {  	_ =	strace $0x90000048  }
0xb6: {  	_ =	sfence  }
0xb7: {  	s30 =	sld [smem:$0x0];
	_ =	sdelay $0x2  }
0xb8: {  	s31 =	sshll.u32 s1, $0xD;
	s1 =	sshrl.u32 s1, $0x2  }
0xb9: {  	s3 =	sand.u32 $0x4000, s31;
	s1 =	sadd.s32 s1, s30  }
0xba: {  	s0 =	sor.u32 s3, s0;
	s1 =	sshll.u32 s1, $0x11  }
0xbb: {  	s0 =	sor.u32 s1, s0  }
0xbc: {  	s0 =	sadd.s32 $0x8F2B, s0  }
0xbd: {  	[sflag:s0] =	ssyncadd.remote.s32 $0x1  }
0xbe: {  	_ =	sfence.sel $0xFFFF  }
0xbf: {  	[dreg:$0x0] =	wrdreg $0xFFFFFFFF;
	(pc) =	sbr.abs _section_cstart, $3  }
0xc0: {  	[dreg:$0x1] =	wrdreg $0xFFFFFFFF  }
0xc1: {  	_ =	task.clear_ibuf [dreg:s6], $0x2FFFF;
	_ =	strace $0x9FFFFFFF  }
0xc2: {  	(tm) =	ssettm $0x7FFFFFFF  }
0xc3: {  	_ =	shalt  }
tec
execute0_lowered:
.L_overlay_start_1:
0x0: {  	(tag) =	ssettag $0x1  }
0x1: {  	s0 =	rddreg [dreg:$0x0]  }
0x2: {  	s2 =	rddreg [dreg:$0x1]  }
0x3: {  	s1 =	srdreg.scid;
	s11 =	stileid.u32;
	s3 =	simm.s32 $0x0  }
0x4: {  	s20 =	simm.s32 $0x3100;
	s28 =	simm.s32 $0x1;
	s29 =	simm.s32 $0x80  }
0x5: {  	s30 =	simm.s32 $0x3000;
	s31 =	simm.s32 $0x3080;
	s1 =	sand.u32 $0x1, s1  }
0x6: {  	s7 =	smul.u32 $0x2710, s11;
	[smem:$0x7FF] =	sst s3;
	s4 =	sadd.s32 $0x40A00, s0  }
0x7: {  	s6 =	smul.u32 $0x27100, s1;
	s5 =	sshll.u32 s1, $0x4;
	_ =	strace $0x80000047  }
0x8: {  	s1 =	ssub.s32 $0x2, s1;
	s8 =	sor.u32 s11, s5;
	s5 =	sadd.s32 $0x20A00, s0  }
0x9: {  	s11 =	smul.u32 $0x9C80, s11;
	s21 =	sshrl.u32 s1, $0x1;
	s17 =	sadd.s32 s7, s2  }
0xa: {  	s6 =	sadd.s32 s7, s6;
	s9 =	smul.u32 $0xB40, s8;
	s1 =	ssub.s32 s1, s21  }
0xb: {  	v0 =	vimm.f32 $1.000000010e-01;
	s15 =	sshll.u32 s8, $0xF;
	s8 =	sshll.u32 s8, $0xC;
	s21 =	simm.s32 $0x3  }
0xc: {  	(erf) = vrcp.f32 v0;
	s10 =	sshrl.u32 s6, $0x3;
	s6 =	sadd.s32 $0xA00, s0;
	s22 =	sshrl.u32 s11, $0x2  }
0xd: {  	s23 =	sadd.s32 s4, s8;
	s24 =	sadd.s32 s5, s8;
	s25 =	sor.u32 $0x100, s8  }
0xe: {  	s14 =	sor.u32 $0x1000, s15;
	s15 =	sor.u32 $0x1800, s15;
	s19 =	smax.u32 s1, $0x1  }
0xf: {  	s1 =	simm.s32 $0x8B00;
	s18 =	sadd.s32 s10, s0;
	[dreg:$0x4] =	wrdreg s23  }
0x10: {  	s0 =	sadd.s32 s9, s0;
	s9 =	sadd.s32 s22, s2;
	[dreg:$0x5] =	wrdreg s24  }
.Ltmp0:
0x11: {  	s8 =	sadd.s32 s6, s8;
	s26 =	sadd.s32 s4, s25;
	(pc) =	sbr.rel .LBB2_1-.Ltmp0, $4  }
0x12: {  	s12 =	sadd.s32 s5, s25;
	s13 =	sadd.s32 s6, s25;
	[dreg:$0x3] =	wrdreg s9  }
0x13: {  	s24 =	simm.s32 $0x1800;
	s25 =	simm.s32 $0x2000;
	[dreg:$0x6] =	wrdreg s8  }
0x14: {  	s22 =	simm.s32 $0x0;
	[dreg:$0x7] =	wrdreg s26;
	s16 =	sadd.s32 $0x6A800, s0  }
0x15: {  	v1 =	vimm.f32 $1.000000000e+00;
	v2 =	vimm.f32 $0.0e+00;
	s18 =	sadd.s32 $0x60A00, s18;
	s26 =	simm.s32 $0x2800;
	s0 =	simm.s32 $0x2;
	v0 =	vpop (erf)  }
.LBB2_14:
0x16: {  	[bflag:$0x0] =	sbarrier.arrive $0xFFFF  }
0x17: {  	[hbm4b:s16+s3] =	stream.linear.scatter [tilespmem:s20], [sflag:$0x3], $0x5A00, $0x38;
	[tilespmem:$0xD940] =	vst v63  }
0x18: {  	_ =	swait.ge [sflag:s21], $0x5A00  }
0x19: {  	[sflag:s21] =	ssyncset.done $0x0  }
0x1a: {  	[sflag:s21] =	ssyncadd.s32 $0xFFFFA600  }
0x1b: {  	[tilespmem:s1], [sflag:$0x3] =	stream.linear.gather [spmem:s17], $0x2710, $0x38;
	[tilespmem:$0xD940] =	vst v63  }
0x1c: {  	s22 =	sadd.s32 $0x1, s22;
	_ =	swait.ge [sflag:s21], $0x2710  }
0x1d: {  	p0 =	sne.s32 s22, s19;
	[sflag:s21] =	ssyncset.done $0x0  }
.Ltmp1:
0x1e: {  	[sflag:s21] =	ssyncadd.s32 $0xFFFFD8F0;
	(pc) =	sbr.rel @!p0 .LBB2_15-.Ltmp1, $4  }
0x1f: {  	[hbm4b:s18+s3] =	stream.linear.scatter [tilespmem:s1], [sflag:$0x3], $0x2710, $0x38;
	[tilespmem:$0xD940] =	vst v63  }
0x20: {  	_ =	swait.ge [sflag:s21], $0x2710  }
0x21: {  	[sflag:s21] =	ssyncset.done $0x0  }
0x22: {  	[sflag:s21] =	ssyncadd.s32 $0xFFFFD8F0  }
.LBB2_1:
0x23: {  	[tilespmem:$0x3080] =	vst v1  }
0x24: {  	[tilespmem:$0x3090] =	vst v1  }
0x25: {  	[tilespmem:$0x30A0] =	vst v1  }
0x26: {  	[tilespmem:$0x30B0] =	vst v1  }
0x27: {  	[tilespmem:$0x30C0] =	vst v1  }
0x28: {  	[tilespmem:$0x30D0] =	vst v1  }
0x29: {  	[tilespmem:$0x30E0] =	vst v1  }
0x2a: {  	[tilespmem:$0x30F0] =	vst v1;
	s7 =	simm.s32 $0x40;
	s8 =	simm.s32 $0x0  }
.LBB2_2:
0x2b: {  	p0 =	sne.s32 s7, $0x167C0;
	[tilespmem:s8+$0x3100] =	vst v2;
	s8 =	smov.u32 s7;
	s7 =	sadd.s32 $0x40, s7  }
.Ltmp2:
0x2c: {  	(pc) =	sbr.rel @p0 .LBB2_2-.Ltmp2, $2  }
0x2d: {  	_ =	sdelay $0x2  }
0x2e: {  	s8 =	sshra.s32 s8, $0x2  }
0x2f: {  	[tilespmem:s8+$0x3100] =	vst v2;
	s7 =	rddreg [dreg:$0x3]  }
0x30: {  	[spmem:s7] =	stream.linear.scatter [tilespmem:s20], [sflag:$0x3], $0x2720, $0x38;
	[tilespmem:$0xD940] =	vst v63  }
0x31: {  	_ =	swait.ge [sflag:s21], $0x2720  }
0x32: {  	[sflag:s21] =	ssyncset.done $0x0  }
0x33: {  	[sflag:s21] =	ssyncadd.s32 $0xFFFFD8E0  }
0x34: {  	[bflag:$0x0] =	sbarrier.arrive $0xFFFF  }
0x35: {  	s23 =	simm.s32 $0x0;
	s9 =	rddreg [dreg:$0x4]  }
0x36: {  	[tilespmem:s23], [sflag:$0x1] =	stream.linear.gather [hbm4b:s9+s23], $0x800, $0x38;
	[tilespmem:$0xD940] =	vst v63  }
0x37: {  	s11 =	simm.s32 $0x800;
	s10 =	rddreg [dreg:$0x5]  }
0x38: {  	[tilespmem:s11], [sflag:$0x1] =	stream.linear.gather [hbm4b:s10+s23], $0x800, $0x38;
	[tilespmem:$0xD940] =	vst v63  }
0x39: {  	s9 =	rddreg [dreg:$0x6];
	s10 =	simm.s32 $0x1000  }
0x3a: {  	[tilespmem:s10], [sflag:$0x1] =	stream.linear.gather [hbm4b:s9+s23], $0x800, $0x38;
	[tilespmem:$0xD940] =	vst v63  }
0x3b: {  	s11 =	rddreg [dreg:$0x7]  }
0x3c: {  	[tilespmem:s24], [sflag:$0x2] =	stream.linear.gather [hbm4b:s11+s23], $0x800, $0x38;
	[tilespmem:$0xD940] =	vst v63  }
0x3d: {  	_ = 	snop  }
0x3e: {  	[tilespmem:s25], [sflag:$0x2] =	stream.linear.gather [hbm4b:s12+s23], $0x800, $0x38;
	[tilespmem:$0xD940] =	vst v63  }
0x3f: {  	_ = 	snop  }
0x40: {  	[tilespmem:s26], [sflag:$0x2] =	stream.linear.gather [hbm4b:s13+s23], $0x800, $0x38;
	[tilespmem:$0xD940] =	vst v63  }
.LBB2_4:
0x41: {  	_ =	swait.ge [sflag:s28], $0x800  }
0x42: {  	[sflag:s28] =	ssyncset.done $0x0  }
0x43: {  	[sflag:s28] =	ssyncadd.s32 $0xFFFFF800  }
0x44: {  	_ =	swait.ge [sflag:s28], $0x800  }
0x45: {  	[sflag:s28] =	ssyncset.done $0x0  }
0x46: {  	[sflag:s28] =	ssyncadd.s32 $0xFFFFF800  }
0x47: {  	_ =	swait.ge [sflag:s28], $0x800  }
0x48: {  	[sflag:s28] =	ssyncset.done $0x0  }
0x49: {  	s7 =	simm.s32 $0x0;
	vm1 =	vmxor vm1, vm1;
	[sflag:s28] =	ssyncadd.s32 $0xFFFFF800  }
.LBB2_5:
0x4a: {  	s8 =	sshra.s32 s7, $0x2  }
0x4b: {  	v3 =	vld [tilespmem:s8+$0x1000];
	_ =	sdelay $0x1  }
0x4c: {  	v4 =	vld [tilespmem:s8+$0x0];
	_ =	sdelay $0x2  }
0x4d: {  	v3 =	vmul.f32 v3, v0;
	_ =	sdelay $0x1  }
0x4e: {  	v4 =	vmul.f32 v4, v0;
	v3 =	vadd.f32 $2.000000000e+02, v3;
	_ =	sdelay $0x1  }
0x4f: {  	v4 =	vadd.f32 $2.000000000e+02, v4;
	v3 =	vadd.f32 $1.258291200e+07, v3;
	_ =	sdelay $0x1  }
0x50: {  	v5 =	vld [tilespmem:s8+$0x800];
	v4 =	vadd.f32 $1.258291200e+07, v4;
	v3 =	vadd.f32 $-1.258291200e+07, v3;
	_ =	sdelay $0x1  }
0x51: {  	v4 =	vadd.f32 $-1.258291200e+07, v4;
	v6 =	vmul.f32 $1.440000000e+02, v3;
	_ =	sdelay $0x1  }
0x52: {  	v6 =	vadd.f32 v6, v4  }
0x53: {  	vm2 =	vlt.f32 v5, $0.0e+00  }
0x54: {  	vm3 =	vge.f32 v3, $1.200000000e+02;
	vm4 =	vge.f32 v4, $1.280000000e+02;
	v6 =	vadd.f32 $-1.740800000e+04, v6  }
0x55: {  	vm5 =	vgt.f32 v5, $-1.000000000e+00;
	vm6 =	vlt.f32 v3, $2.800000000e+02;
	vm3 =	vmand vm3, vm4  }
0x56: {  	vm14 =	vlt.f32 v4, $2.720000000e+02;
	vm3 =	vmand vm3, vm6;
	v3 =	vtrunc.f32 v6  }
0x57: {  	vm0 =	vmand vm2, vm5;
	vm3 =	vmand vm14, vm3;
	v3 =	vcvt.f32.s32 v3  }
0x58: {  	vm3 =	vmand vm0, vm3  }
0x59: {  	v3 =	vnsel vm3, $0x0, v3;
	_ =	sdelay $0x4  }
0x5a: {  	[tilespmem:v3+s20+$0x0] =	vst.idx.add.f32.msk vm3, v1  }
0x5b: {  	v3 =	vld [tilespmem:s8+$0x1010];
	_ =	sdelay $0x1  }
0x5c: {  	v43 =	vld [tilespmem:s8+$0x10];
	_ =	sdelay $0x2  }
0x5d: {  	v42 =	vimm.s32 $0x0;
	v3 =	vmul.f32 v3, v0  }
0x5e: {  	v4 =	vsel vm0, $0xFFFFFFFF, v42  }
0x5f: {  	[tilespmem:$0x1FFF0] =	vst v4;
	v4 =	vmul.f32 v43, v0;
	v3 =	vadd.f32 $2.000000000e+02, v3;
	_ =	sdelay $0x1  }
0x60: {  	v4 =	vadd.f32 $2.000000000e+02, v4;
	v3 =	vadd.f32 $1.258291200e+07, v3;
	_ =	sdelay $0x1  }
0x61: {  	v44 =	vld [tilespmem:s8+$0x810];
	v4 =	vadd.f32 $1.258291200e+07, v4;
	v3 =	vadd.f32 $-1.258291200e+07, v3;
	_ =	sdelay $0x1  }
0x62: {  	v4 =	vadd.f32 $-1.258291200e+07, v4;
	v45 =	vmul.f32 $1.440000000e+02, v3;
	_ =	sdelay $0x1  }
0x63: {  	v6 =	vadd.f32 v45, v4  }
0x64: {  	vm15 =	vlt.f32 v44, $0.0e+00  }
0x65: {  	vm12 =	vge.f32 v3, $1.200000000e+02;
	vm13 =	vge.f32 v4, $1.280000000e+02;
	v6 =	vadd.f32 $-1.740800000e+04, v6  }
0x66: {  	vm7 =	vgt.f32 v44, $-1.000000000e+00;
	vm8 =	vlt.f32 v3, $2.800000000e+02;
	vm5 =	vmand vm12, vm13  }
0x67: {  	vm14 =	vlt.f32 v4, $2.720000000e+02;
	vm5 =	vmand vm5, vm8;
	v3 =	vtrunc.f32 v6  }
0x68: {  	vm4 =	vmand vm15, vm7;
	vm5 =	vmand vm14, vm5;
	v3 =	vcvt.f32.s32 v3  }
0x69: {  	vm5 =	vmand vm4, vm5  }
0x6a: {  	v3 =	vnsel vm5, $0x0, v3;
	_ =	sdelay $0x4  }
0x6b: {  	[tilespmem:v3+s20+$0x0] =	vst.idx.add.f32.msk vm5, v1  }
0x6c: {  	v3 =	vld [tilespmem:s8+$0x1020];
	_ =	sdelay $0x1  }
0x6d: {  	v46 =	vld [tilespmem:s8+$0x20];
	_ =	sdelay $0x2  }
0x6e: {  	v3 =	vmul.f32 v3, v0;
	_ =	sdelay $0x1  }
0x6f: {  	v4 =	vmul.f32 v46, v0;
	v3 =	vadd.f32 $2.000000000e+02, v3;
	_ =	sdelay $0x1  }
0x70: {  	v4 =	vadd.f32 $2.000000000e+02, v4;
	v3 =	vadd.f32 $1.258291200e+07, v3;
	_ =	sdelay $0x1  }
0x71: {  	v47 =	vld [tilespmem:s8+$0x820];
	v4 =	vadd.f32 $1.258291200e+07, v4;
	v3 =	vadd.f32 $-1.258291200e+07, v3;
	_ =	sdelay $0x1  }
0x72: {  	v4 =	vadd.f32 $-1.258291200e+07, v4;
	v48 =	vmul.f32 $1.440000000e+02, v3;
	_ =	sdelay $0x1  }
0x73: {  	v6 =	vadd.f32 v48, v4  }
0x74: {  	vm15 =	vlt.f32 v47, $0.0e+00  }
0x75: {  	vm12 =	vge.f32 v3, $1.200000000e+02;
	vm13 =	vge.f32 v4, $1.280000000e+02;
	v6 =	vadd.f32 $-1.740800000e+04, v6  }
0x76: {  	vm9 =	vgt.f32 v47, $-1.000000000e+00;
	vm10 =	vlt.f32 v3, $2.800000000e+02;
	vm7 =	vmand vm12, vm13  }
0x77: {  	vm14 =	vlt.f32 v4, $2.720000000e+02;
	vm7 =	vmand vm7, vm10;
	v3 =	vtrunc.f32 v6  }
0x78: {  	vm6 =	vmand vm15, vm9;
	vm7 =	vmand vm14, vm7;
	v3 =	vcvt.f32.s32 v3  }
0x79: {  	vm7 =	vmand vm6, vm7  }
0x7a: {  	v3 =	vnsel vm7, $0x0, v3;
	_ =	sdelay $0x4  }
0x7b: {  	[tilespmem:v3+s20+$0x0] =	vst.idx.add.f32.msk vm7, v1  }
0x7c: {  	v3 =	vld [tilespmem:s8+$0x1030];
	_ =	sdelay $0x1  }
0x7d: {  	v49 =	vld [tilespmem:s8+$0x30];
	_ =	sdelay $0x2  }
0x7e: {  	v3 =	vmul.f32 v3, v0;
	_ =	sdelay $0x1  }
0x7f: {  	v4 =	vmul.f32 v49, v0;
	v3 =	vadd.f32 $2.000000000e+02, v3;
	_ =	sdelay $0x1  }
0x80: {  	v4 =	vadd.f32 $2.000000000e+02, v4;
	v3 =	vadd.f32 $1.258291200e+07, v3;
	_ =	sdelay $0x1  }
0x81: {  	v50 =	vld [tilespmem:s8+$0x830];
	v4 =	vadd.f32 $1.258291200e+07, v4;
	v3 =	vadd.f32 $-1.258291200e+07, v3;
	_ =	sdelay $0x1  }
0x82: {  	v4 =	vadd.f32 $-1.258291200e+07, v4;
	v51 =	vmul.f32 $1.440000000e+02, v3;
	_ =	sdelay $0x1  }
0x83: {  	v6 =	vadd.f32 v51, v4  }
0x84: {  	vm8 =	vlt.f32 v50, $0.0e+00  }
0x85: {  	vm9 =	vge.f32 v3, $1.200000000e+02;
	vm10 =	vge.f32 v4, $1.280000000e+02;
	v6 =	vadd.f32 $-1.740800000e+04, v6  }
0x86: {  	vm11 =	vgt.f32 v50, $-1.000000000e+00;
	vm12 =	vlt.f32 v3, $2.800000000e+02;
	vm9 =	vmand vm9, vm10  }
0x87: {  	vm15 =	vlt.f32 v4, $2.720000000e+02;
	vm9 =	vmand vm9, vm12;
	v3 =	vtrunc.f32 v6  }
0x88: {  	vm8 =	vmand vm8, vm11;
	vm9 =	vmand vm15, vm9;
	v3 =	vcvt.f32.s32 v3  }
0x89: {  	vm9 =	vmand vm8, vm9  }
0x8a: {  	v3 =	vnsel vm9, $0x0, v3;
	_ =	sdelay $0x4  }
0x8b: {  	[tilespmem:v3+s20+$0x0] =	vst.idx.add.f32.msk vm9, v1  }
0x8c: {  	v3 =	vld [tilespmem:s8+$0x1040];
	_ =	sdelay $0x1  }
0x8d: {  	v52 =	vld [tilespmem:s8+$0x40];
	_ =	sdelay $0x2  }
0x8e: {  	v3 =	vmul.f32 v3, v0;
	_ =	sdelay $0x1  }
0x8f: {  	v4 =	vmul.f32 v52, v0;
	v3 =	vadd.f32 $2.000000000e+02, v3;
	_ =	sdelay $0x1  }
0x90: {  	v4 =	vadd.f32 $2.000000000e+02, v4;
	v3 =	vadd.f32 $1.258291200e+07, v3;
	_ =	sdelay $0x1  }
0x91: {  	v53 =	vld [tilespmem:s8+$0x840];
	v4 =	vadd.f32 $1.258291200e+07, v4;
	v3 =	vadd.f32 $-1.258291200e+07, v3;
	_ =	sdelay $0x1  }
0x92: {  	v4 =	vadd.f32 $-1.258291200e+07, v4;
	v54 =	vmul.f32 $1.440000000e+02, v3;
	_ =	sdelay $0x1  }
0x93: {  	v6 =	vadd.f32 v54, v4  }
0x94: {  	vm10 =	vlt.f32 v53, $0.0e+00  }
0x95: {  	vm11 =	vge.f32 v3, $1.200000000e+02;
	vm12 =	vge.f32 v4, $1.280000000e+02;
	v6 =	vadd.f32 $-1.740800000e+04, v6  }
0x96: {  	vm13 =	vgt.f32 v53, $-1.000000000e+00;
	vm14 =	vlt.f32 v3, $2.800000000e+02;
	vm11 =	vmand vm11, vm12  }
0x97: {  	vm12 =	vlt.f32 v4, $2.720000000e+02;
	vm11 =	vmand vm11, vm14;
	v3 =	vtrunc.f32 v6  }
0x98: {  	vm10 =	vmand vm10, vm13;
	vm11 =	vmand vm12, vm11;
	v3 =	vcvt.f32.s32 v3  }
0x99: {  	vm11 =	vmand vm10, vm11  }
0x9a: {  	v3 =	vnsel vm11, $0x0, v3;
	_ =	sdelay $0x4  }
0x9b: {  	[tilespmem:v3+s20+$0x0] =	vst.idx.add.f32.msk vm11, v1  }
0x9c: {  	v3 =	vld [tilespmem:s8+$0x1050];
	_ =	sdelay $0x1  }
0x9d: {  	v55 =	vld [tilespmem:s8+$0x50];
	_ =	sdelay $0x2  }
0x9e: {  	v3 =	vmul.f32 v3, v0;
	_ =	sdelay $0x1  }
0x9f: {  	v4 =	vmul.f32 v55, v0;
	v3 =	vadd.f32 $2.000000000e+02, v3;
	_ =	sdelay $0x1  }
0xa0: {  	v4 =	vadd.f32 $2.000000000e+02, v4;
	v3 =	vadd.f32 $1.258291200e+07, v3;
	_ =	sdelay $0x1  }
0xa1: {  	v56 =	vld [tilespmem:s8+$0x850];
	v4 =	vadd.f32 $1.258291200e+07, v4;
	v3 =	vadd.f32 $-1.258291200e+07, v3;
	_ =	sdelay $0x1  }
0xa2: {  	v4 =	vadd.f32 $-1.258291200e+07, v4;
	v57 =	vmul.f32 $1.440000000e+02, v3;
	_ =	sdelay $0x1  }
0xa3: {  	v6 =	vadd.f32 v57, v4  }
0xa4: {  	vm12 =	vlt.f32 v56, $0.0e+00  }
0xa5: {  	vm13 =	vge.f32 v3, $1.200000000e+02;
	vm14 =	vge.f32 v4, $1.280000000e+02;
	v6 =	vadd.f32 $-1.740800000e+04, v6  }
0xa6: {  	vm15 =	vgt.f32 v56, $-1.000000000e+00;
	vm0 =	vlt.f32 v3, $2.800000000e+02;
	vm13 =	vmand vm13, vm14  }
0xa7: {  	vm0 =	vmand vm13, vm0;
	vm13 =	vlt.f32 v4, $2.720000000e+02;
	v3 =	vtrunc.f32 v6  }
0xa8: {  	vm12 =	vmand vm12, vm15;
	vm0 =	vmand vm13, vm0;
	v3 =	vcvt.f32.s32 v3  }
0xa9: {  	vm13 =	vmand vm12, vm0  }
0xaa: {  	v3 =	vnsel vm13, $0x0, v3;
	_ =	sdelay $0x4  }
0xab: {  	[tilespmem:v3+s20+$0x0] =	vst.idx.add.f32.msk vm13, v1  }
0xac: {  	v3 =	vld [tilespmem:s8+$0x1060];
	_ =	sdelay $0x1  }
0xad: {  	v58 =	vld [tilespmem:s8+$0x60];
	_ =	sdelay $0x2  }
0xae: {  	v3 =	vmul.f32 v3, v0;
	_ =	sdelay $0x1  }
0xaf: {  	v4 =	vmul.f32 v58, v0;
	v3 =	vadd.f32 $2.000000000e+02, v3;
	_ =	sdelay $0x1  }
0xb0: {  	v4 =	vadd.f32 $2.000000000e+02, v4;
	v3 =	vadd.f32 $1.258291200e+07, v3;
	_ =	sdelay $0x1  }
0xb1: {  	v59 =	vld [tilespmem:s8+$0x860];
	v4 =	vadd.f32 $1.258291200e+07, v4;
	v3 =	vadd.f32 $-1.258291200e+07, v3;
	_ =	sdelay $0x1  }
0xb2: {  	v4 =	vadd.f32 $-1.258291200e+07, v4;
	v60 =	vmul.f32 $1.440000000e+02, v3;
	_ =	sdelay $0x1  }
0xb3: {  	v6 =	vadd.f32 v60, v4  }
0xb4: {  	vm15 =	vgt.f32 v59, $-1.000000000e+00  }
0xb5: {  	vm0 =	vge.f32 v3, $1.200000000e+02;
	vm14 =	vge.f32 v4, $1.280000000e+02;
	v6 =	vadd.f32 $-1.740800000e+04, v6  }
0xb6: {  	vm2 =	vlt.f32 v3, $2.800000000e+02;
	vm0 =	vmand vm0, vm14;
	vm14 =	vlt.f32 v59, $0.0e+00  }
0xb7: {  	vm0 =	vmand vm0, vm2;
	vm2 =	vlt.f32 v4, $2.720000000e+02;
	v3 =	vtrunc.f32 v6  }
0xb8: {  	vm14 =	vmand vm14, vm15;
	vm0 =	vmand vm2, vm0;
	v3 =	vcvt.f32.s32 v3  }
0xb9: {  	vm15 =	vmand vm14, vm0  }
0xba: {  	v3 =	vnsel vm15, $0x0, v3;
	_ =	sdelay $0x4  }
0xbb: {  	[tilespmem:v3+s20+$0x0] =	vst.idx.add.f32.msk vm15, v1  }
0xbc: {  	v3 =	vld [tilespmem:s8+$0x1070];
	_ =	sdelay $0x1  }
0xbd: {  	v61 =	vld [tilespmem:s8+$0x70];
	_ =	sdelay $0x2  }
0xbe: {  	v3 =	vmul.f32 v3, v0;
	_ =	sdelay $0x1  }
0xbf: {  	v4 =	vmul.f32 v61, v0;
	v3 =	vadd.f32 $2.000000000e+02, v3;
	_ =	sdelay $0x1  }
0xc0: {  	v7 =	vld [tilespmem:$0x1FFF0];
	v4 =	vadd.f32 $2.000000000e+02, v4;
	v3 =	vadd.f32 $1.258291200e+07, v3;
	_ =	sdelay $0x1  }
0xc1: {  	v62 =	vld [tilespmem:s8+$0x870];
	v4 =	vadd.f32 $1.258291200e+07, v4;
	v3 =	vadd.f32 $-1.258291200e+07, v3;
	_ =	sdelay $0x1  }
0xc2: {  	v4 =	vadd.f32 $-1.258291200e+07, v4;
	v63 =	vmul.f32 $1.440000000e+02, v3  }
0xc3: {  	vm0 =	vnez.u8 v7  }
0xc4: {  	vm2 =	vmxor vm4, vm5;
	vm0 =	vmxor vm0, vm3;
	v6 =	vadd.f32 v63, v4  }
0xc5: {  	vm0 =	vmor vm0, vm2;
	vm5 =	vgt.f32 v62, $-1.000000000e+00;
	vm2 =	vge.f32 v3, $1.200000000e+02  }
0xc6: {  	vm3 =	vge.f32 v4, $1.280000000e+02;
	vm4 =	vlt.f32 v3, $2.800000000e+02;
	v3 =	vadd.f32 $-1.740800000e+04, v6  }
0xc7: {  	vm2 =	vmand vm2, vm3;
	vm3 =	vmxor vm6, vm7;
	vm6 =	vlt.f32 v4, $2.720000000e+02  }
0xc8: {  	vm2 =	vmand vm2, vm4;
	vm4 =	vlt.f32 v62, $0.0e+00;
	v3 =	vtrunc.f32 v3  }
0xc9: {  	vm4 =	vmand vm4, vm5;
	vm2 =	vmand vm6, vm2;
	v3 =	vcvt.f32.s32 v3  }
0xca: {  	vm0 =	vmor vm0, vm3;
	vm3 =	vmxor vm8, vm9;
	vm2 =	vmand vm4, vm2  }
0xcb: {  	p0 =	sne.s32 s7, $0x1E00;
	vm0 =	vmor vm0, vm3;
	vm3 =	vmxor vm10, vm11;
	v3 =	vnsel vm2, $0x0, v3  }
.Ltmp3:
0xcc: {  	vm0 =	vmor vm0, vm3;
	vm3 =	vmxor vm12, vm13;
	(pc) =	sbr.rel @p0 .LBB2_5-.Ltmp3, $4  }
0xcd: {  	vm0 =	vmor vm0, vm3;
	vm3 =	vmxor vm14, vm15  }
0xce: {  	vm0 =	vmor vm0, vm3;
	vm3 =	vmxor vm4, vm2  }
0xcf: {  	vm0 =	vmor vm0, vm3  }
0xd0: {  	s7 =	sadd.s32 $0x200, s7;
	vm1 =	vmor vm1, vm0;
	[tilespmem:v3+s20+$0x0] =	vst.idx.add.f32.msk vm2, v1  }
0xd1: {  	v3 =	vsel vm1, $0x3F800000, v2  }
0xd2: {  	(xrf0) =	vmax.scan.msk.f32 $0xffff, v3;
	_ =	sdelay $0x5  }
0xd3: {  	v3, _, _ =	vpop (xrf0)  }
0xd4: {  	(v2sf) =	vpush v3, $0xF;
	_ =	sdelay $0xe  }
0xd5: {  	s7 =	spop (v2sf)  }
0xd6: {  	p0 =	sgt.f32 s7, $0.0e+00  }
.Ltmp4:
0xd7: {  	_ = 	snop;
	(pc) =	sbr.rel @!p0 .LBB2_8-.Ltmp4, $2  }
0xd8: {  	_ =	sdelay $0x2  }
0xd9: {  	s7 =	simm.s32 $0x0  }
.LBB2_7:
0xda: {  	s8 =	sshra.s32 s7, $0x2  }
0xdb: {  	v3 =	vld [tilespmem:s8+$0x0]  }
0xdc: {  	v4 =	vld [tilespmem:s8+$0x1000];
	_ =	sdelay $0x4  }
0xdd: {  	v4 =	vmul.f32 v4, v0;
	v3 =	vmul.f32 v3, v0;
	_ =	sdelay $0x1  }
0xde: {  	v5 =	vld [tilespmem:s8+$0x800];
	v4 =	vadd.f32 $2.000000000e+02, v4;
	v3 =	vadd.f32 $2.000000000e+02, v3;
	_ =	sdelay $0x1  }
0xdf: {  	v4 =	vadd.f32 $1.258291200e+07, v4;
	v3 =	vadd.f32 $1.258291200e+07, v3;
	_ =	sdelay $0x1  }
0xe0: {  	v4 =	vadd.f32 $-1.258291200e+07, v4;
	v3 =	vadd.f32 $-1.258291200e+07, v3  }
0xe1: {  	vm0 =	vlt.f32 v5, $0.0e+00;
	vm1 =	vgt.f32 v5, $-1.000000000e+00  }
0xe2: {  	vm0 =	vmand vm0, vm1;
	vm11 =	vge.f32 v4, $1.200000000e+02;
	vm2 =	vge.f32 v3, $1.280000000e+02  }
0xe3: {  	vm3 =	vlt.f32 v4, $2.800000000e+02;
	v34 =	vmul.f32 $4.000000000e+02, v4;
	vm12 =	vge.f32 v4, $0.0e+00  }
0xe4: {  	vm13 =	vge.f32 v3, $0.0e+00;
	vm4 =	vle.f32 v4, $3.990000000e+02;
	vm14 =	vlt.f32 v3, $2.720000000e+02  }
0xe5: {  	vm1 =	vmneg vm11;
	vm2 =	vmneg vm2;
	vm3 =	vmneg vm3  }
0xe6: {  	vm1 =	vmor vm1, vm2;
	vm2 =	vmand vm12, vm13;
	v35 =	vadd.f32 v34, v3  }
0xe7: {  	vm15 =	vle.f32 v3, $3.990000000e+02;
	vm1 =	vmor vm1, vm3;
	vm2 =	vmand vm2, vm4  }
0xe8: {  	vm3 =	vmneg vm14;
	vm2 =	vmand vm15, vm2;
	v3 =	vtrunc.f32 v35  }
0xe9: {  	vm1 =	vmor vm3, vm1;
	vm0 =	vmand vm0, vm2;
	v3 =	vcvt.f32.s32 v3  }
0xea: {  	vm0 =	vmand vm1, vm0  }
0xeb: {  	v3 =	vnsel vm0, $0x27100, v3  }
0xec: {  	[tilespmem:$0x3000] =	vst v3  }
0xed: {  	v3 =	vld [tilespmem:s8+$0x10]  }
0xee: {  	v36 =	vld [tilespmem:s8+$0x1010];
	_ =	sdelay $0x4  }
0xef: {  	v4 =	vmul.f32 v36, v0;
	v3 =	vmul.f32 v3, v0;
	_ =	sdelay $0x1  }
0xf0: {  	v37 =	vld [tilespmem:s8+$0x810];
	v4 =	vadd.f32 $2.000000000e+02, v4;
	v3 =	vadd.f32 $2.000000000e+02, v3;
	_ =	sdelay $0x1  }
0xf1: {  	v4 =	vadd.f32 $1.258291200e+07, v4;
	v3 =	vadd.f32 $1.258291200e+07, v3;
	_ =	sdelay $0x1  }
0xf2: {  	v4 =	vadd.f32 $-1.258291200e+07, v4;
	v3 =	vadd.f32 $-1.258291200e+07, v3  }
0xf3: {  	vm6 =	vlt.f32 v37, $0.0e+00;
	vm7 =	vgt.f32 v37, $-1.000000000e+00  }
0xf4: {  	vm0 =	vmand vm6, vm7;
	vm8 =	vge.f32 v4, $1.200000000e+02;
	vm9 =	vge.f32 v3, $1.280000000e+02  }
0xf5: {  	vm10 =	vlt.f32 v4, $2.800000000e+02;
	v38 =	vmul.f32 $4.000000000e+02, v4;
	vm11 =	vge.f32 v4, $0.0e+00  }
0xf6: {  	vm12 =	vge.f32 v3, $0.0e+00;
	vm13 =	vle.f32 v4, $3.990000000e+02;
	vm14 =	vlt.f32 v3, $2.720000000e+02  }
0xf7: {  	vm1 =	vmneg vm8;
	vm2 =	vmneg vm9;
	vm3 =	vmneg vm10  }
0xf8: {  	vm1 =	vmor vm1, vm2;
	vm2 =	vmand vm11, vm12;
	v39 =	vadd.f32 v38, v3  }
0xf9: {  	vm15 =	vle.f32 v3, $3.990000000e+02;
	vm1 =	vmor vm1, vm3;
	vm2 =	vmand vm2, vm13  }
0xfa: {  	vm3 =	vmneg vm14;
	vm2 =	vmand vm15, vm2;
	v3 =	vtrunc.f32 v39  }
0xfb: {  	vm1 =	vmor vm3, vm1;
	vm0 =	vmand vm0, vm2;
	v3 =	vcvt.f32.s32 v3  }
0xfc: {  	vm0 =	vmand vm1, vm0  }
0xfd: {  	v3 =	vnsel vm0, $0x27100, v3  }
0xfe: {  	[tilespmem:$0x3010] =	vst v3  }
0xff: {  	v3 =	vld [tilespmem:s8+$0x20]  }
0x100: {  	v40 =	vld [tilespmem:s8+$0x1020];
	_ =	sdelay $0x4  }
0x101: {  	v4 =	vmul.f32 v40, v0;
	v3 =	vmul.f32 v3, v0;
	_ =	sdelay $0x1  }
0x102: {  	v41 =	vld [tilespmem:s8+$0x820];
	v4 =	vadd.f32 $2.000000000e+02, v4;
	v3 =	vadd.f32 $2.000000000e+02, v3;
	_ =	sdelay $0x1  }
0x103: {  	v4 =	vadd.f32 $1.258291200e+07, v4;
	v3 =	vadd.f32 $1.258291200e+07, v3;
	_ =	sdelay $0x1  }
0x104: {  	v4 =	vadd.f32 $-1.258291200e+07, v4;
	v3 =	vadd.f32 $-1.258291200e+07, v3  }
0x105: {  	vm6 =	vlt.f32 v41, $0.0e+00;
	vm7 =	vgt.f32 v41, $-1.000000000e+00  }
0x106: {  	vm0 =	vmand vm6, vm7;
	vm8 =	vge.f32 v4, $1.200000000e+02;
	vm9 =	vge.f32 v3, $1.280000000e+02  }
0x107: {  	vm10 =	vlt.f32 v4, $2.800000000e+02;
	v42 =	vmul.f32 $4.000000000e+02, v4;
	vm11 =	vge.f32 v4, $0.0e+00  }
0x108: {  	vm12 =	vge.f32 v3, $0.0e+00;
	vm13 =	vle.f32 v4, $3.990000000e+02;
	vm14 =	vlt.f32 v3, $2.720000000e+02  }
0x109: {  	vm1 =	vmneg vm8;
	vm2 =	vmneg vm9;
	vm3 =	vmneg vm10  }
0x10a: {  	vm1 =	vmor vm1, vm2;
	vm2 =	vmand vm11, vm12;
	v43 =	vadd.f32 v42, v3  }
0x10b: {  	vm15 =	vle.f32 v3, $3.990000000e+02;
	vm1 =	vmor vm1, vm3;
	vm2 =	vmand vm2, vm13  }
0x10c: {  	vm3 =	vmneg vm14;
	vm2 =	vmand vm15, vm2;
	v3 =	vtrunc.f32 v43  }
0x10d: {  	vm1 =	vmor vm3, vm1;
	vm0 =	vmand vm0, vm2;
	v3 =	vcvt.f32.s32 v3  }
0x10e: {  	vm0 =	vmand vm1, vm0  }
0x10f: {  	v3 =	vnsel vm0, $0x27100, v3  }
0x110: {  	[tilespmem:$0x3020] =	vst v3  }
0x111: {  	v3 =	vld [tilespmem:s8+$0x30]  }
0x112: {  	v44 =	vld [tilespmem:s8+$0x1030];
	_ =	sdelay $0x4  }
0x113: {  	v4 =	vmul.f32 v44, v0;
	v3 =	vmul.f32 v3, v0;
	_ =	sdelay $0x1  }
0x114: {  	v45 =	vld [tilespmem:s8+$0x830];
	v4 =	vadd.f32 $2.000000000e+02, v4;
	v3 =	vadd.f32 $2.000000000e+02, v3;
	_ =	sdelay $0x1  }
0x115: {  	v4 =	vadd.f32 $1.258291200e+07, v4;
	v3 =	vadd.f32 $1.258291200e+07, v3;
	_ =	sdelay $0x1  }
0x116: {  	v4 =	vadd.f32 $-1.258291200e+07, v4;
	v3 =	vadd.f32 $-1.258291200e+07, v3  }
0x117: {  	vm6 =	vlt.f32 v45, $0.0e+00;
	vm7 =	vgt.f32 v45, $-1.000000000e+00  }
0x118: {  	vm0 =	vmand vm6, vm7;
	vm8 =	vge.f32 v4, $1.200000000e+02;
	vm9 =	vge.f32 v3, $1.280000000e+02  }
0x119: {  	vm10 =	vlt.f32 v4, $2.800000000e+02;
	v46 =	vmul.f32 $4.000000000e+02, v4;
	vm11 =	vge.f32 v4, $0.0e+00  }
0x11a: {  	vm12 =	vge.f32 v3, $0.0e+00;
	vm13 =	vle.f32 v4, $3.990000000e+02;
	vm14 =	vlt.f32 v3, $2.720000000e+02  }
0x11b: {  	vm1 =	vmneg vm8;
	vm2 =	vmneg vm9;
	vm3 =	vmneg vm10  }
0x11c: {  	vm1 =	vmor vm1, vm2;
	vm2 =	vmand vm11, vm12;
	v47 =	vadd.f32 v46, v3  }
0x11d: {  	vm15 =	vle.f32 v3, $3.990000000e+02;
	vm1 =	vmor vm1, vm3;
	vm2 =	vmand vm2, vm13  }
0x11e: {  	vm3 =	vmneg vm14;
	vm2 =	vmand vm15, vm2;
	v3 =	vtrunc.f32 v47  }
0x11f: {  	vm1 =	vmor vm3, vm1;
	vm0 =	vmand vm0, vm2;
	v3 =	vcvt.f32.s32 v3  }
0x120: {  	vm0 =	vmand vm1, vm0  }
0x121: {  	v3 =	vnsel vm0, $0x27100, v3  }
0x122: {  	[tilespmem:$0x3030] =	vst v3  }
0x123: {  	v3 =	vld [tilespmem:s8+$0x40]  }
0x124: {  	v48 =	vld [tilespmem:s8+$0x1040];
	_ =	sdelay $0x4  }
0x125: {  	v4 =	vmul.f32 v48, v0;
	v3 =	vmul.f32 v3, v0;
	_ =	sdelay $0x1  }
0x126: {  	v49 =	vld [tilespmem:s8+$0x840];
	v4 =	vadd.f32 $2.000000000e+02, v4;
	v3 =	vadd.f32 $2.000000000e+02, v3;
	_ =	sdelay $0x1  }
0x127: {  	v4 =	vadd.f32 $1.258291200e+07, v4;
	v3 =	vadd.f32 $1.258291200e+07, v3;
	_ =	sdelay $0x1  }
0x128: {  	v4 =	vadd.f32 $-1.258291200e+07, v4;
	v3 =	vadd.f32 $-1.258291200e+07, v3  }
0x129: {  	vm6 =	vlt.f32 v49, $0.0e+00;
	vm7 =	vgt.f32 v49, $-1.000000000e+00  }
0x12a: {  	vm0 =	vmand vm6, vm7;
	vm8 =	vge.f32 v4, $1.200000000e+02;
	vm9 =	vge.f32 v3, $1.280000000e+02  }
0x12b: {  	vm10 =	vlt.f32 v4, $2.800000000e+02;
	v50 =	vmul.f32 $4.000000000e+02, v4;
	vm11 =	vge.f32 v4, $0.0e+00  }
0x12c: {  	vm12 =	vge.f32 v3, $0.0e+00;
	vm13 =	vle.f32 v4, $3.990000000e+02;
	vm14 =	vlt.f32 v3, $2.720000000e+02  }
0x12d: {  	vm1 =	vmneg vm8;
	vm2 =	vmneg vm9;
	vm3 =	vmneg vm10  }
0x12e: {  	vm1 =	vmor vm1, vm2;
	vm2 =	vmand vm11, vm12;
	v51 =	vadd.f32 v50, v3  }
0x12f: {  	vm15 =	vle.f32 v3, $3.990000000e+02;
	vm1 =	vmor vm1, vm3;
	vm2 =	vmand vm2, vm13  }
0x130: {  	vm3 =	vmneg vm14;
	vm2 =	vmand vm15, vm2;
	v3 =	vtrunc.f32 v51  }
0x131: {  	vm1 =	vmor vm3, vm1;
	vm0 =	vmand vm0, vm2;
	v3 =	vcvt.f32.s32 v3  }
0x132: {  	vm0 =	vmand vm1, vm0  }
0x133: {  	v3 =	vnsel vm0, $0x27100, v3  }
0x134: {  	[tilespmem:$0x3040] =	vst v3  }
0x135: {  	v3 =	vld [tilespmem:s8+$0x50]  }
0x136: {  	v52 =	vld [tilespmem:s8+$0x1050];
	_ =	sdelay $0x4  }
0x137: {  	v4 =	vmul.f32 v52, v0;
	v3 =	vmul.f32 v3, v0;
	_ =	sdelay $0x1  }
0x138: {  	v53 =	vld [tilespmem:s8+$0x850];
	v4 =	vadd.f32 $2.000000000e+02, v4;
	v3 =	vadd.f32 $2.000000000e+02, v3;
	_ =	sdelay $0x1  }
0x139: {  	v4 =	vadd.f32 $1.258291200e+07, v4;
	v3 =	vadd.f32 $1.258291200e+07, v3;
	_ =	sdelay $0x1  }
0x13a: {  	v4 =	vadd.f32 $-1.258291200e+07, v4;
	v3 =	vadd.f32 $-1.258291200e+07, v3  }
0x13b: {  	vm6 =	vlt.f32 v53, $0.0e+00;
	vm7 =	vgt.f32 v53, $-1.000000000e+00  }
0x13c: {  	vm0 =	vmand vm6, vm7;
	vm8 =	vge.f32 v4, $1.200000000e+02;
	vm9 =	vge.f32 v3, $1.280000000e+02  }
0x13d: {  	vm10 =	vlt.f32 v4, $2.800000000e+02;
	v54 =	vmul.f32 $4.000000000e+02, v4;
	vm11 =	vge.f32 v4, $0.0e+00  }
0x13e: {  	vm12 =	vge.f32 v3, $0.0e+00;
	vm13 =	vle.f32 v4, $3.990000000e+02;
	vm14 =	vlt.f32 v3, $2.720000000e+02  }
0x13f: {  	vm1 =	vmneg vm8;
	vm2 =	vmneg vm9;
	vm3 =	vmneg vm10  }
0x140: {  	vm1 =	vmor vm1, vm2;
	vm2 =	vmand vm11, vm12;
	v55 =	vadd.f32 v54, v3  }
0x141: {  	vm15 =	vle.f32 v3, $3.990000000e+02;
	vm1 =	vmor vm1, vm3;
	vm2 =	vmand vm2, vm13  }
0x142: {  	vm3 =	vmneg vm14;
	vm2 =	vmand vm15, vm2;
	v3 =	vtrunc.f32 v55  }
0x143: {  	vm1 =	vmor vm3, vm1;
	vm0 =	vmand vm0, vm2;
	v3 =	vcvt.f32.s32 v3  }
0x144: {  	vm0 =	vmand vm1, vm0  }
0x145: {  	v3 =	vnsel vm0, $0x27100, v3  }
0x146: {  	[tilespmem:$0x3050] =	vst v3  }
0x147: {  	v3 =	vld [tilespmem:s8+$0x60]  }
0x148: {  	v56 =	vld [tilespmem:s8+$0x1060];
	_ =	sdelay $0x4  }
0x149: {  	v4 =	vmul.f32 v56, v0;
	v3 =	vmul.f32 v3, v0;
	_ =	sdelay $0x1  }
0x14a: {  	v57 =	vld [tilespmem:s8+$0x860];
	v4 =	vadd.f32 $2.000000000e+02, v4;
	v3 =	vadd.f32 $2.000000000e+02, v3;
	_ =	sdelay $0x1  }
0x14b: {  	v4 =	vadd.f32 $1.258291200e+07, v4;
	v3 =	vadd.f32 $1.258291200e+07, v3;
	_ =	sdelay $0x1  }
0x14c: {  	v4 =	vadd.f32 $-1.258291200e+07, v4;
	v3 =	vadd.f32 $-1.258291200e+07, v3  }
0x14d: {  	vm6 =	vlt.f32 v57, $0.0e+00;
	vm7 =	vgt.f32 v57, $-1.000000000e+00  }
0x14e: {  	vm0 =	vmand vm6, vm7;
	vm8 =	vge.f32 v4, $1.200000000e+02;
	vm9 =	vge.f32 v3, $1.280000000e+02  }
0x14f: {  	vm10 =	vlt.f32 v4, $2.800000000e+02;
	v58 =	vmul.f32 $4.000000000e+02, v4;
	vm11 =	vge.f32 v4, $0.0e+00  }
0x150: {  	vm12 =	vge.f32 v3, $0.0e+00;
	vm13 =	vle.f32 v4, $3.990000000e+02;
	vm14 =	vlt.f32 v3, $2.720000000e+02  }
0x151: {  	vm1 =	vmneg vm8;
	vm2 =	vmneg vm9;
	vm3 =	vmneg vm10  }
0x152: {  	vm1 =	vmor vm1, vm2;
	vm2 =	vmand vm11, vm12;
	v59 =	vadd.f32 v58, v3  }
0x153: {  	vm15 =	vle.f32 v3, $3.990000000e+02;
	vm1 =	vmor vm1, vm3;
	vm2 =	vmand vm2, vm13  }
0x154: {  	vm3 =	vmneg vm14;
	vm2 =	vmand vm15, vm2;
	v3 =	vtrunc.f32 v59  }
0x155: {  	vm1 =	vmor vm3, vm1;
	vm0 =	vmand vm0, vm2;
	v3 =	vcvt.f32.s32 v3  }
0x156: {  	vm0 =	vmand vm1, vm0  }
0x157: {  	v3 =	vnsel vm0, $0x27100, v3  }
0x158: {  	[tilespmem:$0x3060] =	vst v3  }
0x159: {  	v3 =	vld [tilespmem:s8+$0x70]  }
0x15a: {  	v60 =	vld [tilespmem:s8+$0x1070];
	_ =	sdelay $0x4  }
0x15b: {  	v4 =	vmul.f32 v60, v0;
	v3 =	vmul.f32 v3, v0;
	_ =	sdelay $0x1  }
0x15c: {  	v61 =	vld [tilespmem:s8+$0x870];
	v4 =	vadd.f32 $2.000000000e+02, v4;
	v3 =	vadd.f32 $2.000000000e+02, v3;
	_ =	sdelay $0x1  }
0x15d: {  	v4 =	vadd.f32 $1.258291200e+07, v4;
	v3 =	vadd.f32 $1.258291200e+07, v3;
	_ =	sdelay $0x1  }
0x15e: {  	v4 =	vadd.f32 $-1.258291200e+07, v4;
	v3 =	vadd.f32 $-1.258291200e+07, v3  }
0x15f: {  	vm6 =	vlt.f32 v61, $0.0e+00;
	vm7 =	vgt.f32 v61, $-1.000000000e+00  }
0x160: {  	vm0 =	vmand vm6, vm7;
	vm8 =	vge.f32 v4, $1.200000000e+02;
	vm9 =	vge.f32 v3, $1.280000000e+02  }
0x161: {  	vm10 =	vlt.f32 v4, $2.800000000e+02;
	v62 =	vmul.f32 $4.000000000e+02, v4;
	vm11 =	vge.f32 v4, $0.0e+00  }
0x162: {  	vm12 =	vge.f32 v3, $0.0e+00;
	vm13 =	vle.f32 v4, $3.990000000e+02;
	vm14 =	vlt.f32 v3, $2.720000000e+02  }
0x163: {  	vm1 =	vmneg vm8;
	vm2 =	vmneg vm9;
	vm3 =	vmneg vm10  }
0x164: {  	vm1 =	vmor vm1, vm2;
	vm2 =	vmand vm11, vm12;
	v63 =	vadd.f32 v62, v3  }
0x165: {  	vm15 =	vle.f32 v3, $3.990000000e+02;
	vm1 =	vmor vm1, vm3;
	vm2 =	vmand vm2, vm13  }
0x166: {  	vm3 =	vmneg vm14;
	vm2 =	vmand vm15, vm2;
	v3 =	vtrunc.f32 v63  }
0x167: {  	vm1 =	vmor vm3, vm1;
	vm0 =	vmand vm0, vm2;
	v3 =	vcvt.f32.s32 v3  }
0x168: {  	vm0 =	vmand vm1, vm0  }
0x169: {  	p0 =	sne.s32 s7, $0x1E00;
	v3 =	vnsel vm0, $0x27100, v3  }
.Ltmp5:
0x16a: {  	[tilespmem:$0x3070] =	vst v3;
	(pc) =	sbr.rel @p0 .LBB2_7-.Ltmp5, $4  }
0x16b: {  	[spmem:s2] =	stream.indirect.scatter.add.f32 [tilespmem:s31], [sflag:$0x3], $0x1, s30, s29, $0xb8;
	[tilespmem:$0xD940] =	vst v63  }
0x16c: {  	_ =	swait.ge [sflag:s21], $0x80  }
0x16d: {  	[sflag:s21] =	ssyncset.done $0x0  }
0x16e: {  	s7 =	sadd.s32 $0x200, s7;
	[sflag:s21] =	ssyncadd.s32 $0xFFFFFF80  }
.LBB2_8:
0x16f: {  	s7 =	sshll.u32 s23, $0xC;
	p0 =	seq.s32 s23, $0x7  }
0x170: {  	s8 =	sadd.s32 @!p0 s7, s14  }
0x171: {  	s8 =	sshrl.u32 @!p0 s8, $0x3  }
0x172: {  	s10 =	simm.s32 @!p0 $0x0;
	s9 =	sadd.s32 @!p0 s4, s8  }
0x173: {  	[tilespmem:s10], [sflag:$0x1] =	stream.linear.gather @!p0 [hbm4b:s9+s10], $0x800, $0x38;
	[tilespmem:$0xD940] =	vst v63  }
0x174: {  	s11 =	simm.s32 @!p0 $0x800;
	s9 =	sadd.s32 @!p0 s5, s8  }
0x175: {  	[tilespmem:s11], [sflag:$0x1] =	stream.linear.gather @!p0 [hbm4b:s9+s10], $0x800, $0x38;
	[tilespmem:$0xD940] =	vst v63  }
0x176: {  	s8 =	sadd.s32 @!p0 s6, s8;
	s9 =	simm.s32 @!p0 $0x1000  }
0x177: {  	[tilespmem:s9], [sflag:$0x1] =	stream.linear.gather @!p0 [hbm4b:s8+s10], $0x800, $0x38;
	[tilespmem:$0xD940] =	vst v63  }
0x178: {  	_ =	swait.ge [sflag:s0], $0x800  }
0x179: {  	[sflag:s0] =	ssyncset.done $0x0  }
0x17a: {  	[sflag:s0] =	ssyncadd.s32 $0xFFFFF800  }
0x17b: {  	_ =	swait.ge [sflag:s0], $0x800  }
0x17c: {  	[sflag:s0] =	ssyncset.done $0x0  }
0x17d: {  	[sflag:s0] =	ssyncadd.s32 $0xFFFFF800  }
0x17e: {  	_ =	swait.ge [sflag:s0], $0x800  }
0x17f: {  	[sflag:s0] =	ssyncset.done $0x0  }
0x180: {  	vm1 =	vmxor vm1, vm1;
	s8 =	simm.s32 $0x0;
	[sflag:s0] =	ssyncadd.s32 $0xFFFFF800  }
.LBB2_9:
0x181: {  	s9 =	sshra.s32 s8, $0x2  }
0x182: {  	v3 =	vld [tilespmem:s9+$0x2800];
	_ =	sdelay $0x1  }
0x183: {  	v4 =	vld [tilespmem:s9+$0x1800];
	_ =	sdelay $0x2  }
0x184: {  	v3 =	vmul.f32 v3, v0;
	_ =	sdelay $0x1  }
0x185: {  	v4 =	vmul.f32 v4, v0;
	v3 =	vadd.f32 $2.000000000e+02, v3;
	_ =	sdelay $0x1  }
0x186: {  	v4 =	vadd.f32 $2.000000000e+02, v4;
	v3 =	vadd.f32 $1.258291200e+07, v3;
	_ =	sdelay $0x1  }
0x187: {  	v5 =	vld [tilespmem:s9+$0x2000];
	v4 =	vadd.f32 $1.258291200e+07, v4;
	v3 =	vadd.f32 $-1.258291200e+07, v3;
	_ =	sdelay $0x1  }
0x188: {  	v4 =	vadd.f32 $-1.258291200e+07, v4;
	v6 =	vmul.f32 $1.440000000e+02, v3;
	_ =	sdelay $0x1  }
0x189: {  	v6 =	vadd.f32 v6, v4  }
0x18a: {  	vm0 =	vlt.f32 v5, $0.0e+00  }
0x18b: {  	vm2 =	vge.f32 v3, $1.200000000e+02;
	vm3 =	vge.f32 v4, $1.280000000e+02;
	v6 =	vadd.f32 $-1.740800000e+04, v6  }
0x18c: {  	vm4 =	vgt.f32 v5, $-1.000000000e+00;
	vm5 =	vlt.f32 v3, $2.800000000e+02;
	vm2 =	vmand vm2, vm3  }
0x18d: {  	vm10 =	vlt.f32 v4, $2.720000000e+02;
	vm3 =	vmand vm2, vm5;
	v3 =	vtrunc.f32 v6  }
0x18e: {  	vm2 =	vmand vm0, vm4;
	vm0 =	vmand vm10, vm3;
	v3 =	vcvt.f32.s32 v3  }
0x18f: {  	vm3 =	vmand vm2, vm0  }
0x190: {  	v3 =	vnsel vm3, $0x0, v3;
	_ =	sdelay $0x4  }
0x191: {  	[tilespmem:v3+s20+$0x0] =	vst.idx.add.f32.msk vm3, v1  }
0x192: {  	v3 =	vld [tilespmem:s9+$0x2810];
	_ =	sdelay $0x1  }
0x193: {  	v43 =	vld [tilespmem:s9+$0x1810];
	_ =	sdelay $0x2  }
0x194: {  	v42 =	vimm.s32 $0x0;
	v3 =	vmul.f32 v3, v0  }
0x195: {  	v4 =	vsel vm2, $0xFFFFFFFF, v42  }
0x196: {  	[tilespmem:$0x1FFE0] =	vst v4;
	v4 =	vmul.f32 v43, v0;
	v3 =	vadd.f32 $2.000000000e+02, v3;
	_ =	sdelay $0x1  }
0x197: {  	v4 =	vadd.f32 $2.000000000e+02, v4;
	v3 =	vadd.f32 $1.258291200e+07, v3;
	_ =	sdelay $0x1  }
0x198: {  	v44 =	vld [tilespmem:s9+$0x2010];
	v4 =	vadd.f32 $1.258291200e+07, v4;
	v3 =	vadd.f32 $-1.258291200e+07, v3;
	_ =	sdelay $0x1  }
0x199: {  	v4 =	vadd.f32 $-1.258291200e+07, v4;
	v45 =	vmul.f32 $1.440000000e+02, v3;
	_ =	sdelay $0x1  }
0x19a: {  	v6 =	vadd.f32 v45, v4  }
0x19b: {  	vm0 =	vlt.f32 v44, $0.0e+00  }
0x19c: {  	vm11 =	vge.f32 v3, $1.200000000e+02;
	vm12 =	vge.f32 v4, $1.280000000e+02;
	v6 =	vadd.f32 $-1.740800000e+04, v6  }
0x19d: {  	vm6 =	vgt.f32 v44, $-1.000000000e+00;
	vm7 =	vlt.f32 v3, $2.800000000e+02;
	vm4 =	vmand vm11, vm12  }
0x19e: {  	vm13 =	vlt.f32 v4, $2.720000000e+02;
	vm5 =	vmand vm4, vm7;
	v3 =	vtrunc.f32 v6  }
0x19f: {  	vm4 =	vmand vm0, vm6;
	vm0 =	vmand vm13, vm5;
	v3 =	vcvt.f32.s32 v3  }
0x1a0: {  	vm5 =	vmand vm4, vm0  }
0x1a1: {  	v3 =	vnsel vm5, $0x0, v3;
	_ =	sdelay $0x4  }
0x1a2: {  	[tilespmem:v3+s20+$0x0] =	vst.idx.add.f32.msk vm5, v1  }
0x1a3: {  	v3 =	vld [tilespmem:s9+$0x2820];
	_ =	sdelay $0x1  }
0x1a4: {  	v46 =	vld [tilespmem:s9+$0x1820];
	_ =	sdelay $0x2  }
0x1a5: {  	v3 =	vmul.f32 v3, v0;
	_ =	sdelay $0x1  }
0x1a6: {  	v4 =	vmul.f32 v46, v0;
	v3 =	vadd.f32 $2.000000000e+02, v3;
	_ =	sdelay $0x1  }
0x1a7: {  	v4 =	vadd.f32 $2.000000000e+02, v4;
	v3 =	vadd.f32 $1.258291200e+07, v3;
	_ =	sdelay $0x1  }
0x1a8: {  	v47 =	vld [tilespmem:s9+$0x2020];
	v4 =	vadd.f32 $1.258291200e+07, v4;
	v3 =	vadd.f32 $-1.258291200e+07, v3;
	_ =	sdelay $0x1  }
0x1a9: {  	v4 =	vadd.f32 $-1.258291200e+07, v4;
	v48 =	vmul.f32 $1.440000000e+02, v3;
	_ =	sdelay $0x1  }
0x1aa: {  	v6 =	vadd.f32 v48, v4  }
0x1ab: {  	vm0 =	vlt.f32 v47, $0.0e+00  }
0x1ac: {  	vm14 =	vge.f32 v3, $1.200000000e+02;
	vm15 =	vge.f32 v4, $1.280000000e+02;
	v6 =	vadd.f32 $-1.740800000e+04, v6  }
0x1ad: {  	vm8 =	vgt.f32 v47, $-1.000000000e+00;
	vm9 =	vlt.f32 v3, $2.800000000e+02;
	vm6 =	vmand vm14, vm15  }
0x1ae: {  	vm12 =	vlt.f32 v4, $2.720000000e+02;
	vm7 =	vmand vm6, vm9;
	v3 =	vtrunc.f32 v6  }
0x1af: {  	vm6 =	vmand vm0, vm8;
	vm0 =	vmand vm12, vm7;
	v3 =	vcvt.f32.s32 v3  }
0x1b0: {  	vm7 =	vmand vm6, vm0  }
0x1b1: {  	v3 =	vnsel vm7, $0x0, v3;
	_ =	sdelay $0x4  }
0x1b2: {  	[tilespmem:v3+s20+$0x0] =	vst.idx.add.f32.msk vm7, v1  }
0x1b3: {  	v3 =	vld [tilespmem:s9+$0x2830];
	_ =	sdelay $0x1  }
0x1b4: {  	v49 =	vld [tilespmem:s9+$0x1830];
	_ =	sdelay $0x2  }
0x1b5: {  	v3 =	vmul.f32 v3, v0;
	_ =	sdelay $0x1  }
0x1b6: {  	v4 =	vmul.f32 v49, v0;
	v3 =	vadd.f32 $2.000000000e+02, v3;
	_ =	sdelay $0x1  }
0x1b7: {  	v4 =	vadd.f32 $2.000000000e+02, v4;
	v3 =	vadd.f32 $1.258291200e+07, v3;
	_ =	sdelay $0x1  }
0x1b8: {  	v50 =	vld [tilespmem:s9+$0x2030];
	v4 =	vadd.f32 $1.258291200e+07, v4;
	v3 =	vadd.f32 $-1.258291200e+07, v3;
	_ =	sdelay $0x1  }
0x1b9: {  	v4 =	vadd.f32 $-1.258291200e+07, v4;
	v51 =	vmul.f32 $1.440000000e+02, v3;
	_ =	sdelay $0x1  }
0x1ba: {  	v6 =	vadd.f32 v51, v4  }
0x1bb: {  	vm0 =	vlt.f32 v50, $0.0e+00  }
0x1bc: {  	vm13 =	vge.f32 v3, $1.200000000e+02;
	vm14 =	vge.f32 v4, $1.280000000e+02;
	v6 =	vadd.f32 $-1.740800000e+04, v6  }
0x1bd: {  	vm10 =	vgt.f32 v50, $-1.000000000e+00;
	vm11 =	vlt.f32 v3, $2.800000000e+02;
	vm8 =	vmand vm13, vm14  }
0x1be: {  	vm15 =	vlt.f32 v4, $2.720000000e+02;
	vm9 =	vmand vm8, vm11;
	v3 =	vtrunc.f32 v6  }
0x1bf: {  	vm8 =	vmand vm0, vm10;
	vm0 =	vmand vm15, vm9;
	v3 =	vcvt.f32.s32 v3  }
0x1c0: {  	vm9 =	vmand vm8, vm0  }
0x1c1: {  	v3 =	vnsel vm9, $0x0, v3;
	_ =	sdelay $0x4  }
0x1c2: {  	[tilespmem:v3+s20+$0x0] =	vst.idx.add.f32.msk vm9, v1  }
0x1c3: {  	v3 =	vld [tilespmem:s9+$0x2840];
	_ =	sdelay $0x1  }
0x1c4: {  	v52 =	vld [tilespmem:s9+$0x1840];
	_ =	sdelay $0x2  }
0x1c5: {  	v3 =	vmul.f32 v3, v0;
	_ =	sdelay $0x1  }
0x1c6: {  	v4 =	vmul.f32 v52, v0;
	v3 =	vadd.f32 $2.000000000e+02, v3;
	_ =	sdelay $0x1  }
0x1c7: {  	v4 =	vadd.f32 $2.000000000e+02, v4;
	v3 =	vadd.f32 $1.258291200e+07, v3;
	_ =	sdelay $0x1  }
0x1c8: {  	v53 =	vld [tilespmem:s9+$0x2040];
	v4 =	vadd.f32 $1.258291200e+07, v4;
	v3 =	vadd.f32 $-1.258291200e+07, v3;
	_ =	sdelay $0x1  }
0x1c9: {  	v4 =	vadd.f32 $-1.258291200e+07, v4;
	v54 =	vmul.f32 $1.440000000e+02, v3;
	_ =	sdelay $0x1  }
0x1ca: {  	v6 =	vadd.f32 v54, v4  }
0x1cb: {  	vm0 =	vlt.f32 v53, $0.0e+00  }
0x1cc: {  	vm10 =	vge.f32 v3, $1.200000000e+02;
	vm11 =	vge.f32 v4, $1.280000000e+02;
	v6 =	vadd.f32 $-1.740800000e+04, v6  }
0x1cd: {  	vm12 =	vgt.f32 v53, $-1.000000000e+00;
	vm13 =	vlt.f32 v3, $2.800000000e+02;
	vm10 =	vmand vm10, vm11  }
0x1ce: {  	vm11 =	vmand vm10, vm13;
	vm13 =	vlt.f32 v4, $2.720000000e+02;
	v3 =	vtrunc.f32 v6  }
0x1cf: {  	vm10 =	vmand vm0, vm12;
	vm0 =	vmand vm13, vm11;
	v3 =	vcvt.f32.s32 v3  }
0x1d0: {  	vm11 =	vmand vm10, vm0  }
0x1d1: {  	v3 =	vnsel vm11, $0x0, v3;
	_ =	sdelay $0x4  }
0x1d2: {  	[tilespmem:v3+s20+$0x0] =	vst.idx.add.f32.msk vm11, v1  }
0x1d3: {  	v3 =	vld [tilespmem:s9+$0x2850];
	_ =	sdelay $0x1  }
0x1d4: {  	v55 =	vld [tilespmem:s9+$0x1850];
	_ =	sdelay $0x2  }
0x1d5: {  	v3 =	vmul.f32 v3, v0;
	_ =	sdelay $0x1  }
0x1d6: {  	v4 =	vmul.f32 v55, v0;
	v3 =	vadd.f32 $2.000000000e+02, v3;
	_ =	sdelay $0x1  }
0x1d7: {  	v4 =	vadd.f32 $2.000000000e+02, v4;
	v3 =	vadd.f32 $1.258291200e+07, v3;
	_ =	sdelay $0x1  }
0x1d8: {  	v56 =	vld [tilespmem:s9+$0x2050];
	v4 =	vadd.f32 $1.258291200e+07, v4;
	v3 =	vadd.f32 $-1.258291200e+07, v3;
	_ =	sdelay $0x1  }
0x1d9: {  	v4 =	vadd.f32 $-1.258291200e+07, v4;
	v57 =	vmul.f32 $1.440000000e+02, v3;
	_ =	sdelay $0x1  }
0x1da: {  	v6 =	vadd.f32 v57, v4  }
0x1db: {  	vm0 =	vlt.f32 v56, $0.0e+00  }
0x1dc: {  	vm12 =	vge.f32 v3, $1.200000000e+02;
	vm13 =	vge.f32 v4, $1.280000000e+02;
	v6 =	vadd.f32 $-1.740800000e+04, v6  }
0x1dd: {  	vm14 =	vgt.f32 v56, $-1.000000000e+00;
	vm15 =	vlt.f32 v3, $2.800000000e+02;
	vm12 =	vmand vm12, vm13  }
0x1de: {  	vm13 =	vmand vm12, vm15;
	vm15 =	vlt.f32 v4, $2.720000000e+02;
	v3 =	vtrunc.f32 v6  }
0x1df: {  	vm12 =	vmand vm0, vm14;
	vm0 =	vmand vm15, vm13;
	v3 =	vcvt.f32.s32 v3  }
0x1e0: {  	vm13 =	vmand vm12, vm0  }
0x1e1: {  	v3 =	vnsel vm13, $0x0, v3;
	_ =	sdelay $0x4  }
0x1e2: {  	[tilespmem:v3+s20+$0x0] =	vst.idx.add.f32.msk vm13, v1  }
0x1e3: {  	v3 =	vld [tilespmem:s9+$0x2860];
	_ =	sdelay $0x1  }
0x1e4: {  	v58 =	vld [tilespmem:s9+$0x1860];
	_ =	sdelay $0x2  }
0x1e5: {  	v3 =	vmul.f32 v3, v0;
	_ =	sdelay $0x1  }
0x1e6: {  	v4 =	vmul.f32 v58, v0;
	v3 =	vadd.f32 $2.000000000e+02, v3;
	_ =	sdelay $0x1  }
0x1e7: {  	v4 =	vadd.f32 $2.000000000e+02, v4;
	v3 =	vadd.f32 $1.258291200e+07, v3;
	_ =	sdelay $0x1  }
0x1e8: {  	v59 =	vld [tilespmem:s9+$0x2060];
	v4 =	vadd.f32 $1.258291200e+07, v4;
	v3 =	vadd.f32 $-1.258291200e+07, v3;
	_ =	sdelay $0x1  }
0x1e9: {  	v4 =	vadd.f32 $-1.258291200e+07, v4;
	v60 =	vmul.f32 $1.440000000e+02, v3;
	_ =	sdelay $0x1  }
0x1ea: {  	v6 =	vadd.f32 v60, v4  }
0x1eb: {  	vm15 =	vgt.f32 v59, $-1.000000000e+00  }
0x1ec: {  	vm0 =	vge.f32 v3, $1.200000000e+02;
	vm14 =	vge.f32 v4, $1.280000000e+02;
	v6 =	vadd.f32 $-1.740800000e+04, v6  }
0x1ed: {  	vm2 =	vlt.f32 v3, $2.800000000e+02;
	vm0 =	vmand vm0, vm14;
	vm14 =	vlt.f32 v59, $0.0e+00  }
0x1ee: {  	vm0 =	vmand vm0, vm2;
	vm2 =	vlt.f32 v4, $2.720000000e+02;
	v3 =	vtrunc.f32 v6  }
0x1ef: {  	vm14 =	vmand vm14, vm15;
	vm0 =	vmand vm2, vm0;
	v3 =	vcvt.f32.s32 v3  }
0x1f0: {  	vm15 =	vmand vm14, vm0  }
0x1f1: {  	v3 =	vnsel vm15, $0x0, v3;
	_ =	sdelay $0x4  }
0x1f2: {  	[tilespmem:v3+s20+$0x0] =	vst.idx.add.f32.msk vm15, v1  }
0x1f3: {  	v3 =	vld [tilespmem:s9+$0x2870];
	_ =	sdelay $0x1  }
0x1f4: {  	v61 =	vld [tilespmem:s9+$0x1870];
	_ =	sdelay $0x2  }
0x1f5: {  	v3 =	vmul.f32 v3, v0;
	_ =	sdelay $0x1  }
0x1f6: {  	v4 =	vmul.f32 v61, v0;
	v3 =	vadd.f32 $2.000000000e+02, v3;
	_ =	sdelay $0x1  }
0x1f7: {  	v7 =	vld [tilespmem:$0x1FFE0];
	v4 =	vadd.f32 $2.000000000e+02, v4;
	v3 =	vadd.f32 $1.258291200e+07, v3;
	_ =	sdelay $0x1  }
0x1f8: {  	v62 =	vld [tilespmem:s9+$0x2070];
	v4 =	vadd.f32 $1.258291200e+07, v4;
	v3 =	vadd.f32 $-1.258291200e+07, v3;
	_ =	sdelay $0x1  }
0x1f9: {  	v4 =	vadd.f32 $-1.258291200e+07, v4;
	v63 =	vmul.f32 $1.440000000e+02, v3  }
0x1fa: {  	vm0 =	vnez.u8 v7  }
0x1fb: {  	vm2 =	vmxor vm4, vm5;
	vm0 =	vmxor vm0, vm3;
	v6 =	vadd.f32 v63, v4  }
0x1fc: {  	vm0 =	vmor vm0, vm2;
	vm5 =	vgt.f32 v62, $-1.000000000e+00;
	vm2 =	vge.f32 v3, $1.200000000e+02  }
0x1fd: {  	vm3 =	vge.f32 v4, $1.280000000e+02;
	vm4 =	vlt.f32 v3, $2.800000000e+02;
	v3 =	vadd.f32 $-1.740800000e+04, v6  }
0x1fe: {  	vm2 =	vmand vm2, vm3;
	vm3 =	vmxor vm6, vm7;
	vm6 =	vlt.f32 v4, $2.720000000e+02  }
0x1ff: {  	vm2 =	vmand vm2, vm4;
	vm4 =	vlt.f32 v62, $0.0e+00;
	v3 =	vtrunc.f32 v3  }
0x200: {  	vm4 =	vmand vm4, vm5;
	vm2 =	vmand vm6, vm2;
	v3 =	vcvt.f32.s32 v3  }
0x201: {  	vm0 =	vmor vm0, vm3;
	vm3 =	vmxor vm8, vm9;
	vm2 =	vmand vm4, vm2  }
0x202: {  	p1 =	sne.s32 s8, $0x1E00;
	vm0 =	vmor vm0, vm3;
	vm3 =	vmxor vm10, vm11;
	v3 =	vnsel vm2, $0x0, v3  }
.Ltmp6:
0x203: {  	vm0 =	vmor vm0, vm3;
	vm3 =	vmxor vm12, vm13;
	(pc) =	sbr.rel @p1 .LBB2_9-.Ltmp6, $4  }
0x204: {  	vm0 =	vmor vm0, vm3;
	vm3 =	vmxor vm14, vm15  }
0x205: {  	vm0 =	vmor vm0, vm3;
	vm3 =	vmxor vm4, vm2  }
0x206: {  	vm0 =	vmor vm0, vm3  }
0x207: {  	s8 =	sadd.s32 $0x200, s8;
	vm1 =	vmor vm1, vm0;
	[tilespmem:v3+s20+$0x0] =	vst.idx.add.f32.msk vm2, v1  }
0x208: {  	v3 =	vsel vm1, $0x3F800000, v2  }
0x209: {  	(xrf0) =	vmax.scan.msk.f32 $0xffff, v3;
	_ =	sdelay $0x5  }
0x20a: {  	v3, _, _ =	vpop (xrf0)  }
0x20b: {  	(v2sf) =	vpush v3, $0xF;
	_ =	sdelay $0xe  }
0x20c: {  	s8 =	spop (v2sf)  }
0x20d: {  	p1 =	sgt.f32 s8, $0.0e+00  }
.Ltmp7:
0x20e: {  	_ = 	snop;
	(pc) =	sbr.rel @!p1 .LBB2_12-.Ltmp7, $2  }
0x20f: {  	_ =	sdelay $0x2  }
0x210: {  	s8 =	simm.s32 $0x0  }
.LBB2_11:
0x211: {  	s9 =	sshra.s32 s8, $0x2  }
0x212: {  	v3 =	vld [tilespmem:s9+$0x1800]  }
0x213: {  	v4 =	vld [tilespmem:s9+$0x2800];
	_ =	sdelay $0x4  }
0x214: {  	v4 =	vmul.f32 v4, v0;
	v3 =	vmul.f32 v3, v0;
	_ =	sdelay $0x1  }
0x215: {  	v5 =	vld [tilespmem:s9+$0x2000];
	v4 =	vadd.f32 $2.000000000e+02, v4;
	v3 =	vadd.f32 $2.000000000e+02, v3;
	_ =	sdelay $0x1  }
0x216: {  	v4 =	vadd.f32 $1.258291200e+07, v4;
	v3 =	vadd.f32 $1.258291200e+07, v3;
	_ =	sdelay $0x1  }
0x217: {  	v4 =	vadd.f32 $-1.258291200e+07, v4;
	v3 =	vadd.f32 $-1.258291200e+07, v3  }
0x218: {  	vm0 =	vlt.f32 v5, $0.0e+00;
	vm1 =	vgt.f32 v5, $-1.000000000e+00  }
0x219: {  	vm0 =	vmand vm0, vm1;
	vm11 =	vge.f32 v4, $1.200000000e+02;
	vm2 =	vge.f32 v3, $1.280000000e+02  }
0x21a: {  	vm3 =	vlt.f32 v4, $2.800000000e+02;
	v34 =	vmul.f32 $4.000000000e+02, v4;
	vm12 =	vge.f32 v4, $0.0e+00  }
0x21b: {  	vm13 =	vge.f32 v3, $0.0e+00;
	vm4 =	vle.f32 v4, $3.990000000e+02;
	vm14 =	vlt.f32 v3, $2.720000000e+02  }
0x21c: {  	vm1 =	vmneg vm11;
	vm2 =	vmneg vm2;
	vm3 =	vmneg vm3  }
0x21d: {  	vm1 =	vmor vm1, vm2;
	vm2 =	vmand vm12, vm13;
	v35 =	vadd.f32 v34, v3  }
0x21e: {  	vm15 =	vle.f32 v3, $3.990000000e+02;
	vm1 =	vmor vm1, vm3;
	vm2 =	vmand vm2, vm4  }
0x21f: {  	vm3 =	vmneg vm14;
	vm2 =	vmand vm15, vm2;
	v3 =	vtrunc.f32 v35  }
0x220: {  	vm1 =	vmor vm3, vm1;
	vm0 =	vmand vm0, vm2;
	v3 =	vcvt.f32.s32 v3  }
0x221: {  	vm0 =	vmand vm1, vm0  }
0x222: {  	v3 =	vnsel vm0, $0x27100, v3  }
0x223: {  	[tilespmem:$0x3000] =	vst v3  }
0x224: {  	v3 =	vld [tilespmem:s9+$0x1810]  }
0x225: {  	v36 =	vld [tilespmem:s9+$0x2810];
	_ =	sdelay $0x4  }
0x226: {  	v4 =	vmul.f32 v36, v0;
	v3 =	vmul.f32 v3, v0;
	_ =	sdelay $0x1  }
0x227: {  	v37 =	vld [tilespmem:s9+$0x2010];
	v4 =	vadd.f32 $2.000000000e+02, v4;
	v3 =	vadd.f32 $2.000000000e+02, v3;
	_ =	sdelay $0x1  }
0x228: {  	v4 =	vadd.f32 $1.258291200e+07, v4;
	v3 =	vadd.f32 $1.258291200e+07, v3;
	_ =	sdelay $0x1  }
0x229: {  	v4 =	vadd.f32 $-1.258291200e+07, v4;
	v3 =	vadd.f32 $-1.258291200e+07, v3  }
0x22a: {  	vm6 =	vlt.f32 v37, $0.0e+00;
	vm7 =	vgt.f32 v37, $-1.000000000e+00  }
0x22b: {  	vm0 =	vmand vm6, vm7;
	vm8 =	vge.f32 v4, $1.200000000e+02;
	vm9 =	vge.f32 v3, $1.280000000e+02  }
0x22c: {  	vm10 =	vlt.f32 v4, $2.800000000e+02;
	v38 =	vmul.f32 $4.000000000e+02, v4;
	vm11 =	vge.f32 v4, $0.0e+00  }
0x22d: {  	vm12 =	vge.f32 v3, $0.0e+00;
	vm13 =	vle.f32 v4, $3.990000000e+02;
	vm14 =	vlt.f32 v3, $2.720000000e+02  }
0x22e: {  	vm1 =	vmneg vm8;
	vm2 =	vmneg vm9;
	vm3 =	vmneg vm10  }
0x22f: {  	vm1 =	vmor vm1, vm2;
	vm2 =	vmand vm11, vm12;
	v39 =	vadd.f32 v38, v3  }
0x230: {  	vm15 =	vle.f32 v3, $3.990000000e+02;
	vm1 =	vmor vm1, vm3;
	vm2 =	vmand vm2, vm13  }
0x231: {  	vm3 =	vmneg vm14;
	vm2 =	vmand vm15, vm2;
	v3 =	vtrunc.f32 v39  }
0x232: {  	vm1 =	vmor vm3, vm1;
	vm0 =	vmand vm0, vm2;
	v3 =	vcvt.f32.s32 v3  }
0x233: {  	vm0 =	vmand vm1, vm0  }
0x234: {  	v3 =	vnsel vm0, $0x27100, v3  }
0x235: {  	[tilespmem:$0x3010] =	vst v3  }
0x236: {  	v3 =	vld [tilespmem:s9+$0x1820]  }
0x237: {  	v40 =	vld [tilespmem:s9+$0x2820];
	_ =	sdelay $0x4  }
0x238: {  	v4 =	vmul.f32 v40, v0;
	v3 =	vmul.f32 v3, v0;
	_ =	sdelay $0x1  }
0x239: {  	v41 =	vld [tilespmem:s9+$0x2020];
	v4 =	vadd.f32 $2.000000000e+02, v4;
	v3 =	vadd.f32 $2.000000000e+02, v3;
	_ =	sdelay $0x1  }
0x23a: {  	v4 =	vadd.f32 $1.258291200e+07, v4;
	v3 =	vadd.f32 $1.258291200e+07, v3;
	_ =	sdelay $0x1  }
0x23b: {  	v4 =	vadd.f32 $-1.258291200e+07, v4;
	v3 =	vadd.f32 $-1.258291200e+07, v3  }
0x23c: {  	vm6 =	vlt.f32 v41, $0.0e+00;
	vm7 =	vgt.f32 v41, $-1.000000000e+00  }
0x23d: {  	vm0 =	vmand vm6, vm7;
	vm8 =	vge.f32 v4, $1.200000000e+02;
	vm9 =	vge.f32 v3, $1.280000000e+02  }
0x23e: {  	vm10 =	vlt.f32 v4, $2.800000000e+02;
	v42 =	vmul.f32 $4.000000000e+02, v4;
	vm11 =	vge.f32 v4, $0.0e+00  }
0x23f: {  	vm12 =	vge.f32 v3, $0.0e+00;
	vm13 =	vle.f32 v4, $3.990000000e+02;
	vm14 =	vlt.f32 v3, $2.720000000e+02  }
0x240: {  	vm1 =	vmneg vm8;
	vm2 =	vmneg vm9;
	vm3 =	vmneg vm10  }
0x241: {  	vm1 =	vmor vm1, vm2;
	vm2 =	vmand vm11, vm12;
	v43 =	vadd.f32 v42, v3  }
0x242: {  	vm15 =	vle.f32 v3, $3.990000000e+02;
	vm1 =	vmor vm1, vm3;
	vm2 =	vmand vm2, vm13  }
0x243: {  	vm3 =	vmneg vm14;
	vm2 =	vmand vm15, vm2;
	v3 =	vtrunc.f32 v43  }
0x244: {  	vm1 =	vmor vm3, vm1;
	vm0 =	vmand vm0, vm2;
	v3 =	vcvt.f32.s32 v3  }
0x245: {  	vm0 =	vmand vm1, vm0  }
0x246: {  	v3 =	vnsel vm0, $0x27100, v3  }
0x247: {  	[tilespmem:$0x3020] =	vst v3  }
0x248: {  	v3 =	vld [tilespmem:s9+$0x1830]  }
0x249: {  	v44 =	vld [tilespmem:s9+$0x2830];
	_ =	sdelay $0x4  }
0x24a: {  	v4 =	vmul.f32 v44, v0;
	v3 =	vmul.f32 v3, v0;
	_ =	sdelay $0x1  }
0x24b: {  	v45 =	vld [tilespmem:s9+$0x2030];
	v4 =	vadd.f32 $2.000000000e+02, v4;
	v3 =	vadd.f32 $2.000000000e+02, v3;
	_ =	sdelay $0x1  }
0x24c: {  	v4 =	vadd.f32 $1.258291200e+07, v4;
	v3 =	vadd.f32 $1.258291200e+07, v3;
	_ =	sdelay $0x1  }
0x24d: {  	v4 =	vadd.f32 $-1.258291200e+07, v4;
	v3 =	vadd.f32 $-1.258291200e+07, v3  }
0x24e: {  	vm6 =	vlt.f32 v45, $0.0e+00;
	vm7 =	vgt.f32 v45, $-1.000000000e+00  }
0x24f: {  	vm0 =	vmand vm6, vm7;
	vm8 =	vge.f32 v4, $1.200000000e+02;
	vm9 =	vge.f32 v3, $1.280000000e+02  }
0x250: {  	vm10 =	vlt.f32 v4, $2.800000000e+02;
	v46 =	vmul.f32 $4.000000000e+02, v4;
	vm11 =	vge.f32 v4, $0.0e+00  }
0x251: {  	vm12 =	vge.f32 v3, $0.0e+00;
	vm13 =	vle.f32 v4, $3.990000000e+02;
	vm14 =	vlt.f32 v3, $2.720000000e+02  }
0x252: {  	vm1 =	vmneg vm8;
	vm2 =	vmneg vm9;
	vm3 =	vmneg vm10  }
0x253: {  	vm1 =	vmor vm1, vm2;
	vm2 =	vmand vm11, vm12;
	v47 =	vadd.f32 v46, v3  }
0x254: {  	vm15 =	vle.f32 v3, $3.990000000e+02;
	vm1 =	vmor vm1, vm3;
	vm2 =	vmand vm2, vm13  }
0x255: {  	vm3 =	vmneg vm14;
	vm2 =	vmand vm15, vm2;
	v3 =	vtrunc.f32 v47  }
0x256: {  	vm1 =	vmor vm3, vm1;
	vm0 =	vmand vm0, vm2;
	v3 =	vcvt.f32.s32 v3  }
0x257: {  	vm0 =	vmand vm1, vm0  }
0x258: {  	v3 =	vnsel vm0, $0x27100, v3  }
0x259: {  	[tilespmem:$0x3030] =	vst v3  }
0x25a: {  	v3 =	vld [tilespmem:s9+$0x1840]  }
0x25b: {  	v48 =	vld [tilespmem:s9+$0x2840];
	_ =	sdelay $0x4  }
0x25c: {  	v4 =	vmul.f32 v48, v0;
	v3 =	vmul.f32 v3, v0;
	_ =	sdelay $0x1  }
0x25d: {  	v49 =	vld [tilespmem:s9+$0x2040];
	v4 =	vadd.f32 $2.000000000e+02, v4;
	v3 =	vadd.f32 $2.000000000e+02, v3;
	_ =	sdelay $0x1  }
0x25e: {  	v4 =	vadd.f32 $1.258291200e+07, v4;
	v3 =	vadd.f32 $1.258291200e+07, v3;
	_ =	sdelay $0x1  }
0x25f: {  	v4 =	vadd.f32 $-1.258291200e+07, v4;
	v3 =	vadd.f32 $-1.258291200e+07, v3  }
0x260: {  	vm6 =	vlt.f32 v49, $0.0e+00;
	vm7 =	vgt.f32 v49, $-1.000000000e+00  }
0x261: {  	vm0 =	vmand vm6, vm7;
	vm8 =	vge.f32 v4, $1.200000000e+02;
	vm9 =	vge.f32 v3, $1.280000000e+02  }
0x262: {  	vm10 =	vlt.f32 v4, $2.800000000e+02;
	v50 =	vmul.f32 $4.000000000e+02, v4;
	vm11 =	vge.f32 v4, $0.0e+00  }
0x263: {  	vm12 =	vge.f32 v3, $0.0e+00;
	vm13 =	vle.f32 v4, $3.990000000e+02;
	vm14 =	vlt.f32 v3, $2.720000000e+02  }
0x264: {  	vm1 =	vmneg vm8;
	vm2 =	vmneg vm9;
	vm3 =	vmneg vm10  }
0x265: {  	vm1 =	vmor vm1, vm2;
	vm2 =	vmand vm11, vm12;
	v51 =	vadd.f32 v50, v3  }
0x266: {  	vm15 =	vle.f32 v3, $3.990000000e+02;
	vm1 =	vmor vm1, vm3;
	vm2 =	vmand vm2, vm13  }
0x267: {  	vm3 =	vmneg vm14;
	vm2 =	vmand vm15, vm2;
	v3 =	vtrunc.f32 v51  }
0x268: {  	vm1 =	vmor vm3, vm1;
	vm0 =	vmand vm0, vm2;
	v3 =	vcvt.f32.s32 v3  }
0x269: {  	vm0 =	vmand vm1, vm0  }
0x26a: {  	v3 =	vnsel vm0, $0x27100, v3  }
0x26b: {  	[tilespmem:$0x3040] =	vst v3  }
0x26c: {  	v3 =	vld [tilespmem:s9+$0x1850]  }
0x26d: {  	v52 =	vld [tilespmem:s9+$0x2850];
	_ =	sdelay $0x4  }
0x26e: {  	v4 =	vmul.f32 v52, v0;
	v3 =	vmul.f32 v3, v0;
	_ =	sdelay $0x1  }
0x26f: {  	v53 =	vld [tilespmem:s9+$0x2050];
	v4 =	vadd.f32 $2.000000000e+02, v4;
	v3 =	vadd.f32 $2.000000000e+02, v3;
	_ =	sdelay $0x1  }
0x270: {  	v4 =	vadd.f32 $1.258291200e+07, v4;
	v3 =	vadd.f32 $1.258291200e+07, v3;
	_ =	sdelay $0x1  }
0x271: {  	v4 =	vadd.f32 $-1.258291200e+07, v4;
	v3 =	vadd.f32 $-1.258291200e+07, v3  }
0x272: {  	vm6 =	vlt.f32 v53, $0.0e+00;
	vm7 =	vgt.f32 v53, $-1.000000000e+00  }
0x273: {  	vm0 =	vmand vm6, vm7;
	vm8 =	vge.f32 v4, $1.200000000e+02;
	vm9 =	vge.f32 v3, $1.280000000e+02  }
0x274: {  	vm10 =	vlt.f32 v4, $2.800000000e+02;
	v54 =	vmul.f32 $4.000000000e+02, v4;
	vm11 =	vge.f32 v4, $0.0e+00  }
0x275: {  	vm12 =	vge.f32 v3, $0.0e+00;
	vm13 =	vle.f32 v4, $3.990000000e+02;
	vm14 =	vlt.f32 v3, $2.720000000e+02  }
0x276: {  	vm1 =	vmneg vm8;
	vm2 =	vmneg vm9;
	vm3 =	vmneg vm10  }
0x277: {  	vm1 =	vmor vm1, vm2;
	vm2 =	vmand vm11, vm12;
	v55 =	vadd.f32 v54, v3  }
0x278: {  	vm15 =	vle.f32 v3, $3.990000000e+02;
	vm1 =	vmor vm1, vm3;
	vm2 =	vmand vm2, vm13  }
0x279: {  	vm3 =	vmneg vm14;
	vm2 =	vmand vm15, vm2;
	v3 =	vtrunc.f32 v55  }
0x27a: {  	vm1 =	vmor vm3, vm1;
	vm0 =	vmand vm0, vm2;
	v3 =	vcvt.f32.s32 v3  }
0x27b: {  	vm0 =	vmand vm1, vm0  }
0x27c: {  	v3 =	vnsel vm0, $0x27100, v3  }
0x27d: {  	[tilespmem:$0x3050] =	vst v3  }
0x27e: {  	v3 =	vld [tilespmem:s9+$0x1860]  }
0x27f: {  	v56 =	vld [tilespmem:s9+$0x2860];
	_ =	sdelay $0x4  }
0x280: {  	v4 =	vmul.f32 v56, v0;
	v3 =	vmul.f32 v3, v0;
	_ =	sdelay $0x1  }
0x281: {  	v57 =	vld [tilespmem:s9+$0x2060];
	v4 =	vadd.f32 $2.000000000e+02, v4;
	v3 =	vadd.f32 $2.000000000e+02, v3;
	_ =	sdelay $0x1  }
0x282: {  	v4 =	vadd.f32 $1.258291200e+07, v4;
	v3 =	vadd.f32 $1.258291200e+07, v3;
	_ =	sdelay $0x1  }
0x283: {  	v4 =	vadd.f32 $-1.258291200e+07, v4;
	v3 =	vadd.f32 $-1.258291200e+07, v3  }
0x284: {  	vm6 =	vlt.f32 v57, $0.0e+00;
	vm7 =	vgt.f32 v57, $-1.000000000e+00  }
0x285: {  	vm0 =	vmand vm6, vm7;
	vm8 =	vge.f32 v4, $1.200000000e+02;
	vm9 =	vge.f32 v3, $1.280000000e+02  }
0x286: {  	vm10 =	vlt.f32 v4, $2.800000000e+02;
	v58 =	vmul.f32 $4.000000000e+02, v4;
	vm11 =	vge.f32 v4, $0.0e+00  }
0x287: {  	vm12 =	vge.f32 v3, $0.0e+00;
	vm13 =	vle.f32 v4, $3.990000000e+02;
	vm14 =	vlt.f32 v3, $2.720000000e+02  }
0x288: {  	vm1 =	vmneg vm8;
	vm2 =	vmneg vm9;
	vm3 =	vmneg vm10  }
0x289: {  	vm1 =	vmor vm1, vm2;
	vm2 =	vmand vm11, vm12;
	v59 =	vadd.f32 v58, v3  }
0x28a: {  	vm15 =	vle.f32 v3, $3.990000000e+02;
	vm1 =	vmor vm1, vm3;
	vm2 =	vmand vm2, vm13  }
0x28b: {  	vm3 =	vmneg vm14;
	vm2 =	vmand vm15, vm2;
	v3 =	vtrunc.f32 v59  }
0x28c: {  	vm1 =	vmor vm3, vm1;
	vm0 =	vmand vm0, vm2;
	v3 =	vcvt.f32.s32 v3  }
0x28d: {  	vm0 =	vmand vm1, vm0  }
0x28e: {  	v3 =	vnsel vm0, $0x27100, v3  }
0x28f: {  	[tilespmem:$0x3060] =	vst v3  }
0x290: {  	v3 =	vld [tilespmem:s9+$0x1870]  }
0x291: {  	v60 =	vld [tilespmem:s9+$0x2870];
	_ =	sdelay $0x4  }
0x292: {  	v4 =	vmul.f32 v60, v0;
	v3 =	vmul.f32 v3, v0;
	_ =	sdelay $0x1  }
0x293: {  	v61 =	vld [tilespmem:s9+$0x2070];
	v4 =	vadd.f32 $2.000000000e+02, v4;
	v3 =	vadd.f32 $2.000000000e+02, v3;
	_ =	sdelay $0x1  }
0x294: {  	v4 =	vadd.f32 $1.258291200e+07, v4;
	v3 =	vadd.f32 $1.258291200e+07, v3;
	_ =	sdelay $0x1  }
0x295: {  	v4 =	vadd.f32 $-1.258291200e+07, v4;
	v3 =	vadd.f32 $-1.258291200e+07, v3  }
0x296: {  	vm6 =	vlt.f32 v61, $0.0e+00;
	vm7 =	vgt.f32 v61, $-1.000000000e+00  }
0x297: {  	vm0 =	vmand vm6, vm7;
	vm8 =	vge.f32 v4, $1.200000000e+02;
	vm9 =	vge.f32 v3, $1.280000000e+02  }
0x298: {  	vm10 =	vlt.f32 v4, $2.800000000e+02;
	v62 =	vmul.f32 $4.000000000e+02, v4;
	vm11 =	vge.f32 v4, $0.0e+00  }
0x299: {  	vm12 =	vge.f32 v3, $0.0e+00;
	vm13 =	vle.f32 v4, $3.990000000e+02;
	vm14 =	vlt.f32 v3, $2.720000000e+02  }
0x29a: {  	vm1 =	vmneg vm8;
	vm2 =	vmneg vm9;
	vm3 =	vmneg vm10  }
0x29b: {  	vm1 =	vmor vm1, vm2;
	vm2 =	vmand vm11, vm12;
	v63 =	vadd.f32 v62, v3  }
0x29c: {  	vm15 =	vle.f32 v3, $3.990000000e+02;
	vm1 =	vmor vm1, vm3;
	vm2 =	vmand vm2, vm13  }
0x29d: {  	vm3 =	vmneg vm14;
	vm2 =	vmand vm15, vm2;
	v3 =	vtrunc.f32 v63  }
0x29e: {  	vm1 =	vmor vm3, vm1;
	vm0 =	vmand vm0, vm2;
	v3 =	vcvt.f32.s32 v3  }
0x29f: {  	vm0 =	vmand vm1, vm0  }
0x2a0: {  	p1 =	sne.s32 s8, $0x1E00;
	v3 =	vnsel vm0, $0x27100, v3  }
.Ltmp8:
0x2a1: {  	[tilespmem:$0x3070] =	vst v3;
	(pc) =	sbr.rel @p1 .LBB2_11-.Ltmp8, $4  }
0x2a2: {  	[spmem:s2] =	stream.indirect.scatter.add.f32 [tilespmem:s31], [sflag:$0x3], $0x1, s30, s29, $0xb8;
	[tilespmem:$0xD940] =	vst v63  }
0x2a3: {  	_ =	swait.ge [sflag:s21], $0x80  }
0x2a4: {  	[sflag:s21] =	ssyncset.done $0x0  }
0x2a5: {  	s8 =	sadd.s32 $0x200, s8;
	[sflag:s21] =	ssyncadd.s32 $0xFFFFFF80  }
.LBB2_12:
.Ltmp9:
0x2a6: {  	(pc) =	sbr.rel @p0 .LBB2_14-.Ltmp9, $1  }
0x2a7: {  	_ =	sdelay $0x3  }
0x2a8: {  	s7 =	sadd.s32 s7, s15  }
0x2a9: {  	s7 =	sshrl.u32 s7, $0x3  }
0x2aa: {  	s8 =	sadd.s32 s4, s7  }
0x2ab: {  	[tilespmem:s24], [sflag:$0x2] =	stream.linear.gather [hbm4b:s8+s3], $0x800, $0x38;
	[tilespmem:$0xD940] =	vst v63  }
.Ltmp10:
0x2ac: {  	_ = 	snop;
	(pc) =	sbr.rel .LBB2_4-.Ltmp10, $4  }
0x2ad: {  	s11 =	sadd.s32 s5, s7  }
0x2ae: {  	[tilespmem:s25], [sflag:$0x2] =	stream.linear.gather [hbm4b:s11+s3], $0x800, $0x38;
	[tilespmem:$0xD940] =	vst v63  }
0x2af: {  	s23 =	sadd.s32 $0x1, s23;
	s7 =	sadd.s32 s6, s7  }
0x2b0: {  	[tilespmem:s26], [sflag:$0x2] =	stream.linear.gather [hbm4b:s7+s3], $0x800, $0x38;
	[tilespmem:$0xD940] =	vst v63  }
.LBB2_15:
0x2b1: {  	_ =	sfence.sel $0x180000  }
0x2b2: {  	[bflag:$0x0] =	sbarrier.arrive $0xFFFF  }
0x2b3: {  	_ =	strace $0x90000047  }
0x2b4: {  	s0 =	stileid.u32;
	[bflag:$0x2] =	sbarrier.arrive $0xFFFF  }
0x2b5: {  	p0 =	sne.s32 s0, $0x0;
	s0 =	rddreg [dreg:$0x2]  }
0x2b6: {  	s0 =	sadd.s32 @!p0 $0x100000, s0  }
0x2b7: {  	[sflag:s0] =	ssyncadd.tile.s32 @!p0 $0x1;
	_ =	shalt  }
.Lfunc_end2:
_tile_overlayer_lowered:
.L_overlay_start_2:
0x2b8: {  	(tag) =	ssettag $0x2  }
0x2b9: {  	s0 =	rddreg [dreg:$0x0];
	s2 =	stileid.u32  }
0x2ba: {  	s1 =	rddreg [dreg:$0x1];
	p0 =	sne.s32 s2, $0x0  }
0x2bb: {  	s3 =	rddreg [dreg:$0x2];
	[bflag:$0x3] =	sbarrier.arrive $0xFFFF;
	s2 =	simm.s32 @!p0 $0x1C03  }
0x2bc: {  	[timem:s3], [sflag:s2] =	dma.local @!p0 [hbm:s0], s1  }
0x2bd: {  	s0 =	simm.s32 @!p0 $0x3  }
0x2be: {  	_ =	swait.ge @!p0 [sflag:s0], s1  }
0x2bf: {  	s1 =	ssub.s32 @!p0 $0x0, s1;
	[sflag:s0] =	ssyncset.done @!p0 $0x0  }
0x2c0: {  	[sflag:s0] =	ssyncadd.s32 @!p0 s1  }
0x2c1: {  	[bflag:$0x3] =	sbarrier.arrive $0xFFFF  }
0x2c2: {  	_ =	shalt  }

</sc_bundles>
